<compile_context>
chip_gen: v7x
topology: tpu7x:2x2x1
jax: 0.10.2.dev20260603
libtpu: 0.0.44.dev20260713+nightly
codegen_flags: <defaults>
</compile_context>

<pallas_src>
import functools

import jax
import jax.numpy as jnp
from jax import lax
from jax.experimental import pallas as pl
from jax.experimental.pallas import tpu as pltpu
from jax.experimental.pallas import tpu_sc as plsc

_B = 4
_C = 8
_E = 8
_OUT = 8
_H = 512
_W = 512
_NEG = -3.0e38

_H_SC = 512
_H_TC = _H - _H_SC
_SC_CHUNK = 8
_NW = 32



def _tc_body(gw_ref, gb_ref, ew_ref, eb_ref, x_ref, final_ref, logits_ref):
    xs = [x_ref[0, c] for c in range(_C)]

    xb = [v.astype(jnp.bfloat16).astype(jnp.float32) for v in xs]
    ls = []
    for c in range(_C):
        acc = jnp.full_like(xs[0], gb_ref[0, c])
        for k in range(_C):
            gwk = gw_ref[c, k].astype(jnp.bfloat16).astype(jnp.float32)
            acc = acc + gwk * xb[k]
        ls.append(acc)
        logits_ref[0, c] = acc

    m1 = ls[0]
    for c in range(1, _C):
        m1 = jnp.maximum(m1, ls[c])
    t1 = []
    found = None
    for c in range(_C):
        eq = ls[c] == m1
        if found is None:
            t1.append(eq)
            found = eq
        else:
            t1.append(eq & (~found))
            found = found | eq
    masked = [jnp.where(t1[c], _NEG, ls[c]) for c in range(_C)]
    m2 = masked[0]
    for c in range(1, _C):
        m2 = jnp.maximum(m2, masked[c])
    t2 = []
    found = None
    for c in range(_C):
        eq = masked[c] == m2
        if found is None:
            t2.append(eq)
            found = eq
        else:
            t2.append(eq & (~found))
            found = found | eq

    w2 = 1.0 / (1.0 + jnp.exp(m1 - m2))
    w1 = 1.0 - w2
    zero = jnp.zeros_like(w1)
    ce = [jnp.where(t1[c], w1, jnp.where(t2[c], w2, zero)) for c in range(_C)]

    xp = [v.astype(jnp.bfloat16) for v in xs]
    fin = [None] * _OUT
    for e in range(_E):
        for o in range(_OUT):
            y = ew_ref[e * _OUT + o, 0].astype(jnp.bfloat16) * xp[0]
            for k in range(1, _C):
                y = y + ew_ref[e * _OUT + o, k].astype(jnp.bfloat16) * xp[k]
            y = y + eb_ref[e, o].astype(jnp.bfloat16)
            contrib = ce[e] * y.astype(jnp.float32)
            fin[o] = contrib if fin[o] is None else fin[o] + contrib
    for o in range(_OUT):
        final_ref[0, o] = fin[o]


def _run_tc(x, gw, gb, ew, eb, h_rows, hb=32):
    B, C, H, W = x.shape
    grid = (B, h_rows // hb)
    smem = functools.partial(pl.BlockSpec, memory_space=pltpu.SMEM)
    out_shape = [
        jax.ShapeDtypeStruct((B, _OUT, h_rows, W), x.dtype),
        jax.ShapeDtypeStruct((B, C, h_rows, W), jnp.float32),
    ]
    f = pl.pallas_call(
        _tc_body,
        grid=grid,
        in_specs=[
            smem((C, C), lambda b, h: (0, 0)),
            smem((1, C), lambda b, h: (0, 0)),
            smem((_E * _OUT, C), lambda b, h: (0, 0)),
            smem((_E, _OUT), lambda b, h: (0, 0)),
            pl.BlockSpec((1, C, hb, W), lambda b, h: (b, 0, h, 0)),
        ],
        out_specs=[
            pl.BlockSpec((1, _OUT, hb, W), lambda b, h: (b, 0, h, 0)),
            pl.BlockSpec((1, C, hb, W), lambda b, h: (b, 0, h, 0)),
        ],
        out_shape=out_shape,
    )
    return f(gw, gb, ew, eb, x[:, :, :h_rows])


_EW_BASE = 1152
_EB_BASE = 1672
_WT_PAD = 1744


def _bf16_round(v):
    u = lax.bitcast_convert_type(v, jnp.uint32)
    r = u + jnp.uint32(0x7FFF) + ((u >> 16) & jnp.uint32(1))
    return lax.bitcast_convert_type(r & jnp.uint32(0xFFFF0000), jnp.float32)


def _sc_compute16(wt, gws, gbs, xs):
    xr = [_bf16_round(v) for v in xs]
    ls = []
    for c in range(_C):
        acc = gbs[c]
        for k in range(_C):
            acc = acc + gws[c * _C + k] * xr[k]
        ls.append(acc)

    m1 = ls[0]
    for c in range(1, _C):
        m1 = jnp.maximum(m1, ls[c])
    t1 = []
    found = None
    for c in range(_C):
        eq = ls[c] == m1
        if found is None:
            t1.append(eq)
            found = eq
        else:
            t1.append(eq & (~found))
            found = found | eq
    masked = [jnp.where(t1[c], _NEG, ls[c]) for c in range(_C)]
    m2 = masked[0]
    for c in range(1, _C):
        m2 = jnp.maximum(m2, masked[c])
    t2 = []
    found = None
    for c in range(_C):
        eq = masked[c] == m2
        if found is None:
            t2.append(eq)
            found = eq
        else:
            t2.append(eq & (~found))
            found = found | eq

    w2 = 1.0 / (1.0 + jnp.exp(m1 - m2))
    w1 = 1.0 - w2

    zi = jnp.zeros((16,), jnp.int32)
    e1 = zi
    e2 = zi
    for c in range(1, _C):
        e1 = e1 + jnp.where(t1[c], jnp.int32(c), zi)
        e2 = e2 + jnp.where(t2[c], jnp.int32(c), zi)
    e1x65 = lax.shift_left(e1, 6) + e1
    e2x65 = lax.shift_left(e2, 6) + e2
    e1x9 = lax.shift_left(e1, 3) + e1
    e2x9 = lax.shift_left(e2, 3) + e2

    fin = []
    for o in range(_OUT):
        a1 = plsc.load_gather(wt, [e1x9 + jnp.int32(_EB_BASE + o)])
        a2 = plsc.load_gather(wt, [e2x9 + jnp.int32(_EB_BASE + o)])
        for k in range(_C):
            g1 = plsc.load_gather(wt, [e1x65 + jnp.int32(_EW_BASE + o * 8 + k)])
            g2 = plsc.load_gather(wt, [e2x65 + jnp.int32(_EW_BASE + o * 8 + k)])
            a1 = a1 + g1 * xs[k]
            a2 = a2 + g2 * xs[k]
        fin.append(w1 * a1 + w2 * a2)
    return ls, fin


def _make_sc(h_sc, h0):
    rows_total = _B * h_sc
    rpw = rows_total // _NW
    ch = min(_SC_CHUNK, rpw)
    nchunks = rpw // ch
    npix = ch * _W
    mesh = plsc.VectorSubcoreMesh(core_axis_name="c", subcore_axis_name="s")

    @functools.partial(
        pl.kernel,
        out_type=[
            jax.ShapeDtypeStruct((_B, _OUT, h_sc * _W), jnp.float32),
            jax.ShapeDtypeStruct((_B, _C, h_sc * _W), jnp.float32),
        ],
        mesh=mesh,
        compiler_params=pltpu.CompilerParams(needs_layout_passes=False),
        scratch_types=[
            pltpu.VMEM((_WT_PAD,), jnp.float32),
            pltpu.VMEM((_C, npix), jnp.float32),
            pltpu.VMEM((_OUT, npix), jnp.float32),
            pltpu.VMEM((_C, npix), jnp.float32),
        ],
    )
    def sc_kernel(x_hbm, wt_hbm, fin_hbm, log_hbm, wt, xb, fb, lb):
        wid = lax.axis_index("s") * 2 + lax.axis_index("c")
        pltpu.sync_copy(wt_hbm, wt)
        gws = [wt[pl.ds(i * 16, 16)] for i in range(64)]
        gbs = [wt[pl.ds(1024 + c * 16, 16)] for c in range(_C)]

        def chunk_body(chunk, carry):
            grow = wid * rpw + chunk * ch
            b = grow // h_sc
            r = grow % h_sc
            pltpu.sync_copy(x_hbm.at[b, :, pl.ds((h0 + r) * _W, npix)], xb)

            def body(i, c2):
                off = i * 16
                xs = [xb[k, pl.ds(off, 16)] for k in range(_C)]
                ls, fin = _sc_compute16(wt, gws, gbs, xs)
                for c in range(_C):
                    lb[c, pl.ds(off, 16)] = ls[c]
                for o in range(_OUT):
                    fb[o, pl.ds(off, 16)] = fin[o]
                return c2

            lax.fori_loop(0, npix // 16, body, 0)
            pltpu.sync_copy(fb, fin_hbm.at[b, :, pl.ds(r * _W, npix)])
            pltpu.sync_copy(lb, log_hbm.at[b, :, pl.ds(r * _W, npix)])
            return carry

        lax.fori_loop(0, nchunks, chunk_body, 0)

    return sc_kernel


def _pack_weights(gw, gb, ew, eb):
    gw_s = jnp.repeat(_bf16_round(gw.reshape(-1)), 16)
    gb_s = jnp.repeat(gb.reshape(-1), 16)
    ew_p = jnp.pad(ew.reshape(_E, _OUT * _C), ((0, 0), (0, 1))).reshape(-1)
    eb_p = jnp.pad(eb, ((0, 0), (0, 1))).reshape(-1)
    return jnp.concatenate([gw_s, gb_s, ew_p, eb_p])


@jax.jit
def _run(x, gw, gb, ew, eb):
    outs = []
    if _H_TC > 0:
        outs.append(_run_tc(x, gw, gb, ew, eb, _H_TC))
    if _H_SC > 0:
        wt = _pack_weights(gw, gb, ew, eb)
        sc = _make_sc(_H_SC, _H_TC)
        B, C, H, W = x.shape
        fin_sc, log_sc = sc(x.reshape(B, C, H * W), wt)
        fin_sc = fin_sc.reshape(B, _OUT, _H_SC, W)
        log_sc = log_sc.reshape(B, C, _H_SC, W)
        outs.append((fin_sc, log_sc))
    if len(outs) == 1:
        return outs[0]
    fin = jnp.concatenate([outs[0][0], outs[1][0]], axis=2)
    log = jnp.concatenate([outs[0][1], outs[1][1]], axis=2)
    return fin, log


def kernel(x, gate_w, gate_b, expert_w, expert_b):
    gw = gate_w.reshape(_C, _C)
    gb = gate_b.reshape(1, _C)
    ew = expert_w.reshape(_E * _OUT, _C)
    eb = expert_b.reshape(_E, _OUT)
    final, logits = _run(x, gw, gb, ew, eb)
    return (final, logits)

# --- scband reference (transcript-rebuilt; emitter-appended) ---
"""Pipeline reference for scband-sparse-moeconv-35845797053215 (READ-ONLY COPY).

The authoritative reference and input builder live on the scoring server;
editing this copy changes nothing except your own understanding.
"""

import jax, jax.numpy as jnp
import numpy as np
from jax import lax

B, C, H, W = 4, 8, 512, 512
OUT = 8
E = 8
KS = 1
TOPK = 2


def _conv(x, w, b):
    y = lax.conv_general_dilated(x, w, window_strides=(1, 1), padding='SAME',
                                 dimension_numbers=('NCHW', 'OIHW', 'NCHW'))
    return y + b[None, :, None, None]


def setup_inputs(seed: int = 0) -> dict:
    key = jax.random.key(seed)
    ks = jax.random.split(key, 5)
    x = jax.random.normal(ks[0], (B, C, H, W), dtype=jnp.float32)
    gate_w = jax.random.normal(ks[1], (C, C, 1, 1), dtype=jnp.float32) / np.sqrt(C)
    gate_b = jax.random.normal(ks[2], (C,), dtype=jnp.float32) * 0.01
    expert_w = jax.random.normal(ks[3], (E, OUT, C, KS, KS), dtype=jnp.float32) / np.sqrt(C * KS * KS)
    expert_b = jax.random.normal(ks[4], (E, OUT), dtype=jnp.float32) * 0.01
    return {'x': x, 'gate_w': gate_w, 'gate_b': gate_b, 'expert_w': expert_w, 'expert_b': expert_b}


def reference(x, gate_w, gate_b, expert_w, expert_b):
    b_, c, h, w = x.shape
    # MOERouter
    router_logits = _conv(x, gate_w, gate_b)                      # [B, C, H, W]
    router_probs = jax.nn.softmax(router_logits.astype(jnp.float32), axis=1)
    probs_t = jnp.transpose(router_probs, (0, 2, 3, 1))           # [B, H, W, C]
    rw, idx = lax.top_k(probs_t, TOPK)                            # [B, H, W, k] (descending, like torch.topk)
    router_weights = jnp.transpose(rw, (0, 3, 1, 2))              # [B, k, H, W]
    select_idx = jnp.transpose(idx, (0, 3, 1, 2))                 # [B, k, H, W]
    router_weights = router_weights / jnp.sum(router_weights, axis=1, keepdims=True)
    router_weights = router_weights.astype(x.dtype)
    expert_mask = jax.nn.one_hot(select_idx, E, dtype=x.dtype)    # [B, k, H, W, E]
    expert_mask = jnp.transpose(expert_mask, (4, 1, 0, 2, 3)).reshape(E, TOPK, -1)  # [E, k, B*H*W]
    # SparseMOEConv expert loop
    final = jnp.zeros((b_, OUT, h, w), dtype=x.dtype)
    for e in range(E):
        for t in range(TOPK):
            current_mask = expert_mask[e, t].reshape(b_, 1, h, w)     # per-pixel 0/1 routing mask
            current_weight = router_weights[:, t][:, None]            # [B, 1, H, W]
            hs = _conv(x, expert_w[e], expert_b[e]) * current_mask    # MaskConv2d: conv then mask
            final = final + hs * current_weight
    return (final, router_logits)

if __name__ == "__main__":
    import jax
    _d = setup_inputs()
    print(jax.jit(kernel)(*tuple(_d.values())))

</pallas_src>

<mosaic_0001>
#map = affine_map<(d0, d1) -> (0, 0, 0)>
#map1 = affine_map<(d0, d1) -> (0)>
module attributes {stable_mosaic.version = 14 : i64} {
  func.func @sc_kernel(%arg0: i32, %arg1: i32, %arg2: memref<4x8x262144xf32, #tpu.memory_space<hbm>>, %arg3: memref<1744xf32, #tpu.memory_space<hbm>>, %arg4: memref<4x8x262144xf32, #tpu.memory_space<hbm>>, %arg5: memref<4x8x262144xf32, #tpu.memory_space<hbm>>, %arg6: memref<1744xf32, #tpu.memory_space<vmem>>, %arg7: memref<8x4096xf32, #tpu.memory_space<vmem>>, %arg8: memref<8x4096xf32, #tpu.memory_space<vmem>>, %arg9: memref<8x4096xf32, #tpu.memory_space<vmem>>) attributes {dimension_semantics = [#tpu.dimension_semantics<core_parallel>, #tpu.dimension_semantics<subcore_parallel>], iteration_bounds = array<i64: 2, 16>, scalar_prefetch = 0 : i64, scratch_operands = 4 : i64, tpu.core_type = #tpu.core_type<sc_vector_subcore>, window_params = [{transform_indices = #map}, {transform_indices = #map1}, {transform_indices = #map}, {transform_indices = #map}]} {
    %mul3A = arith.constant 2 : i32
    %mul3A_0 = arith.muli %arg1, %mul3A : i32
    %add3A = arith.addi %mul3A_0, %arg0 : i32
    "tpu.region"() ({
      %run_scoped3A = tpu.sem_alloc : memref<!tpu.dma_semaphore, #tpu.memory_space<semaphore_mem>>
      tpu.enqueue_dma source(%arg3 : memref<1744xf32, #tpu.memory_space<hbm>>) target(%arg6 : memref<1744xf32, #tpu.memory_space<vmem>>) target_semaphore(%run_scoped3A : memref<!tpu.dma_semaphore, #tpu.memory_space<semaphore_mem>>)
      tpu.wait_dma2 semaphore(%run_scoped3A : memref<!tpu.dma_semaphore, #tpu.memory_space<semaphore_mem>>) src(%arg3 : memref<1744xf32, #tpu.memory_space<hbm>>) dst(%arg6 : memref<1744xf32, #tpu.memory_space<vmem>>)
      tpu.yield
    }) : () -> ()
    %get3A = arith.constant 0 : index
    %get3A_1 = tpu.vector_load %arg6[%get3A] {strides = array<i32>} : memref<1744xf32, #tpu.memory_space<vmem>>, vector<16xf32>,
    %get3A_2 = arith.constant 16 : index
    %get3A_3 = tpu.vector_load %arg6[%get3A_2] {strides = array<i32>} : memref<1744xf32, #tpu.memory_space<vmem>>, vector<16xf32>,
    %get3A_4 = arith.constant 32 : index
    %get3A_5 = tpu.vector_load %arg6[%get3A_4] {strides = array<i32>} : memref<1744xf32, #tpu.memory_space<vmem>>, vector<16xf32>,
    %get3A_6 = arith.constant 48 : index
    %get3A_7 = tpu.vector_load %arg6[%get3A_6] {strides = array<i32>} : memref<1744xf32, #tpu.memory_space<vmem>>, vector<16xf32>,
    %get3A_8 = arith.constant 64 : index
    %get3A_9 = tpu.vector_load %arg6[%get3A_8] {strides = array<i32>} : memref<1744xf32, #tpu.memory_space<vmem>>, vector<16xf32>,
    %get3A_10 = arith.constant 80 : index
    %get3A_11 = tpu.vector_load %arg6[%get3A_10] {strides = array<i32>} : memref<1744xf32, #tpu.memory_space<vmem>>, vector<16xf32>,
    %get3A_12 = arith.constant 96 : index
    %get3A_13 = tpu.vector_load %arg6[%get3A_12] {strides = array<i32>} : memref<1744xf32, #tpu.memory_space<vmem>>, vector<16xf32>,
    %get3A_14 = arith.constant 112 : index
    %get3A_15 = tpu.vector_load %arg6[%get3A_14] {strides = array<i32>} : memref<1744xf32, #tpu.memory_space<vmem>>, vector<16xf32>,
    %get3A_16 = arith.constant 128 : index
    %get3A_17 = tpu.vector_load %arg6[%get3A_16] {strides = array<i32>} : memref<1744xf32, #tpu.memory_space<vmem>>, vector<16xf32>,
    %get3A_18 = arith.constant 144 : index
    %get3A_19 = tpu.vector_load %arg6[%get3A_18] {strides = array<i32>} : memref<1744xf32, #tpu.memory_space<vmem>>, vector<16xf32>,
    %get3A_20 = arith.constant 160 : index
    %get3A_21 = tpu.vector_load %arg6[%get3A_20] {strides = array<i32>} : memref<1744xf32, #tpu.memory_space<vmem>>, vector<16xf32>,
    %get3A_22 = arith.constant 176 : index
    %get3A_23 = tpu.vector_load %arg6[%get3A_22] {strides = array<i32>} : memref<1744xf32, #tpu.memory_space<vmem>>, vector<16xf32>,
    %get3A_24 = arith.constant 192 : index
    %get3A_25 = tpu.vector_load %arg6[%get3A_24] {strides = array<i32>} : memref<1744xf32, #tpu.memory_space<vmem>>, vector<16xf32>,
    %get3A_26 = arith.constant 208 : index
    %get3A_27 = tpu.vector_load %arg6[%get3A_26] {strides = array<i32>} : memref<1744xf32, #tpu.memory_space<vmem>>, vector<16xf32>,
    %get3A_28 = arith.constant 224 : index
    %get3A_29 = tpu.vector_load %arg6[%get3A_28] {strides = array<i32>} : memref<1744xf32, #tpu.memory_space<vmem>>, vector<16xf32>,
    %get3A_30 = arith.constant 240 : index
    %get3A_31 = tpu.vector_load %arg6[%get3A_30] {strides = array<i32>} : memref<1744xf32, #tpu.memory_space<vmem>>, vector<16xf32>,
    %get3A_32 = arith.constant 256 : index
    %get3A_33 = tpu.vector_load %arg6[%get3A_32] {strides = array<i32>} : memref<1744xf32, #tpu.memory_space<vmem>>, vector<16xf32>,
    %get3A_34 = arith.constant 272 : index
    %get3A_35 = tpu.vector_load %arg6[%get3A_34] {strides = array<i32>} : memref<1744xf32, #tpu.memory_space<vmem>>, vector<16xf32>,
    %get3A_36 = arith.constant 288 : index
    %get3A_37 = tpu.vector_load %arg6[%get3A_36] {strides = array<i32>} : memref<1744xf32, #tpu.memory_space<vmem>>, vector<16xf32>,
    %get3A_38 = arith.constant 304 : index
    %get3A_39 = tpu.vector_load %arg6[%get3A_38] {strides = array<i32>} : memref<1744xf32, #tpu.memory_space<vmem>>, vector<16xf32>,
    %get3A_40 = arith.constant 320 : index
    %get3A_41 = tpu.vector_load %arg6[%get3A_40] {strides = array<i32>} : memref<1744xf32, #tpu.memory_space<vmem>>, vector<16xf32>,
    %get3A_42 = arith.constant 336 : index
    %get3A_43 = tpu.vector_load %arg6[%get3A_42] {strides = array<i32>} : memref<1744xf32, #tpu.memory_space<vmem>>, vector<16xf32>,
    %get3A_44 = arith.constant 352 : index
    %get3A_45 = tpu.vector_load %arg6[%get3A_44] {strides = array<i32>} : memref<1744xf32, #tpu.memory_space<vmem>>, vector<16xf32>,
    %get3A_46 = arith.constant 368 : index
    %get3A_47 = tpu.vector_load %arg6[%get3A_46] {strides = array<i32>} : memref<1744xf32, #tpu.memory_space<vmem>>, vector<16xf32>,
    %get3A_48 = arith.constant 384 : index
    %get3A_49 = tpu.vector_load %arg6[%get3A_48] {strides = array<i32>} : memref<1744xf32, #tpu.memory_space<vmem>>, vector<16xf32>,
    %get3A_50 = arith.constant 400 : index
    %get3A_51 = tpu.vector_load %arg6[%get3A_50] {strides = array<i32>} : memref<1744xf32, #tpu.memory_space<vmem>>, vector<16xf32>,
    %get3A_52 = arith.constant 416 : index
    %get3A_53 = tpu.vector_load %arg6[%get3A_52] {strides = array<i32>} : memref<1744xf32, #tpu.memory_space<vmem>>, vector<16xf32>,
    %get3A_54 = arith.constant 432 : index
    %get3A_55 = tpu.vector_load %arg6[%get3A_54] {strides = array<i32>} : memref<1744xf32, #tpu.memory_space<vmem>>, vector<16xf32>,
    %get3A_56 = arith.constant 448 : index
    %get3A_57 = tpu.vector_load %arg6[%get3A_56] {strides = array<i32>} : memref<1744xf32, #tpu.memory_space<vmem>>, vector<16xf32>,
    %get3A_58 = arith.constant 464 : index
    %get3A_59 = tpu.vector_load %arg6[%get3A_58] {strides = array<i32>} : memref<1744xf32, #tpu.memory_space<vmem>>, vector<16xf32>,
    %get3A_60 = arith.constant 480 : index
    %get3A_61 = tpu.vector_load %arg6[%get3A_60] {strides = array<i32>} : memref<1744xf32, #tpu.memory_space<vmem>>, vector<16xf32>,
    %get3A_62 = arith.constant 496 : index
    %get3A_63 = tpu.vector_load %arg6[%get3A_62] {strides = array<i32>} : memref<1744xf32, #tpu.memory_space<vmem>>, vector<16xf32>,
    %get3A_64 = arith.constant 512 : index
    %get3A_65 = tpu.vector_load %arg6[%get3A_64] {strides = array<i32>} : memref<1744xf32, #tpu.memory_space<vmem>>, vector<16xf32>,
    %get3A_66 = arith.constant 528 : index
    %get3A_67 = tpu.vector_load %arg6[%get3A_66] {strides = array<i32>} : memref<1744xf32, #tpu.memory_space<vmem>>, vector<16xf32>,
    %get3A_68 = arith.constant 544 : index
    %get3A_69 = tpu.vector_load %arg6[%get3A_68] {strides = array<i32>} : memref<1744xf32, #tpu.memory_space<vmem>>, vector<16xf32>,
    %get3A_70 = arith.constant 560 : index
    %get3A_71 = tpu.vector_load %arg6[%get3A_70] {strides = array<i32>} : memref<1744xf32, #tpu.memory_space<vmem>>, vector<16xf32>,
    %get3A_72 = arith.constant 576 : index
    %get3A_73 = tpu.vector_load %arg6[%get3A_72] {strides = array<i32>} : memref<1744xf32, #tpu.memory_space<vmem>>, vector<16xf32>,
    %get3A_74 = arith.constant 592 : index
    %get3A_75 = tpu.vector_load %arg6[%get3A_74] {strides = array<i32>} : memref<1744xf32, #tpu.memory_space<vmem>>, vector<16xf32>,
    %get3A_76 = arith.constant 608 : index
    %get3A_77 = tpu.vector_load %arg6[%get3A_76] {strides = array<i32>} : memref<1744xf32, #tpu.memory_space<vmem>>, vector<16xf32>,
    %get3A_78 = arith.constant 624 : index
    %get3A_79 = tpu.vector_load %arg6[%get3A_78] {strides = array<i32>} : memref<1744xf32, #tpu.memory_space<vmem>>, vector<16xf32>,
    %get3A_80 = arith.constant 640 : index
    %get3A_81 = tpu.vector_load %arg6[%get3A_80] {strides = array<i32>} : memref<1744xf32, #tpu.memory_space<vmem>>, vector<16xf32>,
    %get3A_82 = arith.constant 656 : index
    %get3A_83 = tpu.vector_load %arg6[%get3A_82] {strides = array<i32>} : memref<1744xf32, #tpu.memory_space<vmem>>, vector<16xf32>,
    %get3A_84 = arith.constant 672 : index
    %get3A_85 = tpu.vector_load %arg6[%get3A_84] {strides = array<i32>} : memref<1744xf32, #tpu.memory_space<vmem>>, vector<16xf32>,
    %get3A_86 = arith.constant 688 : index
    %get3A_87 = tpu.vector_load %arg6[%get3A_86] {strides = array<i32>} : memref<1744xf32, #tpu.memory_space<vmem>>, vector<16xf32>,
    %get3A_88 = arith.constant 704 : index
    %get3A_89 = tpu.vector_load %arg6[%get3A_88] {strides = array<i32>} : memref<1744xf32, #tpu.memory_space<vmem>>, vector<16xf32>,
    %get3A_90 = arith.constant 720 : index
    %get3A_91 = tpu.vector_load %arg6[%get3A_90] {strides = array<i32>} : memref<1744xf32, #tpu.memory_space<vmem>>, vector<16xf32>,
    %get3A_92 = arith.constant 736 : index
    %get3A_93 = tpu.vector_load %arg6[%get3A_92] {strides = array<i32>} : memref<1744xf32, #tpu.memory_space<vmem>>, vector<16xf32>,
    %get3A_94 = arith.constant 752 : index
    %get3A_95 = tpu.vector_load %arg6[%get3A_94] {strides = array<i32>} : memref<1744xf32, #tpu.memory_space<vmem>>, vector<16xf32>,
    %get3A_96 = arith.constant 768 : index
    %get3A_97 = tpu.vector_load %arg6[%get3A_96] {strides = array<i32>} : memref<1744xf32, #tpu.memory_space<vmem>>, vector<16xf32>,
    %get3A_98 = arith.constant 784 : index
    %get3A_99 = tpu.vector_load %arg6[%get3A_98] {strides = array<i32>} : memref<1744xf32, #tpu.memory_space<vmem>>, vector<16xf32>,
    %get3A_100 = arith.constant 800 : index
    %get3A_101 = tpu.vector_load %arg6[%get3A_100] {strides = array<i32>} : memref<1744xf32, #tpu.memory_space<vmem>>, vector<16xf32>,
    %get3A_102 = arith.constant 816 : index
    %get3A_103 = tpu.vector_load %arg6[%get3A_102] {strides = array<i32>} : memref<1744xf32, #tpu.memory_space<vmem>>, vector<16xf32>,
    %get3A_104 = arith.constant 832 : index
    %get3A_105 = tpu.vector_load %arg6[%get3A_104] {strides = array<i32>} : memref<1744xf32, #tpu.memory_space<vmem>>, vector<16xf32>,
    %get3A_106 = arith.constant 848 : index
    %get3A_107 = tpu.vector_load %arg6[%get3A_106] {strides = array<i32>} : memref<1744xf32, #tpu.memory_space<vmem>>, vector<16xf32>,
    %get3A_108 = arith.constant 864 : index
    %get3A_109 = tpu.vector_load %arg6[%get3A_108] {strides = array<i32>} : memref<1744xf32, #tpu.memory_space<vmem>>, vector<16xf32>,
    %get3A_110 = arith.constant 880 : index
    %get3A_111 = tpu.vector_load %arg6[%get3A_110] {strides = array<i32>} : memref<1744xf32, #tpu.memory_space<vmem>>, vector<16xf32>,
    %get3A_112 = arith.constant 896 : index
    %get3A_113 = tpu.vector_load %arg6[%get3A_112] {strides = array<i32>} : memref<1744xf32, #tpu.memory_space<vmem>>, vector<16xf32>,
    %get3A_114 = arith.constant 912 : index
    %get3A_115 = tpu.vector_load %arg6[%get3A_114] {strides = array<i32>} : memref<1744xf32, #tpu.memory_space<vmem>>, vector<16xf32>,
    %get3A_116 = arith.constant 928 : index
    %get3A_117 = tpu.vector_load %arg6[%get3A_116] {strides = array<i32>} : memref<1744xf32, #tpu.memory_space<vmem>>, vector<16xf32>,
    %get3A_118 = arith.constant 944 : index
    %get3A_119 = tpu.vector_load %arg6[%get3A_118] {strides = array<i32>} : memref<1744xf32, #tpu.memory_space<vmem>>, vector<16xf32>,
    %get3A_120 = arith.constant 960 : index
    %get3A_121 = tpu.vector_load %arg6[%get3A_120] {strides = array<i32>} : memref<1744xf32, #tpu.memory_space<vmem>>, vector<16xf32>,
    %get3A_122 = arith.constant 976 : index
    %get3A_123 = tpu.vector_load %arg6[%get3A_122] {strides = array<i32>} : memref<1744xf32, #tpu.memory_space<vmem>>, vector<16xf32>,
    %get3A_124 = arith.constant 992 : index
    %get3A_125 = tpu.vector_load %arg6[%get3A_124] {strides = array<i32>} : memref<1744xf32, #tpu.memory_space<vmem>>, vector<16xf32>,
    %get3A_126 = arith.constant 1008 : index
    %get3A_127 = tpu.vector_load %arg6[%get3A_126] {strides = array<i32>} : memref<1744xf32, #tpu.memory_space<vmem>>, vector<16xf32>,
    %get3A_128 = arith.constant 1024 : index
    %get3A_129 = tpu.vector_load %arg6[%get3A_128] {strides = array<i32>} : memref<1744xf32, #tpu.memory_space<vmem>>, vector<16xf32>,
    %get3A_130 = arith.constant 1040 : index
    %get3A_131 = tpu.vector_load %arg6[%get3A_130] {strides = array<i32>} : memref<1744xf32, #tpu.memory_space<vmem>>, vector<16xf32>,
    %get3A_132 = arith.constant 1056 : index
    %get3A_133 = tpu.vector_load %arg6[%get3A_132] {strides = array<i32>} : memref<1744xf32, #tpu.memory_space<vmem>>, vector<16xf32>,
    %get3A_134 = arith.constant 1072 : index
    %get3A_135 = tpu.vector_load %arg6[%get3A_134] {strides = array<i32>} : memref<1744xf32, #tpu.memory_space<vmem>>, vector<16xf32>,
    %get3A_136 = arith.constant 1088 : index
    %get3A_137 = tpu.vector_load %arg6[%get3A_136] {strides = array<i32>} : memref<1744xf32, #tpu.memory_space<vmem>>, vector<16xf32>,
    %get3A_138 = arith.constant 1104 : index
    %get3A_139 = tpu.vector_load %arg6[%get3A_138] {strides = array<i32>} : memref<1744xf32, #tpu.memory_space<vmem>>, vector<16xf32>,
    %get3A_140 = arith.constant 1120 : index
    %get3A_141 = tpu.vector_load %arg6[%get3A_140] {strides = array<i32>} : memref<1744xf32, #tpu.memory_space<vmem>>, vector<16xf32>,
    %get3A_142 = arith.constant 1136 : index
    %get3A_143 = tpu.vector_load %arg6[%get3A_142] {strides = array<i32>} : memref<1744xf32, #tpu.memory_space<vmem>>, vector<16xf32>,
    %scan3A = arith.constant 0 : i32
    %scan3A_144 = arith.constant 0 : i32
    %scan3A_145 = arith.constant 8 : i32
    %scan3A_146 = arith.addi %scan3A_144, %scan3A_145 : i32
    %scan3A_147 = arith.constant 1 : i32
    scf.for %scan3A_149 = %scan3A_144 to %scan3A_146 step %scan3A_147  : i32 {
      %mul3A_150 = arith.constant 64 : i32
      %mul3A_151 = arith.muli %add3A, %mul3A_150 : i32
      %mul3A_152 = arith.constant 8 : i32
      %mul3A_153 = arith.muli %scan3A_149, %mul3A_152 : i32
      %add3A_154 = arith.addi %mul3A_151, %mul3A_153 : i32
      %jit3A = arith.constant 512 : i32
      %div3A = arith.divsi %add3A_154, %jit3A : i32
      %sign3A = arith.constant 0 : i32
      %sign3A_155 = arith.cmpi sgt, %add3A_154, %sign3A : i32
      %sign3A_156 = arith.extui %sign3A_155 : i1 to i32
      %sign3A_157 = arith.constant 0 : i32
      %sign3A_158 = arith.cmpi slt, %add3A_154, %sign3A_157 : i32
      %sign3A_159 = arith.extui %sign3A_158 : i1 to i32
      %sign3A_160 = arith.subi %sign3A_156, %sign3A_159 : i32
      %sign3A_161 = arith.constant 0 : i32
      %sign3A_162 = arith.cmpi sgt, %jit3A, %sign3A_161 : i32
      %sign3A_163 = arith.extui %sign3A_162 : i1 to i32
      %sign3A_164 = arith.constant 0 : i32
      %sign3A_165 = arith.cmpi slt, %jit3A, %sign3A_164 : i32
      %sign3A_166 = arith.extui %sign3A_165 : i1 to i32
      %sign3A_167 = arith.subi %sign3A_163, %sign3A_166 : i32
      %ne3A = arith.cmpi ne, %sign3A_160, %sign3A_167 : i32
      %rem3A = arith.remsi %add3A_154, %jit3A : i32
      %ne3A_168 = arith.constant 0 : i32
      %ne3A_169 = arith.cmpi ne, %rem3A, %ne3A_168 : i32
      %and3A = arith.andi %ne3A, %ne3A_169 : i1
      %sub3A = arith.constant 1 : i32
      %sub3A_170 = arith.subi %div3A, %sub3A : i32
      %select_n3A = arith.select %and3A, %sub3A_170, %div3A : i32
      %jit3A_171 = arith.constant 512 : i32
      %eq3A = arith.constant 0 : i32
      %eq3A_172 = arith.cmpi eq, %jit3A_171, %eq3A : i32
      %jit3A_173 = arith.constant 1 : i32
      %select_n3A_174 = arith.select %eq3A_172, %jit3A_173, %jit3A_171 : i32
      %rem3A_175 = arith.remsi %add3A_154, %select_n3A_174 : i32
      %ne3A_176 = arith.constant 0 : i32
      %ne3A_177 = arith.cmpi ne, %rem3A_175, %ne3A_176 : i32
      %lt3A = arith.constant 0 : i32
      %lt3A_178 = arith.cmpi slt, %rem3A_175, %lt3A : i32
      %lt3A_179 = arith.constant 0 : i32
      %lt3A_180 = arith.cmpi slt, %select_n3A_174, %lt3A_179 : i32
      %ne3A_181 = arith.xori %lt3A_178, %lt3A_180 : i1
      %and3A_182 = arith.andi %ne3A_181, %ne3A_177 : i1
      %add3A_183 = arith.addi %rem3A_175, %select_n3A_174 : i32
      %select_n3A_184 = arith.select %and3A_182, %add3A_183, %rem3A_175 : i32
      %add3A_185 = arith.constant 0 : i32
      %add3A_186 = arith.addi %add3A_185, %select_n3A_184 : i32
      %mul3A_187 = arith.constant 512 : i32
      %mul3A_188 = arith.muli %add3A_186, %mul3A_187 : i32
      "tpu.region"() ({
        %run_scoped3A = tpu.sem_alloc : memref<!tpu.dma_semaphore, #tpu.memory_space<semaphore_mem>>
        %dma_start3A = arith.constant 0 : i32
        %dma_start3A_199 = tpu.memref_slice %arg2[%select_n3A, %dma_start3A, %mul3A_188] : memref<4x8x262144xf32, #tpu.memory_space<hbm>> -> memref<1x8x4096xf32, #tpu.memory_space<hbm>>
        %dma_start3A_200 = tpu.memref_squeeze %dma_start3A_199 : memref<1x8x4096xf32, #tpu.memory_space<hbm>> -> memref<8x4096xf32, #tpu.memory_space<hbm>>
        %dma_start3A_201 = arith.constant 0 : i32
        %dma_start3A_202 = tpu.memref_slice %arg2[%select_n3A, %dma_start3A_201, %mul3A_188] : memref<4x8x262144xf32, #tpu.memory_space<hbm>> -> memref<1x8x4096xf32, #tpu.memory_space<hbm>>
        %dma_start3A_203 = tpu.memref_squeeze %dma_start3A_202 : memref<1x8x4096xf32, #tpu.memory_space<hbm>> -> memref<8x4096xf32, #tpu.memory_space<hbm>>
        tpu.enqueue_dma source(%dma_start3A_203 : memref<8x4096xf32, #tpu.memory_space<hbm>>) target(%arg7 : memref<8x4096xf32, #tpu.memory_space<vmem>>) target_semaphore(%run_scoped3A : memref<!tpu.dma_semaphore, #tpu.memory_space<semaphore_mem>>)
        %dma_wait3A = arith.constant 0 : i32
        %dma_wait3A_204 = tpu.memref_slice %arg2[%select_n3A, %dma_wait3A, %mul3A_188] : memref<4x8x262144xf32, #tpu.memory_space<hbm>> -> memref<1x8x4096xf32, #tpu.memory_space<hbm>>
        %dma_wait3A_205 = tpu.memref_squeeze %dma_wait3A_204 : memref<1x8x4096xf32, #tpu.memory_space<hbm>> -> memref<8x4096xf32, #tpu.memory_space<hbm>>
        %dma_wait3A_206 = arith.constant 0 : i32
        %dma_wait3A_207 = tpu.memref_slice %arg2[%select_n3A, %dma_wait3A_206, %mul3A_188] : memref<4x8x262144xf32, #tpu.memory_space<hbm>> -> memref<1x8x4096xf32, #tpu.memory_space<hbm>>
        %dma_wait3A_208 = tpu.memref_squeeze %dma_wait3A_207 : memref<1x8x4096xf32, #tpu.memory_space<hbm>> -> memref<8x4096xf32, #tpu.memory_space<hbm>>
        tpu.wait_dma2 semaphore(%run_scoped3A : memref<!tpu.dma_semaphore, #tpu.memory_space<semaphore_mem>>) src(%dma_wait3A_208 : memref<8x4096xf32, #tpu.memory_space<hbm>>) dst(%arg7 : memref<8x4096xf32, #tpu.memory_space<vmem>>)
        tpu.yield
      }) : () -> ()
      %scan3A_189 = arith.constant 0 : i32
      %scan3A_190 = arith.constant 0 : i32
      %scan3A_191 = arith.constant 256 : i32
      %scan3A_192 = arith.addi %scan3A_190, %scan3A_191 : i32
      %scan3A_193 = arith.constant 1 : i32
      scf.for %scan3A_199 = %scan3A_190 to %scan3A_192 step %scan3A_193  : i32 {
        %mul3A_200 = arith.constant 16 : i32
        %mul3A_201 = arith.muli %scan3A_199, %mul3A_200 : i32
        %get3A_202 = arith.constant 0 : i32
        %get3A_203 = arith.index_cast %get3A_202 : i32 to index
        %get3A_204 = arith.index_cast %mul3A_201 : i32 to index
        %get3A_205 = tpu.vector_load %arg7[%get3A_203, %get3A_204] {strides = array<i32>} : memref<8x4096xf32, #tpu.memory_space<vmem>>, vector<16xf32>,
        %get3A_206 = arith.constant 1 : i32
        %get3A_207 = arith.index_cast %get3A_206 : i32 to index
        %get3A_208 = arith.index_cast %mul3A_201 : i32 to index
        %get3A_209 = tpu.vector_load %arg7[%get3A_207, %get3A_208] {strides = array<i32>} : memref<8x4096xf32, #tpu.memory_space<vmem>>, vector<16xf32>,
        %get3A_210 = arith.constant 2 : i32
        %get3A_211 = arith.index_cast %get3A_210 : i32 to index
        %get3A_212 = arith.index_cast %mul3A_201 : i32 to index
        %get3A_213 = tpu.vector_load %arg7[%get3A_211, %get3A_212] {strides = array<i32>} : memref<8x4096xf32, #tpu.memory_space<vmem>>, vector<16xf32>,
        %get3A_214 = arith.constant 3 : i32
        %get3A_215 = arith.index_cast %get3A_214 : i32 to index
        %get3A_216 = arith.index_cast %mul3A_201 : i32 to index
        %get3A_217 = tpu.vector_load %arg7[%get3A_215, %get3A_216] {strides = array<i32>} : memref<8x4096xf32, #tpu.memory_space<vmem>>, vector<16xf32>,
        %get3A_218 = arith.constant 4 : i32
        %get3A_219 = arith.index_cast %get3A_218 : i32 to index
        %get3A_220 = arith.index_cast %mul3A_201 : i32 to index
        %get3A_221 = tpu.vector_load %arg7[%get3A_219, %get3A_220] {strides = array<i32>} : memref<8x4096xf32, #tpu.memory_space<vmem>>, vector<16xf32>,
        %get3A_222 = arith.constant 5 : i32
        %get3A_223 = arith.index_cast %get3A_222 : i32 to index
        %get3A_224 = arith.index_cast %mul3A_201 : i32 to index
        %get3A_225 = tpu.vector_load %arg7[%get3A_223, %get3A_224] {strides = array<i32>} : memref<8x4096xf32, #tpu.memory_space<vmem>>, vector<16xf32>,
        %get3A_226 = arith.constant 6 : i32
        %get3A_227 = arith.index_cast %get3A_226 : i32 to index
        %get3A_228 = arith.index_cast %mul3A_201 : i32 to index
        %get3A_229 = tpu.vector_load %arg7[%get3A_227, %get3A_228] {strides = array<i32>} : memref<8x4096xf32, #tpu.memory_space<vmem>>, vector<16xf32>,
        %get3A_230 = arith.constant 7 : i32
        %get3A_231 = arith.index_cast %get3A_230 : i32 to index
        %get3A_232 = arith.index_cast %mul3A_201 : i32 to index
        %get3A_233 = tpu.vector_load %arg7[%get3A_231, %get3A_232] {strides = array<i32>} : memref<8x4096xf32, #tpu.memory_space<vmem>>, vector<16xf32>,
        %bitcast_convert_type3A = tpu.bitcast %get3A_205 : vector<16xf32> -> vector<16xi32>
        %add3A_234 = arith.constant 32767 : i32
        %add3A_235 = vector.broadcast %add3A_234 : i32 to vector<16xi32>
        %add3A_236 = arith.addi %bitcast_convert_type3A, %add3A_235 : vector<16xi32>
        %shift_right_logical3A = arith.constant 16 : i32
        %shift_right_logical3A_237 = vector.broadcast %shift_right_logical3A : i32 to vector<16xi32>
        %shift_right_logical3A_238 = arith.shrui %bitcast_convert_type3A, %shift_right_logical3A_237 : vector<16xi32>
        %and3A_239 = arith.constant 1 : i32
        %and3A_240 = vector.broadcast %and3A_239 : i32 to vector<16xi32>
        %and3A_241 = arith.andi %shift_right_logical3A_238, %and3A_240 : vector<16xi32>
        %add3A_242 = arith.addi %add3A_236, %and3A_241 : vector<16xi32>
        %and3A_243 = arith.constant -65536 : i32
        %and3A_244 = vector.broadcast %and3A_243 : i32 to vector<16xi32>
        %and3A_245 = arith.andi %add3A_242, %and3A_244 : vector<16xi32>
        %bitcast_convert_type3A_246 = tpu.bitcast %and3A_245 : vector<16xi32> -> vector<16xf32>
        %bitcast_convert_type3A_247 = tpu.bitcast %get3A_209 : vector<16xf32> -> vector<16xi32>
        %add3A_248 = arith.constant 32767 : i32
        %add3A_249 = vector.broadcast %add3A_248 : i32 to vector<16xi32>
        %add3A_250 = arith.addi %bitcast_convert_type3A_247, %add3A_249 : vector<16xi32>
        %shift_right_logical3A_251 = arith.constant 16 : i32
        %shift_right_logical3A_252 = vector.broadcast %shift_right_logical3A_251 : i32 to vector<16xi32>
        %shift_right_logical3A_253 = arith.shrui %bitcast_convert_type3A_247, %shift_right_logical3A_252 : vector<16xi32>
        %and3A_254 = arith.constant 1 : i32
        %and3A_255 = vector.broadcast %and3A_254 : i32 to vector<16xi32>
        %and3A_256 = arith.andi %shift_right_logical3A_253, %and3A_255 : vector<16xi32>
        %add3A_257 = arith.addi %add3A_250, %and3A_256 : vector<16xi32>
        %and3A_258 = arith.constant -65536 : i32
        %and3A_259 = vector.broadcast %and3A_258 : i32 to vector<16xi32>
        %and3A_260 = arith.andi %add3A_257, %and3A_259 : vector<16xi32>
        %bitcast_convert_type3A_261 = tpu.bitcast %and3A_260 : vector<16xi32> -> vector<16xf32>
        %bitcast_convert_type3A_262 = tpu.bitcast %get3A_213 : vector<16xf32> -> vector<16xi32>
        %add3A_263 = arith.constant 32767 : i32
        %add3A_264 = vector.broadcast %add3A_263 : i32 to vector<16xi32>
        %add3A_265 = arith.addi %bitcast_convert_type3A_262, %add3A_264 : vector<16xi32>
        %shift_right_logical3A_266 = arith.constant 16 : i32
        %shift_right_logical3A_267 = vector.broadcast %shift_right_logical3A_266 : i32 to vector<16xi32>
        %shift_right_logical3A_268 = arith.shrui %bitcast_convert_type3A_262, %shift_right_logical3A_267 : vector<16xi32>
        %and3A_269 = arith.constant 1 : i32
        %and3A_270 = vector.broadcast %and3A_269 : i32 to vector<16xi32>
        %and3A_271 = arith.andi %shift_right_logical3A_268, %and3A_270 : vector<16xi32>
        %add3A_272 = arith.addi %add3A_265, %and3A_271 : vector<16xi32>
        %and3A_273 = arith.constant -65536 : i32
        %and3A_274 = vector.broadcast %and3A_273 : i32 to vector<16xi32>
        %and3A_275 = arith.andi %add3A_272, %and3A_274 : vector<16xi32>
        %bitcast_convert_type3A_276 = tpu.bitcast %and3A_275 : vector<16xi32> -> vector<16xf32>
        %bitcast_convert_type3A_277 = tpu.bitcast %get3A_217 : vector<16xf32> -> vector<16xi32>
        %add3A_278 = arith.constant 32767 : i32
        %add3A_279 = vector.broadcast %add3A_278 : i32 to vector<16xi32>
        %add3A_280 = arith.addi %bitcast_convert_type3A_277, %add3A_279 : vector<16xi32>
        %shift_right_logical3A_281 = arith.constant 16 : i32
        %shift_right_logical3A_282 = vector.broadcast %shift_right_logical3A_281 : i32 to vector<16xi32>
        %shift_right_logical3A_283 = arith.shrui %bitcast_convert_type3A_277, %shift_right_logical3A_282 : vector<16xi32>
        %and3A_284 = arith.constant 1 : i32
        %and3A_285 = vector.broadcast %and3A_284 : i32 to vector<16xi32>
        %and3A_286 = arith.andi %shift_right_logical3A_283, %and3A_285 : vector<16xi32>
        %add3A_287 = arith.addi %add3A_280, %and3A_286 : vector<16xi32>
        %and3A_288 = arith.constant -65536 : i32
        %and3A_289 = vector.broadcast %and3A_288 : i32 to vector<16xi32>
        %and3A_290 = arith.andi %add3A_287, %and3A_289 : vector<16xi32>
        %bitcast_convert_type3A_291 = tpu.bitcast %and3A_290 : vector<16xi32> -> vector<16xf32>
        %bitcast_convert_type3A_292 = tpu.bitcast %get3A_221 : vector<16xf32> -> vector<16xi32>
        %add3A_293 = arith.constant 32767 : i32
        %add3A_294 = vector.broadcast %add3A_293 : i32 to vector<16xi32>
        %add3A_295 = arith.addi %bitcast_convert_type3A_292, %add3A_294 : vector<16xi32>
        %shift_right_logical3A_296 = arith.constant 16 : i32
        %shift_right_logical3A_297 = vector.broadcast %shift_right_logical3A_296 : i32 to vector<16xi32>
        %shift_right_logical3A_298 = arith.shrui %bitcast_convert_type3A_292, %shift_right_logical3A_297 : vector<16xi32>
        %and3A_299 = arith.constant 1 : i32
        %and3A_300 = vector.broadcast %and3A_299 : i32 to vector<16xi32>
        %and3A_301 = arith.andi %shift_right_logical3A_298, %and3A_300 : vector<16xi32>
        %add3A_302 = arith.addi %add3A_295, %and3A_301 : vector<16xi32>
        %and3A_303 = arith.constant -65536 : i32
        %and3A_304 = vector.broadcast %and3A_303 : i32 to vector<16xi32>
        %and3A_305 = arith.andi %add3A_302, %and3A_304 : vector<16xi32>
        %bitcast_convert_type3A_306 = tpu.bitcast %and3A_305 : vector<16xi32> -> vector<16xf32>
        %bitcast_convert_type3A_307 = tpu.bitcast %get3A_225 : vector<16xf32> -> vector<16xi32>
        %add3A_308 = arith.constant 32767 : i32
        %add3A_309 = vector.broadcast %add3A_308 : i32 to vector<16xi32>
        %add3A_310 = arith.addi %bitcast_convert_type3A_307, %add3A_309 : vector<16xi32>
        %shift_right_logical3A_311 = arith.constant 16 : i32
        %shift_right_logical3A_312 = vector.broadcast %shift_right_logical3A_311 : i32 to vector<16xi32>
        %shift_right_logical3A_313 = arith.shrui %bitcast_convert_type3A_307, %shift_right_logical3A_312 : vector<16xi32>
        %and3A_314 = arith.constant 1 : i32
        %and3A_315 = vector.broadcast %and3A_314 : i32 to vector<16xi32>
        %and3A_316 = arith.andi %shift_right_logical3A_313, %and3A_315 : vector<16xi32>
        %add3A_317 = arith.addi %add3A_310, %and3A_316 : vector<16xi32>
        %and3A_318 = arith.constant -65536 : i32
        %and3A_319 = vector.broadcast %and3A_318 : i32 to vector<16xi32>
        %and3A_320 = arith.andi %add3A_317, %and3A_319 : vector<16xi32>
        %bitcast_convert_type3A_321 = tpu.bitcast %and3A_320 : vector<16xi32> -> vector<16xf32>
        %bitcast_convert_type3A_322 = tpu.bitcast %get3A_229 : vector<16xf32> -> vector<16xi32>
        %add3A_323 = arith.constant 32767 : i32
        %add3A_324 = vector.broadcast %add3A_323 : i32 to vector<16xi32>
        %add3A_325 = arith.addi %bitcast_convert_type3A_322, %add3A_324 : vector<16xi32>
        %shift_right_logical3A_326 = arith.constant 16 : i32
        %shift_right_logical3A_327 = vector.broadcast %shift_right_logical3A_326 : i32 to vector<16xi32>
        %shift_right_logical3A_328 = arith.shrui %bitcast_convert_type3A_322, %shift_right_logical3A_327 : vector<16xi32>
        %and3A_329 = arith.constant 1 : i32
        %and3A_330 = vector.broadcast %and3A_329 : i32 to vector<16xi32>
        %and3A_331 = arith.andi %shift_right_logical3A_328, %and3A_330 : vector<16xi32>
        %add3A_332 = arith.addi %add3A_325, %and3A_331 : vector<16xi32>
        %and3A_333 = arith.constant -65536 : i32
        %and3A_334 = vector.broadcast %and3A_333 : i32 to vector<16xi32>
        %and3A_335 = arith.andi %add3A_332, %and3A_334 : vector<16xi32>
        %bitcast_convert_type3A_336 = tpu.bitcast %and3A_335 : vector<16xi32> -> vector<16xf32>
        %bitcast_convert_type3A_337 = tpu.bitcast %get3A_233 : vector<16xf32> -> vector<16xi32>
        %add3A_338 = arith.constant 32767 : i32
        %add3A_339 = vector.broadcast %add3A_338 : i32 to vector<16xi32>
        %add3A_340 = arith.addi %bitcast_convert_type3A_337, %add3A_339 : vector<16xi32>
        %shift_right_logical3A_341 = arith.constant 16 : i32
        %shift_right_logical3A_342 = vector.broadcast %shift_right_logical3A_341 : i32 to vector<16xi32>
        %shift_right_logical3A_343 = arith.shrui %bitcast_convert_type3A_337, %shift_right_logical3A_342 : vector<16xi32>
        %and3A_344 = arith.constant 1 : i32
        %and3A_345 = vector.broadcast %and3A_344 : i32 to vector<16xi32>
        %and3A_346 = arith.andi %shift_right_logical3A_343, %and3A_345 : vector<16xi32>
        %add3A_347 = arith.addi %add3A_340, %and3A_346 : vector<16xi32>
        %and3A_348 = arith.constant -65536 : i32
        %and3A_349 = vector.broadcast %and3A_348 : i32 to vector<16xi32>
        %and3A_350 = arith.andi %add3A_347, %and3A_349 : vector<16xi32>
        %bitcast_convert_type3A_351 = tpu.bitcast %and3A_350 : vector<16xi32> -> vector<16xf32>
        %mul3A_352 = arith.mulf %get3A_1, %bitcast_convert_type3A_246 : vector<16xf32>
        %add3A_353 = arith.addf %get3A_129, %mul3A_352 : vector<16xf32>
        %mul3A_354 = arith.mulf %get3A_3, %bitcast_convert_type3A_261 : vector<16xf32>
        %add3A_355 = arith.addf %add3A_353, %mul3A_354 : vector<16xf32>
        %mul3A_356 = arith.mulf %get3A_5, %bitcast_convert_type3A_276 : vector<16xf32>
        %add3A_357 = arith.addf %add3A_355, %mul3A_356 : vector<16xf32>
        %mul3A_358 = arith.mulf %get3A_7, %bitcast_convert_type3A_291 : vector<16xf32>
        %add3A_359 = arith.addf %add3A_357, %mul3A_358 : vector<16xf32>
        %mul3A_360 = arith.mulf %get3A_9, %bitcast_convert_type3A_306 : vector<16xf32>
        %add3A_361 = arith.addf %add3A_359, %mul3A_360 : vector<16xf32>
        %mul3A_362 = arith.mulf %get3A_11, %bitcast_convert_type3A_321 : vector<16xf32>
        %add3A_363 = arith.addf %add3A_361, %mul3A_362 : vector<16xf32>
        %mul3A_364 = arith.mulf %get3A_13, %bitcast_convert_type3A_336 : vector<16xf32>
        %add3A_365 = arith.addf %add3A_363, %mul3A_364 : vector<16xf32>
        %mul3A_366 = arith.mulf %get3A_15, %bitcast_convert_type3A_351 : vector<16xf32>
        %add3A_367 = arith.addf %add3A_365, %mul3A_366 : vector<16xf32>
        %mul3A_368 = arith.mulf %get3A_17, %bitcast_convert_type3A_246 : vector<16xf32>
        %add3A_369 = arith.addf %get3A_131, %mul3A_368 : vector<16xf32>
        %mul3A_370 = arith.mulf %get3A_19, %bitcast_convert_type3A_261 : vector<16xf32>
        %add3A_371 = arith.addf %add3A_369, %mul3A_370 : vector<16xf32>
        %mul3A_372 = arith.mulf %get3A_21, %bitcast_convert_type3A_276 : vector<16xf32>
        %add3A_373 = arith.addf %add3A_371, %mul3A_372 : vector<16xf32>
        %mul3A_374 = arith.mulf %get3A_23, %bitcast_convert_type3A_291 : vector<16xf32>
        %add3A_375 = arith.addf %add3A_373, %mul3A_374 : vector<16xf32>
        %mul3A_376 = arith.mulf %get3A_25, %bitcast_convert_type3A_306 : vector<16xf32>
        %add3A_377 = arith.addf %add3A_375, %mul3A_376 : vector<16xf32>
        %mul3A_378 = arith.mulf %get3A_27, %bitcast_convert_type3A_321 : vector<16xf32>
        %add3A_379 = arith.addf %add3A_377, %mul3A_378 : vector<16xf32>
        %mul3A_380 = arith.mulf %get3A_29, %bitcast_convert_type3A_336 : vector<16xf32>
        %add3A_381 = arith.addf %add3A_379, %mul3A_380 : vector<16xf32>
        %mul3A_382 = arith.mulf %get3A_31, %bitcast_convert_type3A_351 : vector<16xf32>
        %add3A_383 = arith.addf %add3A_381, %mul3A_382 : vector<16xf32>
        %mul3A_384 = arith.mulf %get3A_33, %bitcast_convert_type3A_246 : vector<16xf32>
        %add3A_385 = arith.addf %get3A_133, %mul3A_384 : vector<16xf32>
        %mul3A_386 = arith.mulf %get3A_35, %bitcast_convert_type3A_261 : vector<16xf32>
        %add3A_387 = arith.addf %add3A_385, %mul3A_386 : vector<16xf32>
        %mul3A_388 = arith.mulf %get3A_37, %bitcast_convert_type3A_276 : vector<16xf32>
        %add3A_389 = arith.addf %add3A_387, %mul3A_388 : vector<16xf32>
        %mul3A_390 = arith.mulf %get3A_39, %bitcast_convert_type3A_291 : vector<16xf32>
        %add3A_391 = arith.addf %add3A_389, %mul3A_390 : vector<16xf32>
        %mul3A_392 = arith.mulf %get3A_41, %bitcast_convert_type3A_306 : vector<16xf32>
        %add3A_393 = arith.addf %add3A_391, %mul3A_392 : vector<16xf32>
        %mul3A_394 = arith.mulf %get3A_43, %bitcast_convert_type3A_321 : vector<16xf32>
        %add3A_395 = arith.addf %add3A_393, %mul3A_394 : vector<16xf32>
        %mul3A_396 = arith.mulf %get3A_45, %bitcast_convert_type3A_336 : vector<16xf32>
        %add3A_397 = arith.addf %add3A_395, %mul3A_396 : vector<16xf32>
        %mul3A_398 = arith.mulf %get3A_47, %bitcast_convert_type3A_351 : vector<16xf32>
        %add3A_399 = arith.addf %add3A_397, %mul3A_398 : vector<16xf32>
        %mul3A_400 = arith.mulf %get3A_49, %bitcast_convert_type3A_246 : vector<16xf32>
        %add3A_401 = arith.addf %get3A_135, %mul3A_400 : vector<16xf32>
        %mul3A_402 = arith.mulf %get3A_51, %bitcast_convert_type3A_261 : vector<16xf32>
        %add3A_403 = arith.addf %add3A_401, %mul3A_402 : vector<16xf32>
        %mul3A_404 = arith.mulf %get3A_53, %bitcast_convert_type3A_276 : vector<16xf32>
        %add3A_405 = arith.addf %add3A_403, %mul3A_404 : vector<16xf32>
        %mul3A_406 = arith.mulf %get3A_55, %bitcast_convert_type3A_291 : vector<16xf32>
        %add3A_407 = arith.addf %add3A_405, %mul3A_406 : vector<16xf32>
        %mul3A_408 = arith.mulf %get3A_57, %bitcast_convert_type3A_306 : vector<16xf32>
        %add3A_409 = arith.addf %add3A_407, %mul3A_408 : vector<16xf32>
        %mul3A_410 = arith.mulf %get3A_59, %bitcast_convert_type3A_321 : vector<16xf32>
        %add3A_411 = arith.addf %add3A_409, %mul3A_410 : vector<16xf32>
        %mul3A_412 = arith.mulf %get3A_61, %bitcast_convert_type3A_336 : vector<16xf32>
        %add3A_413 = arith.addf %add3A_411, %mul3A_412 : vector<16xf32>
        %mul3A_414 = arith.mulf %get3A_63, %bitcast_convert_type3A_351 : vector<16xf32>
        %add3A_415 = arith.addf %add3A_413, %mul3A_414 : vector<16xf32>
        %mul3A_416 = arith.mulf %get3A_65, %bitcast_convert_type3A_246 : vector<16xf32>
        %add3A_417 = arith.addf %get3A_137, %mul3A_416 : vector<16xf32>
        %mul3A_418 = arith.mulf %get3A_67, %bitcast_convert_type3A_261 : vector<16xf32>
        %add3A_419 = arith.addf %add3A_417, %mul3A_418 : vector<16xf32>
        %mul3A_420 = arith.mulf %get3A_69, %bitcast_convert_type3A_276 : vector<16xf32>
        %add3A_421 = arith.addf %add3A_419, %mul3A_420 : vector<16xf32>
        %mul3A_422 = arith.mulf %get3A_71, %bitcast_convert_type3A_291 : vector<16xf32>
        %add3A_423 = arith.addf %add3A_421, %mul3A_422 : vector<16xf32>
        %mul3A_424 = arith.mulf %get3A_73, %bitcast_convert_type3A_306 : vector<16xf32>
        %add3A_425 = arith.addf %add3A_423, %mul3A_424 : vector<16xf32>
        %mul3A_426 = arith.mulf %get3A_75, %bitcast_convert_type3A_321 : vector<16xf32>
        %add3A_427 = arith.addf %add3A_425, %mul3A_426 : vector<16xf32>
        %mul3A_428 = arith.mulf %get3A_77, %bitcast_convert_type3A_336 : vector<16xf32>
        %add3A_429 = arith.addf %add3A_427, %mul3A_428 : vector<16xf32>
        %mul3A_430 = arith.mulf %get3A_79, %bitcast_convert_type3A_351 : vector<16xf32>
        %add3A_431 = arith.addf %add3A_429, %mul3A_430 : vector<16xf32>
        %mul3A_432 = arith.mulf %get3A_81, %bitcast_convert_type3A_246 : vector<16xf32>
        %add3A_433 = arith.addf %get3A_139, %mul3A_432 : vector<16xf32>
        %mul3A_434 = arith.mulf %get3A_83, %bitcast_convert_type3A_261 : vector<16xf32>
        %add3A_435 = arith.addf %add3A_433, %mul3A_434 : vector<16xf32>
        %mul3A_436 = arith.mulf %get3A_85, %bitcast_convert_type3A_276 : vector<16xf32>
        %add3A_437 = arith.addf %add3A_435, %mul3A_436 : vector<16xf32>
        %mul3A_438 = arith.mulf %get3A_87, %bitcast_convert_type3A_291 : vector<16xf32>
        %add3A_439 = arith.addf %add3A_437, %mul3A_438 : vector<16xf32>
        %mul3A_440 = arith.mulf %get3A_89, %bitcast_convert_type3A_306 : vector<16xf32>
        %add3A_441 = arith.addf %add3A_439, %mul3A_440 : vector<16xf32>
        %mul3A_442 = arith.mulf %get3A_91, %bitcast_convert_type3A_321 : vector<16xf32>
        %add3A_443 = arith.addf %add3A_441, %mul3A_442 : vector<16xf32>
        %mul3A_444 = arith.mulf %get3A_93, %bitcast_convert_type3A_336 : vector<16xf32>
        %add3A_445 = arith.addf %add3A_443, %mul3A_444 : vector<16xf32>
        %mul3A_446 = arith.mulf %get3A_95, %bitcast_convert_type3A_351 : vector<16xf32>
        %add3A_447 = arith.addf %add3A_445, %mul3A_446 : vector<16xf32>
        %mul3A_448 = arith.mulf %get3A_97, %bitcast_convert_type3A_246 : vector<16xf32>
        %add3A_449 = arith.addf %get3A_141, %mul3A_448 : vector<16xf32>
        %mul3A_450 = arith.mulf %get3A_99, %bitcast_convert_type3A_261 : vector<16xf32>
        %add3A_451 = arith.addf %add3A_449, %mul3A_450 : vector<16xf32>
        %mul3A_452 = arith.mulf %get3A_101, %bitcast_convert_type3A_276 : vector<16xf32>
        %add3A_453 = arith.addf %add3A_451, %mul3A_452 : vector<16xf32>
        %mul3A_454 = arith.mulf %get3A_103, %bitcast_convert_type3A_291 : vector<16xf32>
        %add3A_455 = arith.addf %add3A_453, %mul3A_454 : vector<16xf32>
        %mul3A_456 = arith.mulf %get3A_105, %bitcast_convert_type3A_306 : vector<16xf32>
        %add3A_457 = arith.addf %add3A_455, %mul3A_456 : vector<16xf32>
        %mul3A_458 = arith.mulf %get3A_107, %bitcast_convert_type3A_321 : vector<16xf32>
        %add3A_459 = arith.addf %add3A_457, %mul3A_458 : vector<16xf32>
        %mul3A_460 = arith.mulf %get3A_109, %bitcast_convert_type3A_336 : vector<16xf32>
        %add3A_461 = arith.addf %add3A_459, %mul3A_460 : vector<16xf32>
        %mul3A_462 = arith.mulf %get3A_111, %bitcast_convert_type3A_351 : vector<16xf32>
        %add3A_463 = arith.addf %add3A_461, %mul3A_462 : vector<16xf32>
        %mul3A_464 = arith.mulf %get3A_113, %bitcast_convert_type3A_246 : vector<16xf32>
        %add3A_465 = arith.addf %get3A_143, %mul3A_464 : vector<16xf32>
        %mul3A_466 = arith.mulf %get3A_115, %bitcast_convert_type3A_261 : vector<16xf32>
        %add3A_467 = arith.addf %add3A_465, %mul3A_466 : vector<16xf32>
        %mul3A_468 = arith.mulf %get3A_117, %bitcast_convert_type3A_276 : vector<16xf32>
        %add3A_469 = arith.addf %add3A_467, %mul3A_468 : vector<16xf32>
        %mul3A_470 = arith.mulf %get3A_119, %bitcast_convert_type3A_291 : vector<16xf32>
        %add3A_471 = arith.addf %add3A_469, %mul3A_470 : vector<16xf32>
        %mul3A_472 = arith.mulf %get3A_121, %bitcast_convert_type3A_306 : vector<16xf32>
        %add3A_473 = arith.addf %add3A_471, %mul3A_472 : vector<16xf32>
        %mul3A_474 = arith.mulf %get3A_123, %bitcast_convert_type3A_321 : vector<16xf32>
        %add3A_475 = arith.addf %add3A_473, %mul3A_474 : vector<16xf32>
        %mul3A_476 = arith.mulf %get3A_125, %bitcast_convert_type3A_336 : vector<16xf32>
        %add3A_477 = arith.addf %add3A_475, %mul3A_476 : vector<16xf32>
        %mul3A_478 = arith.mulf %get3A_127, %bitcast_convert_type3A_351 : vector<16xf32>
        %add3A_479 = arith.addf %add3A_477, %mul3A_478 : vector<16xf32>
        %max3A = arith.maximumf %add3A_367, %add3A_383 : vector<16xf32>
        %max3A_480 = arith.maximumf %max3A, %add3A_399 : vector<16xf32>
        %max3A_481 = arith.maximumf %max3A_480, %add3A_415 : vector<16xf32>
        %max3A_482 = arith.maximumf %max3A_481, %add3A_431 : vector<16xf32>
        %max3A_483 = arith.maximumf %max3A_482, %add3A_447 : vector<16xf32>
        %max3A_484 = arith.maximumf %max3A_483, %add3A_463 : vector<16xf32>
        %max3A_485 = arith.maximumf %max3A_484, %add3A_479 : vector<16xf32>
        %eq3A_486 = arith.cmpf oeq, %add3A_367, %max3A_485 : vector<16xf32>
        %eq3A_487 = arith.cmpf oeq, %add3A_383, %max3A_485 : vector<16xf32>
        %not3A = arith.constant dense<true> : vector<16xi1>
        %not3A_488 = arith.xori %eq3A_486, %not3A : vector<16xi1>
        %and3A_489 = arith.andi %eq3A_487, %not3A_488 : vector<16xi1>
        %or3A = arith.ori %eq3A_486, %eq3A_487 : vector<16xi1>
        %eq3A_490 = arith.cmpf oeq, %add3A_399, %max3A_485 : vector<16xf32>
        %not3A_491 = arith.constant dense<true> : vector<16xi1>
        %not3A_492 = arith.xori %or3A, %not3A_491 : vector<16xi1>
        %and3A_493 = arith.andi %eq3A_490, %not3A_492 : vector<16xi1>
        %or3A_494 = arith.ori %or3A, %eq3A_490 : vector<16xi1>
        %eq3A_495 = arith.cmpf oeq, %add3A_415, %max3A_485 : vector<16xf32>
        %not3A_496 = arith.constant dense<true> : vector<16xi1>
        %not3A_497 = arith.xori %or3A_494, %not3A_496 : vector<16xi1>
        %and3A_498 = arith.andi %eq3A_495, %not3A_497 : vector<16xi1>
        %or3A_499 = arith.ori %or3A_494, %eq3A_495 : vector<16xi1>
        %eq3A_500 = arith.cmpf oeq, %add3A_431, %max3A_485 : vector<16xf32>
        %not3A_501 = arith.constant dense<true> : vector<16xi1>
        %not3A_502 = arith.xori %or3A_499, %not3A_501 : vector<16xi1>
        %and3A_503 = arith.andi %eq3A_500, %not3A_502 : vector<16xi1>
        %or3A_504 = arith.ori %or3A_499, %eq3A_500 : vector<16xi1>
        %eq3A_505 = arith.cmpf oeq, %add3A_447, %max3A_485 : vector<16xf32>
        %not3A_506 = arith.constant dense<true> : vector<16xi1>
        %not3A_507 = arith.xori %or3A_504, %not3A_506 : vector<16xi1>
        %and3A_508 = arith.andi %eq3A_505, %not3A_507 : vector<16xi1>
        %or3A_509 = arith.ori %or3A_504, %eq3A_505 : vector<16xi1>
        %eq3A_510 = arith.cmpf oeq, %add3A_463, %max3A_485 : vector<16xf32>
        %not3A_511 = arith.constant dense<true> : vector<16xi1>
        %not3A_512 = arith.xori %or3A_509, %not3A_511 : vector<16xi1>
        %and3A_513 = arith.andi %eq3A_510, %not3A_512 : vector<16xi1>
        %or3A_514 = arith.ori %or3A_509, %eq3A_510 : vector<16xi1>
        %eq3A_515 = arith.cmpf oeq, %add3A_479, %max3A_485 : vector<16xf32>
        %not3A_516 = arith.constant dense<true> : vector<16xi1>
        %not3A_517 = arith.xori %or3A_514, %not3A_516 : vector<16xi1>
        %and3A_518 = arith.andi %eq3A_515, %not3A_517 : vector<16xi1>
        %or3A_519 = arith.ori %or3A_514, %eq3A_515 : vector<16xi1>
        %jit3A_520 = arith.constant -3.000000e+38 : f32
        %broadcast_in_dim3A = vector.broadcast %jit3A_520 : f32 to vector<16xf32>
        %select_n3A_521 = arith.select %eq3A_486, %broadcast_in_dim3A, %add3A_367 : vector<16xi1>, vector<16xf32>
        %jit3A_522 = arith.constant -3.000000e+38 : f32
        %broadcast_in_dim3A_523 = vector.broadcast %jit3A_522 : f32 to vector<16xf32>
        %select_n3A_524 = arith.select %and3A_489, %broadcast_in_dim3A_523, %add3A_383 : vector<16xi1>, vector<16xf32>
        %jit3A_525 = arith.constant -3.000000e+38 : f32
        %broadcast_in_dim3A_526 = vector.broadcast %jit3A_525 : f32 to vector<16xf32>
        %select_n3A_527 = arith.select %and3A_493, %broadcast_in_dim3A_526, %add3A_399 : vector<16xi1>, vector<16xf32>
        %jit3A_528 = arith.constant -3.000000e+38 : f32
        %broadcast_in_dim3A_529 = vector.broadcast %jit3A_528 : f32 to vector<16xf32>
        %select_n3A_530 = arith.select %and3A_498, %broadcast_in_dim3A_529, %add3A_415 : vector<16xi1>, vector<16xf32>
        %jit3A_531 = arith.constant -3.000000e+38 : f32
        %broadcast_in_dim3A_532 = vector.broadcast %jit3A_531 : f32 to vector<16xf32>
        %select_n3A_533 = arith.select %and3A_503, %broadcast_in_dim3A_532, %add3A_431 : vector<16xi1>, vector<16xf32>
        %jit3A_534 = arith.constant -3.000000e+38 : f32
        %broadcast_in_dim3A_535 = vector.broadcast %jit3A_534 : f32 to vector<16xf32>
        %select_n3A_536 = arith.select %and3A_508, %broadcast_in_dim3A_535, %add3A_447 : vector<16xi1>, vector<16xf32>
        %jit3A_537 = arith.constant -3.000000e+38 : f32
        %broadcast_in_dim3A_538 = vector.broadcast %jit3A_537 : f32 to vector<16xf32>
        %select_n3A_539 = arith.select %and3A_513, %broadcast_in_dim3A_538, %add3A_463 : vector<16xi1>, vector<16xf32>
        %jit3A_540 = arith.constant -3.000000e+38 : f32
        %broadcast_in_dim3A_541 = vector.broadcast %jit3A_540 : f32 to vector<16xf32>
        %select_n3A_542 = arith.select %and3A_518, %broadcast_in_dim3A_541, %add3A_479 : vector<16xi1>, vector<16xf32>
        %max3A_543 = arith.maximumf %select_n3A_521, %select_n3A_524 : vector<16xf32>
        %max3A_544 = arith.maximumf %max3A_543, %select_n3A_527 : vector<16xf32>
        %max3A_545 = arith.maximumf %max3A_544, %select_n3A_530 : vector<16xf32>
        %max3A_546 = arith.maximumf %max3A_545, %select_n3A_533 : vector<16xf32>
        %max3A_547 = arith.maximumf %max3A_546, %select_n3A_536 : vector<16xf32>
        %max3A_548 = arith.maximumf %max3A_547, %select_n3A_539 : vector<16xf32>
        %max3A_549 = arith.maximumf %max3A_548, %select_n3A_542 : vector<16xf32>
        %eq3A_550 = arith.cmpf oeq, %select_n3A_521, %max3A_549 : vector<16xf32>
        %eq3A_551 = arith.cmpf oeq, %select_n3A_524, %max3A_549 : vector<16xf32>
        %not3A_552 = arith.constant dense<true> : vector<16xi1>
        %not3A_553 = arith.xori %eq3A_550, %not3A_552 : vector<16xi1>
        %and3A_554 = arith.andi %eq3A_551, %not3A_553 : vector<16xi1>
        %or3A_555 = arith.ori %eq3A_550, %eq3A_551 : vector<16xi1>
        %eq3A_556 = arith.cmpf oeq, %select_n3A_527, %max3A_549 : vector<16xf32>
        %not3A_557 = arith.constant dense<true> : vector<16xi1>
        %not3A_558 = arith.xori %or3A_555, %not3A_557 : vector<16xi1>
        %and3A_559 = arith.andi %eq3A_556, %not3A_558 : vector<16xi1>
        %or3A_560 = arith.ori %or3A_555, %eq3A_556 : vector<16xi1>
        %eq3A_561 = arith.cmpf oeq, %select_n3A_530, %max3A_549 : vector<16xf32>
        %not3A_562 = arith.constant dense<true> : vector<16xi1>
        %not3A_563 = arith.xori %or3A_560, %not3A_562 : vector<16xi1>
        %and3A_564 = arith.andi %eq3A_561, %not3A_563 : vector<16xi1>
        %or3A_565 = arith.ori %or3A_560, %eq3A_561 : vector<16xi1>
        %eq3A_566 = arith.cmpf oeq, %select_n3A_533, %max3A_549 : vector<16xf32>
        %not3A_567 = arith.constant dense<true> : vector<16xi1>
        %not3A_568 = arith.xori %or3A_565, %not3A_567 : vector<16xi1>
        %and3A_569 = arith.andi %eq3A_566, %not3A_568 : vector<16xi1>
        %or3A_570 = arith.ori %or3A_565, %eq3A_566 : vector<16xi1>
        %eq3A_571 = arith.cmpf oeq, %select_n3A_536, %max3A_549 : vector<16xf32>
        %not3A_572 = arith.constant dense<true> : vector<16xi1>
        %not3A_573 = arith.xori %or3A_570, %not3A_572 : vector<16xi1>
        %and3A_574 = arith.andi %eq3A_571, %not3A_573 : vector<16xi1>
        %or3A_575 = arith.ori %or3A_570, %eq3A_571 : vector<16xi1>
        %eq3A_576 = arith.cmpf oeq, %select_n3A_539, %max3A_549 : vector<16xf32>
        %not3A_577 = arith.constant dense<true> : vector<16xi1>
        %not3A_578 = arith.xori %or3A_575, %not3A_577 : vector<16xi1>
        %and3A_579 = arith.andi %eq3A_576, %not3A_578 : vector<16xi1>
        %or3A_580 = arith.ori %or3A_575, %eq3A_576 : vector<16xi1>
        %eq3A_581 = arith.cmpf oeq, %select_n3A_542, %max3A_549 : vector<16xf32>
        %not3A_582 = arith.constant dense<true> : vector<16xi1>
        %not3A_583 = arith.xori %or3A_580, %not3A_582 : vector<16xi1>
        %and3A_584 = arith.andi %eq3A_581, %not3A_583 : vector<16xi1>
        %or3A_585 = arith.ori %or3A_580, %eq3A_581 : vector<16xi1>
        %sub3A_586 = arith.subf %max3A_485, %max3A_549 : vector<16xf32>
        %exp3A = math.exp %sub3A_586 : vector<16xf32>
        %add3A_587 = arith.constant 1.000000e+00 : f32
        %add3A_588 = vector.broadcast %add3A_587 : f32 to vector<16xf32>
        %add3A_589 = arith.addf %add3A_588, %exp3A : vector<16xf32>
        %div3A_590 = arith.constant 1.000000e+00 : f32
        %div3A_591 = vector.broadcast %div3A_590 : f32 to vector<16xf32>
        %div3A_592 = arith.divf %div3A_591, %add3A_589 : vector<16xf32>
        %sub3A_593 = arith.constant 1.000000e+00 : f32
        %sub3A_594 = vector.broadcast %sub3A_593 : f32 to vector<16xf32>
        %sub3A_595 = arith.subf %sub3A_594, %div3A_592 : vector<16xf32>
        %broadcast_in_dim3A_596 = arith.constant 0 : i32
        %broadcast_in_dim3A_597 = vector.broadcast %broadcast_in_dim3A_596 : i32 to vector<16xi32>
        %jit3A_598 = arith.constant 1 : i32
        %broadcast_in_dim3A_599 = vector.broadcast %jit3A_598 : i32 to vector<16xi32>
        %select_n3A_600 = arith.select %and3A_489, %broadcast_in_dim3A_599, %broadcast_in_dim3A_597 : vector<16xi1>, vector<16xi32>
        %add3A_601 = arith.addi %broadcast_in_dim3A_597, %select_n3A_600 : vector<16xi32>
        %jit3A_602 = arith.constant 1 : i32
        %broadcast_in_dim3A_603 = vector.broadcast %jit3A_602 : i32 to vector<16xi32>
        %select_n3A_604 = arith.select %and3A_554, %broadcast_in_dim3A_603, %broadcast_in_dim3A_597 : vector<16xi1>, vector<16xi32>
        %add3A_605 = arith.addi %broadcast_in_dim3A_597, %select_n3A_604 : vector<16xi32>
        %jit3A_606 = arith.constant 2 : i32
        %broadcast_in_dim3A_607 = vector.broadcast %jit3A_606 : i32 to vector<16xi32>
        %select_n3A_608 = arith.select %and3A_493, %broadcast_in_dim3A_607, %broadcast_in_dim3A_597 : vector<16xi1>, vector<16xi32>
        %add3A_609 = arith.addi %add3A_601, %select_n3A_608 : vector<16xi32>
        %jit3A_610 = arith.constant 2 : i32
        %broadcast_in_dim3A_611 = vector.broadcast %jit3A_610 : i32 to vector<16xi32>
        %select_n3A_612 = arith.select %and3A_559, %broadcast_in_dim3A_611, %broadcast_in_dim3A_597 : vector<16xi1>, vector<16xi32>
        %add3A_613 = arith.addi %add3A_605, %select_n3A_612 : vector<16xi32>
        %jit3A_614 = arith.constant 3 : i32
        %broadcast_in_dim3A_615 = vector.broadcast %jit3A_614 : i32 to vector<16xi32>
        %select_n3A_616 = arith.select %and3A_498, %broadcast_in_dim3A_615, %broadcast_in_dim3A_597 : vector<16xi1>, vector<16xi32>
        %add3A_617 = arith.addi %add3A_609, %select_n3A_616 : vector<16xi32>
        %jit3A_618 = arith.constant 3 : i32
        %broadcast_in_dim3A_619 = vector.broadcast %jit3A_618 : i32 to vector<16xi32>
        %select_n3A_620 = arith.select %and3A_564, %broadcast_in_dim3A_619, %broadcast_in_dim3A_597 : vector<16xi1>, vector<16xi32>
        %add3A_621 = arith.addi %add3A_613, %select_n3A_620 : vector<16xi32>
        %jit3A_622 = arith.constant 4 : i32
        %broadcast_in_dim3A_623 = vector.broadcast %jit3A_622 : i32 to vector<16xi32>
        %select_n3A_624 = arith.select %and3A_503, %broadcast_in_dim3A_623, %broadcast_in_dim3A_597 : vector<16xi1>, vector<16xi32>
        %add3A_625 = arith.addi %add3A_617, %select_n3A_624 : vector<16xi32>
        %jit3A_626 = arith.constant 4 : i32
        %broadcast_in_dim3A_627 = vector.broadcast %jit3A_626 : i32 to vector<16xi32>
        %select_n3A_628 = arith.select %and3A_569, %broadcast_in_dim3A_627, %broadcast_in_dim3A_597 : vector<16xi1>, vector<16xi32>
        %add3A_629 = arith.addi %add3A_621, %select_n3A_628 : vector<16xi32>
        %jit3A_630 = arith.constant 5 : i32
        %broadcast_in_dim3A_631 = vector.broadcast %jit3A_630 : i32 to vector<16xi32>
        %select_n3A_632 = arith.select %and3A_508, %broadcast_in_dim3A_631, %broadcast_in_dim3A_597 : vector<16xi1>, vector<16xi32>
        %add3A_633 = arith.addi %add3A_625, %select_n3A_632 : vector<16xi32>
        %jit3A_634 = arith.constant 5 : i32
        %broadcast_in_dim3A_635 = vector.broadcast %jit3A_634 : i32 to vector<16xi32>
        %select_n3A_636 = arith.select %and3A_574, %broadcast_in_dim3A_635, %broadcast_in_dim3A_597 : vector<16xi1>, vector<16xi32>
        %add3A_637 = arith.addi %add3A_629, %select_n3A_636 : vector<16xi32>
        %jit3A_638 = arith.constant 6 : i32
        %broadcast_in_dim3A_639 = vector.broadcast %jit3A_638 : i32 to vector<16xi32>
        %select_n3A_640 = arith.select %and3A_513, %broadcast_in_dim3A_639, %broadcast_in_dim3A_597 : vector<16xi1>, vector<16xi32>
        %add3A_641 = arith.addi %add3A_633, %select_n3A_640 : vector<16xi32>
        %jit3A_642 = arith.constant 6 : i32
        %broadcast_in_dim3A_643 = vector.broadcast %jit3A_642 : i32 to vector<16xi32>
        %select_n3A_644 = arith.select %and3A_579, %broadcast_in_dim3A_643, %broadcast_in_dim3A_597 : vector<16xi1>, vector<16xi32>
        %add3A_645 = arith.addi %add3A_637, %select_n3A_644 : vector<16xi32>
        %jit3A_646 = arith.constant 7 : i32
        %broadcast_in_dim3A_647 = vector.broadcast %jit3A_646 : i32 to vector<16xi32>
        %select_n3A_648 = arith.select %and3A_518, %broadcast_in_dim3A_647, %broadcast_in_dim3A_597 : vector<16xi1>, vector<16xi32>
        %add3A_649 = arith.addi %add3A_641, %select_n3A_648 : vector<16xi32>
        %jit3A_650 = arith.constant 7 : i32
        %broadcast_in_dim3A_651 = vector.broadcast %jit3A_650 : i32 to vector<16xi32>
        %select_n3A_652 = arith.select %and3A_584, %broadcast_in_dim3A_651, %broadcast_in_dim3A_597 : vector<16xi1>, vector<16xi32>
        %add3A_653 = arith.addi %add3A_645, %select_n3A_652 : vector<16xi32>
        %shift_left3A = arith.constant 6 : i32
        %shift_left3A_654 = vector.broadcast %shift_left3A : i32 to vector<16xi32>
        %shift_left3A_655 = arith.shli %add3A_649, %shift_left3A_654 : vector<16xi32>
        %add3A_656 = arith.addi %shift_left3A_655, %add3A_649 : vector<16xi32>
        %shift_left3A_657 = arith.constant 6 : i32
        %shift_left3A_658 = vector.broadcast %shift_left3A_657 : i32 to vector<16xi32>
        %shift_left3A_659 = arith.shli %add3A_653, %shift_left3A_658 : vector<16xi32>
        %add3A_660 = arith.addi %shift_left3A_659, %add3A_653 : vector<16xi32>
        %shift_left3A_661 = arith.constant 3 : i32
        %shift_left3A_662 = vector.broadcast %shift_left3A_661 : i32 to vector<16xi32>
        %shift_left3A_663 = arith.shli %add3A_649, %shift_left3A_662 : vector<16xi32>
        %add3A_664 = arith.addi %shift_left3A_663, %add3A_649 : vector<16xi32>
        %shift_left3A_665 = arith.constant 3 : i32
        %shift_left3A_666 = vector.broadcast %shift_left3A_665 : i32 to vector<16xi32>
        %shift_left3A_667 = arith.shli %add3A_653, %shift_left3A_666 : vector<16xi32>
        %add3A_668 = arith.addi %shift_left3A_667, %add3A_653 : vector<16xi32>
        %add3A_669 = arith.constant 1672 : i32
        %add3A_670 = vector.broadcast %add3A_669 : i32 to vector<16xi32>
        %add3A_671 = arith.addi %add3A_664, %add3A_670 : vector<16xi32>
        %gather3A = tpu.vector_load_idx %arg6[%add3A_671] : memref<1744xf32, #tpu.memory_space<vmem>>[vector<16xi32>], vector<16xf32>,
        %add3A_672 = arith.constant 1672 : i32
        %add3A_673 = vector.broadcast %add3A_672 : i32 to vector<16xi32>
        %add3A_674 = arith.addi %add3A_668, %add3A_673 : vector<16xi32>
        %gather3A_675 = tpu.vector_load_idx %arg6[%add3A_674] : memref<1744xf32, #tpu.memory_space<vmem>>[vector<16xi32>], vector<16xf32>,
        %add3A_676 = arith.constant 1152 : i32
        %add3A_677 = vector.broadcast %add3A_676 : i32 to vector<16xi32>
        %add3A_678 = arith.addi %add3A_656, %add3A_677 : vector<16xi32>
        %gather3A_679 = tpu.vector_load_idx %arg6[%add3A_678] : memref<1744xf32, #tpu.memory_space<vmem>>[vector<16xi32>], vector<16xf32>,
        %add3A_680 = arith.constant 1152 : i32
        %add3A_681 = vector.broadcast %add3A_680 : i32 to vector<16xi32>
        %add3A_682 = arith.addi %add3A_660, %add3A_681 : vector<16xi32>
        %gather3A_683 = tpu.vector_load_idx %arg6[%add3A_682] : memref<1744xf32, #tpu.memory_space<vmem>>[vector<16xi32>], vector<16xf32>,
        %mul3A_684 = arith.mulf %gather3A_679, %get3A_205 : vector<16xf32>
        %add3A_685 = arith.addf %gather3A, %mul3A_684 : vector<16xf32>
        %mul3A_686 = arith.mulf %gather3A_683, %get3A_205 : vector<16xf32>
        %add3A_687 = arith.addf %gather3A_675, %mul3A_686 : vector<16xf32>
        %add3A_688 = arith.constant 1153 : i32
        %add3A_689 = vector.broadcast %add3A_688 : i32 to vector<16xi32>
        %add3A_690 = arith.addi %add3A_656, %add3A_689 : vector<16xi32>
        %gather3A_691 = tpu.vector_load_idx %arg6[%add3A_690] : memref<1744xf32, #tpu.memory_space<vmem>>[vector<16xi32>], vector<16xf32>,
        %add3A_692 = arith.constant 1153 : i32
        %add3A_693 = vector.broadcast %add3A_692 : i32 to vector<16xi32>
        %add3A_694 = arith.addi %add3A_660, %add3A_693 : vector<16xi32>
        %gather3A_695 = tpu.vector_load_idx %arg6[%add3A_694] : memref<1744xf32, #tpu.memory_space<vmem>>[vector<16xi32>], vector<16xf32>,
        %mul3A_696 = arith.mulf %gather3A_691, %get3A_209 : vector<16xf32>
        %add3A_697 = arith.addf %add3A_685, %mul3A_696 : vector<16xf32>
        %mul3A_698 = arith.mulf %gather3A_695, %get3A_209 : vector<16xf32>
        %add3A_699 = arith.addf %add3A_687, %mul3A_698 : vector<16xf32>
        %add3A_700 = arith.constant 1154 : i32
        %add3A_701 = vector.broadcast %add3A_700 : i32 to vector<16xi32>
        %add3A_702 = arith.addi %add3A_656, %add3A_701 : vector<16xi32>
        %gather3A_703 = tpu.vector_load_idx %arg6[%add3A_702] : memref<1744xf32, #tpu.memory_space<vmem>>[vector<16xi32>], vector<16xf32>,
        %add3A_704 = arith.constant 1154 : i32
        %add3A_705 = vector.broadcast %add3A_704 : i32 to vector<16xi32>
        %add3A_706 = arith.addi %add3A_660, %add3A_705 : vector<16xi32>
        %gather3A_707 = tpu.vector_load_idx %arg6[%add3A_706] : memref<1744xf32, #tpu.memory_space<vmem>>[vector<16xi32>], vector<16xf32>,
        %mul3A_708 = arith.mulf %gather3A_703, %get3A_213 : vector<16xf32>
        %add3A_709 = arith.addf %add3A_697, %mul3A_708 : vector<16xf32>
        %mul3A_710 = arith.mulf %gather3A_707, %get3A_213 : vector<16xf32>
        %add3A_711 = arith.addf %add3A_699, %mul3A_710 : vector<16xf32>
        %add3A_712 = arith.constant 1155 : i32
        %add3A_713 = vector.broadcast %add3A_712 : i32 to vector<16xi32>
        %add3A_714 = arith.addi %add3A_656, %add3A_713 : vector<16xi32>
        %gather3A_715 = tpu.vector_load_idx %arg6[%add3A_714] : memref<1744xf32, #tpu.memory_space<vmem>>[vector<16xi32>], vector<16xf32>,
        %add3A_716 = arith.constant 1155 : i32
        %add3A_717 = vector.broadcast %add3A_716 : i32 to vector<16xi32>
        %add3A_718 = arith.addi %add3A_660, %add3A_717 : vector<16xi32>
        %gather3A_719 = tpu.vector_load_idx %arg6[%add3A_718] : memref<1744xf32, #tpu.memory_space<vmem>>[vector<16xi32>], vector<16xf32>,
        %mul3A_720 = arith.mulf %gather3A_715, %get3A_217 : vector<16xf32>
        %add3A_721 = arith.addf %add3A_709, %mul3A_720 : vector<16xf32>
        %mul3A_722 = arith.mulf %gather3A_719, %get3A_217 : vector<16xf32>
        %add3A_723 = arith.addf %add3A_711, %mul3A_722 : vector<16xf32>
        %add3A_724 = arith.constant 1156 : i32
        %add3A_725 = vector.broadcast %add3A_724 : i32 to vector<16xi32>
        %add3A_726 = arith.addi %add3A_656, %add3A_725 : vector<16xi32>
        %gather3A_727 = tpu.vector_load_idx %arg6[%add3A_726] : memref<1744xf32, #tpu.memory_space<vmem>>[vector<16xi32>], vector<16xf32>,
        %add3A_728 = arith.constant 1156 : i32
        %add3A_729 = vector.broadcast %add3A_728 : i32 to vector<16xi32>
        %add3A_730 = arith.addi %add3A_660, %add3A_729 : vector<16xi32>
        %gather3A_731 = tpu.vector_load_idx %arg6[%add3A_730] : memref<1744xf32, #tpu.memory_space<vmem>>[vector<16xi32>], vector<16xf32>,
        %mul3A_732 = arith.mulf %gather3A_727, %get3A_221 : vector<16xf32>
        %add3A_733 = arith.addf %add3A_721, %mul3A_732 : vector<16xf32>
        %mul3A_734 = arith.mulf %gather3A_731, %get3A_221 : vector<16xf32>
        %add3A_735 = arith.addf %add3A_723, %mul3A_734 : vector<16xf32>
        %add3A_736 = arith.constant 1157 : i32
        %add3A_737 = vector.broadcast %add3A_736 : i32 to vector<16xi32>
        %add3A_738 = arith.addi %add3A_656, %add3A_737 : vector<16xi32>
        %gather3A_739 = tpu.vector_load_idx %arg6[%add3A_738] : memref<1744xf32, #tpu.memory_space<vmem>>[vector<16xi32>], vector<16xf32>,
        %add3A_740 = arith.constant 1157 : i32
        %add3A_741 = vector.broadcast %add3A_740 : i32 to vector<16xi32>
        %add3A_742 = arith.addi %add3A_660, %add3A_741 : vector<16xi32>
        %gather3A_743 = tpu.vector_load_idx %arg6[%add3A_742] : memref<1744xf32, #tpu.memory_space<vmem>>[vector<16xi32>], vector<16xf32>,
        %mul3A_744 = arith.mulf %gather3A_739, %get3A_225 : vector<16xf32>
        %add3A_745 = arith.addf %add3A_733, %mul3A_744 : vector<16xf32>
        %mul3A_746 = arith.mulf %gather3A_743, %get3A_225 : vector<16xf32>
        %add3A_747 = arith.addf %add3A_735, %mul3A_746 : vector<16xf32>
        %add3A_748 = arith.constant 1158 : i32
        %add3A_749 = vector.broadcast %add3A_748 : i32 to vector<16xi32>
        %add3A_750 = arith.addi %add3A_656, %add3A_749 : vector<16xi32>
        %gather3A_751 = tpu.vector_load_idx %arg6[%add3A_750] : memref<1744xf32, #tpu.memory_space<vmem>>[vector<16xi32>], vector<16xf32>,
        %add3A_752 = arith.constant 1158 : i32
        %add3A_753 = vector.broadcast %add3A_752 : i32 to vector<16xi32>
        %add3A_754 = arith.addi %add3A_660, %add3A_753 : vector<16xi32>
        %gather3A_755 = tpu.vector_load_idx %arg6[%add3A_754] : memref<1744xf32, #tpu.memory_space<vmem>>[vector<16xi32>], vector<16xf32>,
        %mul3A_756 = arith.mulf %gather3A_751, %get3A_229 : vector<16xf32>
        %add3A_757 = arith.addf %add3A_745, %mul3A_756 : vector<16xf32>
        %mul3A_758 = arith.mulf %gather3A_755, %get3A_229 : vector<16xf32>
        %add3A_759 = arith.addf %add3A_747, %mul3A_758 : vector<16xf32>
        %add3A_760 = arith.constant 1159 : i32
        %add3A_761 = vector.broadcast %add3A_760 : i32 to vector<16xi32>
        %add3A_762 = arith.addi %add3A_656, %add3A_761 : vector<16xi32>
        %gather3A_763 = tpu.vector_load_idx %arg6[%add3A_762] : memref<1744xf32, #tpu.memory_space<vmem>>[vector<16xi32>], vector<16xf32>,
        %add3A_764 = arith.constant 1159 : i32
        %add3A_765 = vector.broadcast %add3A_764 : i32 to vector<16xi32>
        %add3A_766 = arith.addi %add3A_660, %add3A_765 : vector<16xi32>
        %gather3A_767 = tpu.vector_load_idx %arg6[%add3A_766] : memref<1744xf32, #tpu.memory_space<vmem>>[vector<16xi32>], vector<16xf32>,
        %mul3A_768 = arith.mulf %gather3A_763, %get3A_233 : vector<16xf32>
        %add3A_769 = arith.addf %add3A_757, %mul3A_768 : vector<16xf32>
        %mul3A_770 = arith.mulf %gather3A_767, %get3A_233 : vector<16xf32>
        %add3A_771 = arith.addf %add3A_759, %mul3A_770 : vector<16xf32>
        %mul3A_772 = arith.mulf %sub3A_595, %add3A_769 : vector<16xf32>
        %mul3A_773 = arith.mulf %div3A_592, %add3A_771 : vector<16xf32>
        %add3A_774 = arith.addf %mul3A_772, %mul3A_773 : vector<16xf32>
        %add3A_775 = arith.constant 1673 : i32
        %add3A_776 = vector.broadcast %add3A_775 : i32 to vector<16xi32>
        %add3A_777 = arith.addi %add3A_664, %add3A_776 : vector<16xi32>
        %gather3A_778 = tpu.vector_load_idx %arg6[%add3A_777] : memref<1744xf32, #tpu.memory_space<vmem>>[vector<16xi32>], vector<16xf32>,
        %add3A_779 = arith.constant 1673 : i32
        %add3A_780 = vector.broadcast %add3A_779 : i32 to vector<16xi32>
        %add3A_781 = arith.addi %add3A_668, %add3A_780 : vector<16xi32>
        %gather3A_782 = tpu.vector_load_idx %arg6[%add3A_781] : memref<1744xf32, #tpu.memory_space<vmem>>[vector<16xi32>], vector<16xf32>,
        %add3A_783 = arith.constant 1160 : i32
        %add3A_784 = vector.broadcast %add3A_783 : i32 to vector<16xi32>
        %add3A_785 = arith.addi %add3A_656, %add3A_784 : vector<16xi32>
        %gather3A_786 = tpu.vector_load_idx %arg6[%add3A_785] : memref<1744xf32, #tpu.memory_space<vmem>>[vector<16xi32>], vector<16xf32>,
        %add3A_787 = arith.constant 1160 : i32
        %add3A_788 = vector.broadcast %add3A_787 : i32 to vector<16xi32>
        %add3A_789 = arith.addi %add3A_660, %add3A_788 : vector<16xi32>
        %gather3A_790 = tpu.vector_load_idx %arg6[%add3A_789] : memref<1744xf32, #tpu.memory_space<vmem>>[vector<16xi32>], vector<16xf32>,
        %mul3A_791 = arith.mulf %gather3A_786, %get3A_205 : vector<16xf32>
        %add3A_792 = arith.addf %gather3A_778, %mul3A_791 : vector<16xf32>
        %mul3A_793 = arith.mulf %gather3A_790, %get3A_205 : vector<16xf32>
        %add3A_794 = arith.addf %gather3A_782, %mul3A_793 : vector<16xf32>
        %add3A_795 = arith.constant 1161 : i32
        %add3A_796 = vector.broadcast %add3A_795 : i32 to vector<16xi32>
        %add3A_797 = arith.addi %add3A_656, %add3A_796 : vector<16xi32>
        %gather3A_798 = tpu.vector_load_idx %arg6[%add3A_797] : memref<1744xf32, #tpu.memory_space<vmem>>[vector<16xi32>], vector<16xf32>,
        %add3A_799 = arith.constant 1161 : i32
        %add3A_800 = vector.broadcast %add3A_799 : i32 to vector<16xi32>
        %add3A_801 = arith.addi %add3A_660, %add3A_800 : vector<16xi32>
        %gather3A_802 = tpu.vector_load_idx %arg6[%add3A_801] : memref<1744xf32, #tpu.memory_space<vmem>>[vector<16xi32>], vector<16xf32>,
        %mul3A_803 = arith.mulf %gather3A_798, %get3A_209 : vector<16xf32>
        %add3A_804 = arith.addf %add3A_792, %mul3A_803 : vector<16xf32>
        %mul3A_805 = arith.mulf %gather3A_802, %get3A_209 : vector<16xf32>
        %add3A_806 = arith.addf %add3A_794, %mul3A_805 : vector<16xf32>
        %add3A_807 = arith.constant 1162 : i32
        %add3A_808 = vector.broadcast %add3A_807 : i32 to vector<16xi32>
        %add3A_809 = arith.addi %add3A_656, %add3A_808 : vector<16xi32>
        %gather3A_810 = tpu.vector_load_idx %arg6[%add3A_809] : memref<1744xf32, #tpu.memory_space<vmem>>[vector<16xi32>], vector<16xf32>,
        %add3A_811 = arith.constant 1162 : i32
        %add3A_812 = vector.broadcast %add3A_811 : i32 to vector<16xi32>
        %add3A_813 = arith.addi %add3A_660, %add3A_812 : vector<16xi32>
        %gather3A_814 = tpu.vector_load_idx %arg6[%add3A_813] : memref<1744xf32, #tpu.memory_space<vmem>>[vector<16xi32>], vector<16xf32>,
        %mul3A_815 = arith.mulf %gather3A_810, %get3A_213 : vector<16xf32>
        %add3A_816 = arith.addf %add3A_804, %mul3A_815 : vector<16xf32>
        %mul3A_817 = arith.mulf %gather3A_814, %get3A_213 : vector<16xf32>
        %add3A_818 = arith.addf %add3A_806, %mul3A_817 : vector<16xf32>
        %add3A_819 = arith.constant 1163 : i32
        %add3A_820 = vector.broadcast %add3A_819 : i32 to vector<16xi32>
        %add3A_821 = arith.addi %add3A_656, %add3A_820 : vector<16xi32>
        %gather3A_822 = tpu.vector_load_idx %arg6[%add3A_821] : memref<1744xf32, #tpu.memory_space<vmem>>[vector<16xi32>], vector<16xf32>,
        %add3A_823 = arith.constant 1163 : i32
        %add3A_824 = vector.broadcast %add3A_823 : i32 to vector<16xi32>
        %add3A_825 = arith.addi %add3A_660, %add3A_824 : vector<16xi32>
        %gather3A_826 = tpu.vector_load_idx %arg6[%add3A_825] : memref<1744xf32, #tpu.memory_space<vmem>>[vector<16xi32>], vector<16xf32>,
        %mul3A_827 = arith.mulf %gather3A_822, %get3A_217 : vector<16xf32>
        %add3A_828 = arith.addf %add3A_816, %mul3A_827 : vector<16xf32>
        %mul3A_829 = arith.mulf %gather3A_826, %get3A_217 : vector<16xf32>
        %add3A_830 = arith.addf %add3A_818, %mul3A_829 : vector<16xf32>
        %add3A_831 = arith.constant 1164 : i32
        %add3A_832 = vector.broadcast %add3A_831 : i32 to vector<16xi32>
        %add3A_833 = arith.addi %add3A_656, %add3A_832 : vector<16xi32>
        %gather3A_834 = tpu.vector_load_idx %arg6[%add3A_833] : memref<1744xf32, #tpu.memory_space<vmem>>[vector<16xi32>], vector<16xf32>,
        %add3A_835 = arith.constant 1164 : i32
        %add3A_836 = vector.broadcast %add3A_835 : i32 to vector<16xi32>
        %add3A_837 = arith.addi %add3A_660, %add3A_836 : vector<16xi32>
        %gather3A_838 = tpu.vector_load_idx %arg6[%add3A_837] : memref<1744xf32, #tpu.memory_space<vmem>>[vector<16xi32>], vector<16xf32>,
        %mul3A_839 = arith.mulf %gather3A_834, %get3A_221 : vector<16xf32>
        %add3A_840 = arith.addf %add3A_828, %mul3A_839 : vector<16xf32>
        %mul3A_841 = arith.mulf %gather3A_838, %get3A_221 : vector<16xf32>
        %add3A_842 = arith.addf %add3A_830, %mul3A_841 : vector<16xf32>
        %add3A_843 = arith.constant 1165 : i32
        %add3A_844 = vector.broadcast %add3A_843 : i32 to vector<16xi32>
        %add3A_845 = arith.addi %add3A_656, %add3A_844 : vector<16xi32>
        %gather3A_846 = tpu.vector_load_idx %arg6[%add3A_845] : memref<1744xf32, #tpu.memory_space<vmem>>[vector<16xi32>], vector<16xf32>,
        %add3A_847 = arith.constant 1165 : i32
        %add3A_848 = vector.broadcast %add3A_847 : i32 to vector<16xi32>
        %add3A_849 = arith.addi %add3A_660, %add3A_848 : vector<16xi32>
        %gather3A_850 = tpu.vector_load_idx %arg6[%add3A_849] : memref<1744xf32, #tpu.memory_space<vmem>>[vector<16xi32>], vector<16xf32>,
        %mul3A_851 = arith.mulf %gather3A_846, %get3A_225 : vector<16xf32>
        %add3A_852 = arith.addf %add3A_840, %mul3A_851 : vector<16xf32>
        %mul3A_853 = arith.mulf %gather3A_850, %get3A_225 : vector<16xf32>
        %add3A_854 = arith.addf %add3A_842, %mul3A_853 : vector<16xf32>
        %add3A_855 = arith.constant 1166 : i32
        %add3A_856 = vector.broadcast %add3A_855 : i32 to vector<16xi32>
        %add3A_857 = arith.addi %add3A_656, %add3A_856 : vector<16xi32>
        %gather3A_858 = tpu.vector_load_idx %arg6[%add3A_857] : memref<1744xf32, #tpu.memory_space<vmem>>[vector<16xi32>], vector<16xf32>,
        %add3A_859 = arith.constant 1166 : i32
        %add3A_860 = vector.broadcast %add3A_859 : i32 to vector<16xi32>
        %add3A_861 = arith.addi %add3A_660, %add3A_860 : vector<16xi32>
        %gather3A_862 = tpu.vector_load_idx %arg6[%add3A_861] : memref<1744xf32, #tpu.memory_space<vmem>>[vector<16xi32>], vector<16xf32>,
        %mul3A_863 = arith.mulf %gather3A_858, %get3A_229 : vector<16xf32>
        %add3A_864 = arith.addf %add3A_852, %mul3A_863 : vector<16xf32>
        %mul3A_865 = arith.mulf %gather3A_862, %get3A_229 : vector<16xf32>
        %add3A_866 = arith.addf %add3A_854, %mul3A_865 : vector<16xf32>
        %add3A_867 = arith.constant 1167 : i32
        %add3A_868 = vector.broadcast %add3A_867 : i32 to vector<16xi32>
        %add3A_869 = arith.addi %add3A_656, %add3A_868 : vector<16xi32>
        %gather3A_870 = tpu.vector_load_idx %arg6[%add3A_869] : memref<1744xf32, #tpu.memory_space<vmem>>[vector<16xi32>], vector<16xf32>,
        %add3A_871 = arith.constant 1167 : i32
        %add3A_872 = vector.broadcast %add3A_871 : i32 to vector<16xi32>
        %add3A_873 = arith.addi %add3A_660, %add3A_872 : vector<16xi32>
        %gather3A_874 = tpu.vector_load_idx %arg6[%add3A_873] : memref<1744xf32, #tpu.memory_space<vmem>>[vector<16xi32>], vector<16xf32>,
        %mul3A_875 = arith.mulf %gather3A_870, %get3A_233 : vector<16xf32>
        %add3A_876 = arith.addf %add3A_864, %mul3A_875 : vector<16xf32>
        %mul3A_877 = arith.mulf %gather3A_874, %get3A_233 : vector<16xf32>
        %add3A_878 = arith.addf %add3A_866, %mul3A_877 : vector<16xf32>
        %mul3A_879 = arith.mulf %sub3A_595, %add3A_876 : vector<16xf32>
        %mul3A_880 = arith.mulf %div3A_592, %add3A_878 : vector<16xf32>
        %add3A_881 = arith.addf %mul3A_879, %mul3A_880 : vector<16xf32>
        %add3A_882 = arith.constant 1674 : i32
        %add3A_883 = vector.broadcast %add3A_882 : i32 to vector<16xi32>
        %add3A_884 = arith.addi %add3A_664, %add3A_883 : vector<16xi32>
        %gather3A_885 = tpu.vector_load_idx %arg6[%add3A_884] : memref<1744xf32, #tpu.memory_space<vmem>>[vector<16xi32>], vector<16xf32>,
        %add3A_886 = arith.constant 1674 : i32
        %add3A_887 = vector.broadcast %add3A_886 : i32 to vector<16xi32>
        %add3A_888 = arith.addi %add3A_668, %add3A_887 : vector<16xi32>
        %gather3A_889 = tpu.vector_load_idx %arg6[%add3A_888] : memref<1744xf32, #tpu.memory_space<vmem>>[vector<16xi32>], vector<16xf32>,
        %add3A_890 = arith.constant 1168 : i32
        %add3A_891 = vector.broadcast %add3A_890 : i32 to vector<16xi32>
        %add3A_892 = arith.addi %add3A_656, %add3A_891 : vector<16xi32>
        %gather3A_893 = tpu.vector_load_idx %arg6[%add3A_892] : memref<1744xf32, #tpu.memory_space<vmem>>[vector<16xi32>], vector<16xf32>,
        %add3A_894 = arith.constant 1168 : i32
        %add3A_895 = vector.broadcast %add3A_894 : i32 to vector<16xi32>
        %add3A_896 = arith.addi %add3A_660, %add3A_895 : vector<16xi32>
        %gather3A_897 = tpu.vector_load_idx %arg6[%add3A_896] : memref<1744xf32, #tpu.memory_space<vmem>>[vector<16xi32>], vector<16xf32>,
        %mul3A_898 = arith.mulf %gather3A_893, %get3A_205 : vector<16xf32>
        %add3A_899 = arith.addf %gather3A_885, %mul3A_898 : vector<16xf32>
        %mul3A_900 = arith.mulf %gather3A_897, %get3A_205 : vector<16xf32>
        %add3A_901 = arith.addf %gather3A_889, %mul3A_900 : vector<16xf32>
        %add3A_902 = arith.constant 1169 : i32
        %add3A_903 = vector.broadcast %add3A_902 : i32 to vector<16xi32>
        %add3A_904 = arith.addi %add3A_656, %add3A_903 : vector<16xi32>
        %gather3A_905 = tpu.vector_load_idx %arg6[%add3A_904] : memref<1744xf32, #tpu.memory_space<vmem>>[vector<16xi32>], vector<16xf32>,
        %add3A_906 = arith.constant 1169 : i32
        %add3A_907 = vector.broadcast %add3A_906 : i32 to vector<16xi32>
        %add3A_908 = arith.addi %add3A_660, %add3A_907 : vector<16xi32>
        %gather3A_909 = tpu.vector_load_idx %arg6[%add3A_908] : memref<1744xf32, #tpu.memory_space<vmem>>[vector<16xi32>], vector<16xf32>,
        %mul3A_910 = arith.mulf %gather3A_905, %get3A_209 : vector<16xf32>
        %add3A_911 = arith.addf %add3A_899, %mul3A_910 : vector<16xf32>
        %mul3A_912 = arith.mulf %gather3A_909, %get3A_209 : vector<16xf32>
        %add3A_913 = arith.addf %add3A_901, %mul3A_912 : vector<16xf32>
        %add3A_914 = arith.constant 1170 : i32
        %add3A_915 = vector.broadcast %add3A_914 : i32 to vector<16xi32>
        %add3A_916 = arith.addi %add3A_656, %add3A_915 : vector<16xi32>
        %gather3A_917 = tpu.vector_load_idx %arg6[%add3A_916] : memref<1744xf32, #tpu.memory_space<vmem>>[vector<16xi32>], vector<16xf32>,
        %add3A_918 = arith.constant 1170 : i32
        %add3A_919 = vector.broadcast %add3A_918 : i32 to vector<16xi32>
        %add3A_920 = arith.addi %add3A_660, %add3A_919 : vector<16xi32>
        %gather3A_921 = tpu.vector_load_idx %arg6[%add3A_920] : memref<1744xf32, #tpu.memory_space<vmem>>[vector<16xi32>], vector<16xf32>,
        %mul3A_922 = arith.mulf %gather3A_917, %get3A_213 : vector<16xf32>
        %add3A_923 = arith.addf %add3A_911, %mul3A_922 : vector<16xf32>
        %mul3A_924 = arith.mulf %gather3A_921, %get3A_213 : vector<16xf32>
        %add3A_925 = arith.addf %add3A_913, %mul3A_924 : vector<16xf32>
        %add3A_926 = arith.constant 1171 : i32
        %add3A_927 = vector.broadcast %add3A_926 : i32 to vector<16xi32>
        %add3A_928 = arith.addi %add3A_656, %add3A_927 : vector<16xi32>
        %gather3A_929 = tpu.vector_load_idx %arg6[%add3A_928] : memref<1744xf32, #tpu.memory_space<vmem>>[vector<16xi32>], vector<16xf32>,
        %add3A_930 = arith.constant 1171 : i32
        %add3A_931 = vector.broadcast %add3A_930 : i32 to vector<16xi32>
        %add3A_932 = arith.addi %add3A_660, %add3A_931 : vector<16xi32>
        %gather3A_933 = tpu.vector_load_idx %arg6[%add3A_932] : memref<1744xf32, #tpu.memory_space<vmem>>[vector<16xi32>], vector<16xf32>,
        %mul3A_934 = arith.mulf %gather3A_929, %get3A_217 : vector<16xf32>
        %add3A_935 = arith.addf %add3A_923, %mul3A_934 : vector<16xf32>
        %mul3A_936 = arith.mulf %gather3A_933, %get3A_217 : vector<16xf32>
        %add3A_937 = arith.addf %add3A_925, %mul3A_936 : vector<16xf32>
        %add3A_938 = arith.constant 1172 : i32
        %add3A_939 = vector.broadcast %add3A_938 : i32 to vector<16xi32>
        %add3A_940 = arith.addi %add3A_656, %add3A_939 : vector<16xi32>
        %gather3A_941 = tpu.vector_load_idx %arg6[%add3A_940] : memref<1744xf32, #tpu.memory_space<vmem>>[vector<16xi32>], vector<16xf32>,
        %add3A_942 = arith.constant 1172 : i32
        %add3A_943 = vector.broadcast %add3A_942 : i32 to vector<16xi32>
        %add3A_944 = arith.addi %add3A_660, %add3A_943 : vector<16xi32>
        %gather3A_945 = tpu.vector_load_idx %arg6[%add3A_944] : memref<1744xf32, #tpu.memory_space<vmem>>[vector<16xi32>], vector<16xf32>,
        %mul3A_946 = arith.mulf %gather3A_941, %get3A_221 : vector<16xf32>
        %add3A_947 = arith.addf %add3A_935, %mul3A_946 : vector<16xf32>
        %mul3A_948 = arith.mulf %gather3A_945, %get3A_221 : vector<16xf32>
        %add3A_949 = arith.addf %add3A_937, %mul3A_948 : vector<16xf32>
        %add3A_950 = arith.constant 1173 : i32
        %add3A_951 = vector.broadcast %add3A_950 : i32 to vector<16xi32>
        %add3A_952 = arith.addi %add3A_656, %add3A_951 : vector<16xi32>
        %gather3A_953 = tpu.vector_load_idx %arg6[%add3A_952] : memref<1744xf32, #tpu.memory_space<vmem>>[vector<16xi32>], vector<16xf32>,
        %add3A_954 = arith.constant 1173 : i32
        %add3A_955 = vector.broadcast %add3A_954 : i32 to vector<16xi32>
        %add3A_956 = arith.addi %add3A_660, %add3A_955 : vector<16xi32>
        %gather3A_957 = tpu.vector_load_idx %arg6[%add3A_956] : memref<1744xf32, #tpu.memory_space<vmem>>[vector<16xi32>], vector<16xf32>,
        %mul3A_958 = arith.mulf %gather3A_953, %get3A_225 : vector<16xf32>
        %add3A_959 = arith.addf %add3A_947, %mul3A_958 : vector<16xf32>
        %mul3A_960 = arith.mulf %gather3A_957, %get3A_225 : vector<16xf32>
        %add3A_961 = arith.addf %add3A_949, %mul3A_960 : vector<16xf32>
        %add3A_962 = arith.constant 1174 : i32
        %add3A_963 = vector.broadcast %add3A_962 : i32 to vector<16xi32>
        %add3A_964 = arith.addi %add3A_656, %add3A_963 : vector<16xi32>
        %gather3A_965 = tpu.vector_load_idx %arg6[%add3A_964] : memref<1744xf32, #tpu.memory_space<vmem>>[vector<16xi32>], vector<16xf32>,
        %add3A_966 = arith.constant 1174 : i32
        %add3A_967 = vector.broadcast %add3A_966 : i32 to vector<16xi32>
        %add3A_968 = arith.addi %add3A_660, %add3A_967 : vector<16xi32>
        %gather3A_969 = tpu.vector_load_idx %arg6[%add3A_968] : memref<1744xf32, #tpu.memory_space<vmem>>[vector<16xi32>], vector<16xf32>,
        %mul3A_970 = arith.mulf %gather3A_965, %get3A_229 : vector<16xf32>
        %add3A_971 = arith.addf %add3A_959, %mul3A_970 : vector<16xf32>
        %mul3A_972 = arith.mulf %gather3A_969, %get3A_229 : vector<16xf32>
        %add3A_973 = arith.addf %add3A_961, %mul3A_972 : vector<16xf32>
        %add3A_974 = arith.constant 1175 : i32
        %add3A_975 = vector.broadcast %add3A_974 : i32 to vector<16xi32>
        %add3A_976 = arith.addi %add3A_656, %add3A_975 : vector<16xi32>
        %gather3A_977 = tpu.vector_load_idx %arg6[%add3A_976] : memref<1744xf32, #tpu.memory_space<vmem>>[vector<16xi32>], vector<16xf32>,
        %add3A_978 = arith.constant 1175 : i32
        %add3A_979 = vector.broadcast %add3A_978 : i32 to vector<16xi32>
        %add3A_980 = arith.addi %add3A_660, %add3A_979 : vector<16xi32>
        %gather3A_981 = tpu.vector_load_idx %arg6[%add3A_980] : memref<1744xf32, #tpu.memory_space<vmem>>[vector<16xi32>], vector<16xf32>,
        %mul3A_982 = arith.mulf %gather3A_977, %get3A_233 : vector<16xf32>
        %add3A_983 = arith.addf %add3A_971, %mul3A_982 : vector<16xf32>
        %mul3A_984 = arith.mulf %gather3A_981, %get3A_233 : vector<16xf32>
        %add3A_985 = arith.addf %add3A_973, %mul3A_984 : vector<16xf32>
        %mul3A_986 = arith.mulf %sub3A_595, %add3A_983 : vector<16xf32>
        %mul3A_987 = arith.mulf %div3A_592, %add3A_985 : vector<16xf32>
        %add3A_988 = arith.addf %mul3A_986, %mul3A_987 : vector<16xf32>
        %add3A_989 = arith.constant 1675 : i32
        %add3A_990 = vector.broadcast %add3A_989 : i32 to vector<16xi32>
        %add3A_991 = arith.addi %add3A_664, %add3A_990 : vector<16xi32>
        %gather3A_992 = tpu.vector_load_idx %arg6[%add3A_991] : memref<1744xf32, #tpu.memory_space<vmem>>[vector<16xi32>], vector<16xf32>,
        %add3A_993 = arith.constant 1675 : i32
        %add3A_994 = vector.broadcast %add3A_993 : i32 to vector<16xi32>
        %add3A_995 = arith.addi %add3A_668, %add3A_994 : vector<16xi32>
        %gather3A_996 = tpu.vector_load_idx %arg6[%add3A_995] : memref<1744xf32, #tpu.memory_space<vmem>>[vector<16xi32>], vector<16xf32>,
        %add3A_997 = arith.constant 1176 : i32
        %add3A_998 = vector.broadcast %add3A_997 : i32 to vector<16xi32>
        %add3A_999 = arith.addi %add3A_656, %add3A_998 : vector<16xi32>
        %gather3A_1000 = tpu.vector_load_idx %arg6[%add3A_999] : memref<1744xf32, #tpu.memory_space<vmem>>[vector<16xi32>], vector<16xf32>,
        %add3A_1001 = arith.constant 1176 : i32
        %add3A_1002 = vector.broadcast %add3A_1001 : i32 to vector<16xi32>
        %add3A_1003 = arith.addi %add3A_660, %add3A_1002 : vector<16xi32>
        %gather3A_1004 = tpu.vector_load_idx %arg6[%add3A_1003] : memref<1744xf32, #tpu.memory_space<vmem>>[vector<16xi32>], vector<16xf32>,
        %mul3A_1005 = arith.mulf %gather3A_1000, %get3A_205 : vector<16xf32>
        %add3A_1006 = arith.addf %gather3A_992, %mul3A_1005 : vector<16xf32>
        %mul3A_1007 = arith.mulf %gather3A_1004, %get3A_205 : vector<16xf32>
        %add3A_1008 = arith.addf %gather3A_996, %mul3A_1007 : vector<16xf32>
        %add3A_1009 = arith.constant 1177 : i32
        %add3A_1010 = vector.broadcast %add3A_1009 : i32 to vector<16xi32>
        %add3A_1011 = arith.addi %add3A_656, %add3A_1010 : vector<16xi32>
        %gather3A_1012 = tpu.vector_load_idx %arg6[%add3A_1011] : memref<1744xf32, #tpu.memory_space<vmem>>[vector<16xi32>], vector<16xf32>,
        %add3A_1013 = arith.constant 1177 : i32
        %add3A_1014 = vector.broadcast %add3A_1013 : i32 to vector<16xi32>
        %add3A_1015 = arith.addi %add3A_660, %add3A_1014 : vector<16xi32>
        %gather3A_1016 = tpu.vector_load_idx %arg6[%add3A_1015] : memref<1744xf32, #tpu.memory_space<vmem>>[vector<16xi32>], vector<16xf32>,
        %mul3A_1017 = arith.mulf %gather3A_1012, %get3A_209 : vector<16xf32>
        %add3A_1018 = arith.addf %add3A_1006, %mul3A_1017 : vector<16xf32>
        %mul3A_1019 = arith.mulf %gather3A_1016, %get3A_209 : vector<16xf32>
        %add3A_1020 = arith.addf %add3A_1008, %mul3A_1019 : vector<16xf32>
        %add3A_1021 = arith.constant 1178 : i32
        %add3A_1022 = vector.broadcast %add3A_1021 : i32 to vector<16xi32>
        %add3A_1023 = arith.addi %add3A_656, %add3A_1022 : vector<16xi32>
        %gather3A_1024 = tpu.vector_load_idx %arg6[%add3A_1023] : memref<1744xf32, #tpu.memory_space<vmem>>[vector<16xi32>], vector<16xf32>,
        %add3A_1025 = arith.constant 1178 : i32
        %add3A_1026 = vector.broadcast %add3A_1025 : i32 to vector<16xi32>
        %add3A_1027 = arith.addi %add3A_660, %add3A_1026 : vector<16xi32>
        %gather3A_1028 = tpu.vector_load_idx %arg6[%add3A_1027] : memref<1744xf32, #tpu.memory_space<vmem>>[vector<16xi32>], vector<16xf32>,
        %mul3A_1029 = arith.mulf %gather3A_1024, %get3A_213 : vector<16xf32>
        %add3A_1030 = arith.addf %add3A_1018, %mul3A_1029 : vector<16xf32>
        %mul3A_1031 = arith.mulf %gather3A_1028, %get3A_213 : vector<16xf32>
        %add3A_1032 = arith.addf %add3A_1020, %mul3A_1031 : vector<16xf32>
        %add3A_1033 = arith.constant 1179 : i32
        %add3A_1034 = vector.broadcast %add3A_1033 : i32 to vector<16xi32>
        %add3A_1035 = arith.addi %add3A_656, %add3A_1034 : vector<16xi32>
        %gather3A_1036 = tpu.vector_load_idx %arg6[%add3A_1035] : memref<1744xf32, #tpu.memory_space<vmem>>[vector<16xi32>], vector<16xf32>,
        %add3A_1037 = arith.constant 1179 : i32
        %add3A_1038 = vector.broadcast %add3A_1037 : i32 to vector<16xi32>
        %add3A_1039 = arith.addi %add3A_660, %add3A_1038 : vector<16xi32>
        %gather3A_1040 = tpu.vector_load_idx %arg6[%add3A_1039] : memref<1744xf32, #tpu.memory_space<vmem>>[vector<16xi32>], vector<16xf32>,
        %mul3A_1041 = arith.mulf %gather3A_1036, %get3A_217 : vector<16xf32>
        %add3A_1042 = arith.addf %add3A_1030, %mul3A_1041 : vector<16xf32>
        %mul3A_1043 = arith.mulf %gather3A_1040, %get3A_217 : vector<16xf32>
        %add3A_1044 = arith.addf %add3A_1032, %mul3A_1043 : vector<16xf32>
        %add3A_1045 = arith.constant 1180 : i32
        %add3A_1046 = vector.broadcast %add3A_1045 : i32 to vector<16xi32>
        %add3A_1047 = arith.addi %add3A_656, %add3A_1046 : vector<16xi32>
        %gather3A_1048 = tpu.vector_load_idx %arg6[%add3A_1047] : memref<1744xf32, #tpu.memory_space<vmem>>[vector<16xi32>], vector<16xf32>,
        %add3A_1049 = arith.constant 1180 : i32
        %add3A_1050 = vector.broadcast %add3A_1049 : i32 to vector<16xi32>
        %add3A_1051 = arith.addi %add3A_660, %add3A_1050 : vector<16xi32>
        %gather3A_1052 = tpu.vector_load_idx %arg6[%add3A_1051] : memref<1744xf32, #tpu.memory_space<vmem>>[vector<16xi32>], vector<16xf32>,
        %mul3A_1053 = arith.mulf %gather3A_1048, %get3A_221 : vector<16xf32>
        %add3A_1054 = arith.addf %add3A_1042, %mul3A_1053 : vector<16xf32>
        %mul3A_1055 = arith.mulf %gather3A_1052, %get3A_221 : vector<16xf32>
        %add3A_1056 = arith.addf %add3A_1044, %mul3A_1055 : vector<16xf32>
        %add3A_1057 = arith.constant 1181 : i32
        %add3A_1058 = vector.broadcast %add3A_1057 : i32 to vector<16xi32>
        %add3A_1059 = arith.addi %add3A_656, %add3A_1058 : vector<16xi32>
        %gather3A_1060 = tpu.vector_load_idx %arg6[%add3A_1059] : memref<1744xf32, #tpu.memory_space<vmem>>[vector<16xi32>], vector<16xf32>,
        %add3A_1061 = arith.constant 1181 : i32
        %add3A_1062 = vector.broadcast %add3A_1061 : i32 to vector<16xi32>
        %add3A_1063 = arith.addi %add3A_660, %add3A_1062 : vector<16xi32>
        %gather3A_1064 = tpu.vector_load_idx %arg6[%add3A_1063] : memref<1744xf32, #tpu.memory_space<vmem>>[vector<16xi32>], vector<16xf32>,
        %mul3A_1065 = arith.mulf %gather3A_1060, %get3A_225 : vector<16xf32>
        %add3A_1066 = arith.addf %add3A_1054, %mul3A_1065 : vector<16xf32>
        %mul3A_1067 = arith.mulf %gather3A_1064, %get3A_225 : vector<16xf32>
        %add3A_1068 = arith.addf %add3A_1056, %mul3A_1067 : vector<16xf32>
        %add3A_1069 = arith.constant 1182 : i32
        %add3A_1070 = vector.broadcast %add3A_1069 : i32 to vector<16xi32>
        %add3A_1071 = arith.addi %add3A_656, %add3A_1070 : vector<16xi32>
        %gather3A_1072 = tpu.vector_load_idx %arg6[%add3A_1071] : memref<1744xf32, #tpu.memory_space<vmem>>[vector<16xi32>], vector<16xf32>,
        %add3A_1073 = arith.constant 1182 : i32
        %add3A_1074 = vector.broadcast %add3A_1073 : i32 to vector<16xi32>
        %add3A_1075 = arith.addi %add3A_660, %add3A_1074 : vector<16xi32>
        %gather3A_1076 = tpu.vector_load_idx %arg6[%add3A_1075] : memref<1744xf32, #tpu.memory_space<vmem>>[vector<16xi32>], vector<16xf32>,
        %mul3A_1077 = arith.mulf %gather3A_1072, %get3A_229 : vector<16xf32>
        %add3A_1078 = arith.addf %add3A_1066, %mul3A_1077 : vector<16xf32>
        %mul3A_1079 = arith.mulf %gather3A_1076, %get3A_229 : vector<16xf32>
        %add3A_1080 = arith.addf %add3A_1068, %mul3A_1079 : vector<16xf32>
        %add3A_1081 = arith.constant 1183 : i32
        %add3A_1082 = vector.broadcast %add3A_1081 : i32 to vector<16xi32>
        %add3A_1083 = arith.addi %add3A_656, %add3A_1082 : vector<16xi32>
        %gather3A_1084 = tpu.vector_load_idx %arg6[%add3A_1083] : memref<1744xf32, #tpu.memory_space<vmem>>[vector<16xi32>], vector<16xf32>,
        %add3A_1085 = arith.constant 1183 : i32
        %add3A_1086 = vector.broadcast %add3A_1085 : i32 to vector<16xi32>
        %add3A_1087 = arith.addi %add3A_660, %add3A_1086 : vector<16xi32>
        %gather3A_1088 = tpu.vector_load_idx %arg6[%add3A_1087] : memref<1744xf32, #tpu.memory_space<vmem>>[vector<16xi32>], vector<16xf32>,
        %mul3A_1089 = arith.mulf %gather3A_1084, %get3A_233 : vector<16xf32>
        %add3A_1090 = arith.addf %add3A_1078, %mul3A_1089 : vector<16xf32>
        %mul3A_1091 = arith.mulf %gather3A_1088, %get3A_233 : vector<16xf32>
        %add3A_1092 = arith.addf %add3A_1080, %mul3A_1091 : vector<16xf32>
        %mul3A_1093 = arith.mulf %sub3A_595, %add3A_1090 : vector<16xf32>
        %mul3A_1094 = arith.mulf %div3A_592, %add3A_1092 : vector<16xf32>
        %add3A_1095 = arith.addf %mul3A_1093, %mul3A_1094 : vector<16xf32>
        %add3A_1096 = arith.constant 1676 : i32
        %add3A_1097 = vector.broadcast %add3A_1096 : i32 to vector<16xi32>
        %add3A_1098 = arith.addi %add3A_664, %add3A_1097 : vector<16xi32>
        %gather3A_1099 = tpu.vector_load_idx %arg6[%add3A_1098] : memref<1744xf32, #tpu.memory_space<vmem>>[vector<16xi32>], vector<16xf32>,
        %add3A_1100 = arith.constant 1676 : i32
        %add3A_1101 = vector.broadcast %add3A_1100 : i32 to vector<16xi32>
        %add3A_1102 = arith.addi %add3A_668, %add3A_1101 : vector<16xi32>
        %gather3A_1103 = tpu.vector_load_idx %arg6[%add3A_1102] : memref<1744xf32, #tpu.memory_space<vmem>>[vector<16xi32>], vector<16xf32>,
        %add3A_1104 = arith.constant 1184 : i32
        %add3A_1105 = vector.broadcast %add3A_1104 : i32 to vector<16xi32>
        %add3A_1106 = arith.addi %add3A_656, %add3A_1105 : vector<16xi32>
        %gather3A_1107 = tpu.vector_load_idx %arg6[%add3A_1106] : memref<1744xf32, #tpu.memory_space<vmem>>[vector<16xi32>], vector<16xf32>,
        %add3A_1108 = arith.constant 1184 : i32
        %add3A_1109 = vector.broadcast %add3A_1108 : i32 to vector<16xi32>
        %add3A_1110 = arith.addi %add3A_660, %add3A_1109 : vector<16xi32>
        %gather3A_1111 = tpu.vector_load_idx %arg6[%add3A_1110] : memref<1744xf32, #tpu.memory_space<vmem>>[vector<16xi32>], vector<16xf32>,
        %mul3A_1112 = arith.mulf %gather3A_1107, %get3A_205 : vector<16xf32>
        %add3A_1113 = arith.addf %gather3A_1099, %mul3A_1112 : vector<16xf32>
        %mul3A_1114 = arith.mulf %gather3A_1111, %get3A_205 : vector<16xf32>
        %add3A_1115 = arith.addf %gather3A_1103, %mul3A_1114 : vector<16xf32>
        %add3A_1116 = arith.constant 1185 : i32
        %add3A_1117 = vector.broadcast %add3A_1116 : i32 to vector<16xi32>
        %add3A_1118 = arith.addi %add3A_656, %add3A_1117 : vector<16xi32>
        %gather3A_1119 = tpu.vector_load_idx %arg6[%add3A_1118] : memref<1744xf32, #tpu.memory_space<vmem>>[vector<16xi32>], vector<16xf32>,
        %add3A_1120 = arith.constant 1185 : i32
        %add3A_1121 = vector.broadcast %add3A_1120 : i32 to vector<16xi32>
        %add3A_1122 = arith.addi %add3A_660, %add3A_1121 : vector<16xi32>
        %gather3A_1123 = tpu.vector_load_idx %arg6[%add3A_1122] : memref<1744xf32, #tpu.memory_space<vmem>>[vector<16xi32>], vector<16xf32>,
        %mul3A_1124 = arith.mulf %gather3A_1119, %get3A_209 : vector<16xf32>
        %add3A_1125 = arith.addf %add3A_1113, %mul3A_1124 : vector<16xf32>
        %mul3A_1126 = arith.mulf %gather3A_1123, %get3A_209 : vector<16xf32>
        %add3A_1127 = arith.addf %add3A_1115, %mul3A_1126 : vector<16xf32>
        %add3A_1128 = arith.constant 1186 : i32
        %add3A_1129 = vector.broadcast %add3A_1128 : i32 to vector<16xi32>
        %add3A_1130 = arith.addi %add3A_656, %add3A_1129 : vector<16xi32>
        %gather3A_1131 = tpu.vector_load_idx %arg6[%add3A_1130] : memref<1744xf32, #tpu.memory_space<vmem>>[vector<16xi32>], vector<16xf32>,
        %add3A_1132 = arith.constant 1186 : i32
        %add3A_1133 = vector.broadcast %add3A_1132 : i32 to vector<16xi32>
        %add3A_1134 = arith.addi %add3A_660, %add3A_1133 : vector<16xi32>
        %gather3A_1135 = tpu.vector_load_idx %arg6[%add3A_1134] : memref<1744xf32, #tpu.memory_space<vmem>>[vector<16xi32>], vector<16xf32>,
        %mul3A_1136 = arith.mulf %gather3A_1131, %get3A_213 : vector<16xf32>
        %add3A_1137 = arith.addf %add3A_1125, %mul3A_1136 : vector<16xf32>
        %mul3A_1138 = arith.mulf %gather3A_1135, %get3A_213 : vector<16xf32>
        %add3A_1139 = arith.addf %add3A_1127, %mul3A_1138 : vector<16xf32>
        %add3A_1140 = arith.constant 1187 : i32
        %add3A_1141 = vector.broadcast %add3A_1140 : i32 to vector<16xi32>
        %add3A_1142 = arith.addi %add3A_656, %add3A_1141 : vector<16xi32>
        %gather3A_1143 = tpu.vector_load_idx %arg6[%add3A_1142] : memref<1744xf32, #tpu.memory_space<vmem>>[vector<16xi32>], vector<16xf32>,
        %add3A_1144 = arith.constant 1187 : i32
        %add3A_1145 = vector.broadcast %add3A_1144 : i32 to vector<16xi32>
        %add3A_1146 = arith.addi %add3A_660, %add3A_1145 : vector<16xi32>
        %gather3A_1147 = tpu.vector_load_idx %arg6[%add3A_1146] : memref<1744xf32, #tpu.memory_space<vmem>>[vector<16xi32>], vector<16xf32>,
        %mul3A_1148 = arith.mulf %gather3A_1143, %get3A_217 : vector<16xf32>
        %add3A_1149 = arith.addf %add3A_1137, %mul3A_1148 : vector<16xf32>
        %mul3A_1150 = arith.mulf %gather3A_1147, %get3A_217 : vector<16xf32>
        %add3A_1151 = arith.addf %add3A_1139, %mul3A_1150 : vector<16xf32>
        %add3A_1152 = arith.constant 1188 : i32
        %add3A_1153 = vector.broadcast %add3A_1152 : i32 to vector<16xi32>
        %add3A_1154 = arith.addi %add3A_656, %add3A_1153 : vector<16xi32>
        %gather3A_1155 = tpu.vector_load_idx %arg6[%add3A_1154] : memref<1744xf32, #tpu.memory_space<vmem>>[vector<16xi32>], vector<16xf32>,
        %add3A_1156 = arith.constant 1188 : i32
        %add3A_1157 = vector.broadcast %add3A_1156 : i32 to vector<16xi32>
        %add3A_1158 = arith.addi %add3A_660, %add3A_1157 : vector<16xi32>
        %gather3A_1159 = tpu.vector_load_idx %arg6[%add3A_1158] : memref<1744xf32, #tpu.memory_space<vmem>>[vector<16xi32>], vector<16xf32>,
        %mul3A_1160 = arith.mulf %gather3A_1155, %get3A_221 : vector<16xf32>
        %add3A_1161 = arith.addf %add3A_1149, %mul3A_1160 : vector<16xf32>
        %mul3A_1162 = arith.mulf %gather3A_1159, %get3A_221 : vector<16xf32>
        %add3A_1163 = arith.addf %add3A_1151, %mul3A_1162 : vector<16xf32>
        %add3A_1164 = arith.constant 1189 : i32
        %add3A_1165 = vector.broadcast %add3A_1164 : i32 to vector<16xi32>
        %add3A_1166 = arith.addi %add3A_656, %add3A_1165 : vector<16xi32>
        %gather3A_1167 = tpu.vector_load_idx %arg6[%add3A_1166] : memref<1744xf32, #tpu.memory_space<vmem>>[vector<16xi32>], vector<16xf32>,
        %add3A_1168 = arith.constant 1189 : i32
        %add3A_1169 = vector.broadcast %add3A_1168 : i32 to vector<16xi32>
        %add3A_1170 = arith.addi %add3A_660, %add3A_1169 : vector<16xi32>
        %gather3A_1171 = tpu.vector_load_idx %arg6[%add3A_1170] : memref<1744xf32, #tpu.memory_space<vmem>>[vector<16xi32>], vector<16xf32>,
        %mul3A_1172 = arith.mulf %gather3A_1167, %get3A_225 : vector<16xf32>
        %add3A_1173 = arith.addf %add3A_1161, %mul3A_1172 : vector<16xf32>
        %mul3A_1174 = arith.mulf %gather3A_1171, %get3A_225 : vector<16xf32>
        %add3A_1175 = arith.addf %add3A_1163, %mul3A_1174 : vector<16xf32>
        %add3A_1176 = arith.constant 1190 : i32
        %add3A_1177 = vector.broadcast %add3A_1176 : i32 to vector<16xi32>
        %add3A_1178 = arith.addi %add3A_656, %add3A_1177 : vector<16xi32>
        %gather3A_1179 = tpu.vector_load_idx %arg6[%add3A_1178] : memref<1744xf32, #tpu.memory_space<vmem>>[vector<16xi32>], vector<16xf32>,
        %add3A_1180 = arith.constant 1190 : i32
        %add3A_1181 = vector.broadcast %add3A_1180 : i32 to vector<16xi32>
        %add3A_1182 = arith.addi %add3A_660, %add3A_1181 : vector<16xi32>
        %gather3A_1183 = tpu.vector_load_idx %arg6[%add3A_1182] : memref<1744xf32, #tpu.memory_space<vmem>>[vector<16xi32>], vector<16xf32>,
        %mul3A_1184 = arith.mulf %gather3A_1179, %get3A_229 : vector<16xf32>
        %add3A_1185 = arith.addf %add3A_1173, %mul3A_1184 : vector<16xf32>
        %mul3A_1186 = arith.mulf %gather3A_1183, %get3A_229 : vector<16xf32>
        %add3A_1187 = arith.addf %add3A_1175, %mul3A_1186 : vector<16xf32>
        %add3A_1188 = arith.constant 1191 : i32
        %add3A_1189 = vector.broadcast %add3A_1188 : i32 to vector<16xi32>
        %add3A_1190 = arith.addi %add3A_656, %add3A_1189 : vector<16xi32>
        %gather3A_1191 = tpu.vector_load_idx %arg6[%add3A_1190] : memref<1744xf32, #tpu.memory_space<vmem>>[vector<16xi32>], vector<16xf32>,
        %add3A_1192 = arith.constant 1191 : i32
        %add3A_1193 = vector.broadcast %add3A_1192 : i32 to vector<16xi32>
        %add3A_1194 = arith.addi %add3A_660, %add3A_1193 : vector<16xi32>
        %gather3A_1195 = tpu.vector_load_idx %arg6[%add3A_1194] : memref<1744xf32, #tpu.memory_space<vmem>>[vector<16xi32>], vector<16xf32>,
        %mul3A_1196 = arith.mulf %gather3A_1191, %get3A_233 : vector<16xf32>
        %add3A_1197 = arith.addf %add3A_1185, %mul3A_1196 : vector<16xf32>
        %mul3A_1198 = arith.mulf %gather3A_1195, %get3A_233 : vector<16xf32>
        %add3A_1199 = arith.addf %add3A_1187, %mul3A_1198 : vector<16xf32>
        %mul3A_1200 = arith.mulf %sub3A_595, %add3A_1197 : vector<16xf32>
        %mul3A_1201 = arith.mulf %div3A_592, %add3A_1199 : vector<16xf32>
        %add3A_1202 = arith.addf %mul3A_1200, %mul3A_1201 : vector<16xf32>
        %add3A_1203 = arith.constant 1677 : i32
        %add3A_1204 = vector.broadcast %add3A_1203 : i32 to vector<16xi32>
        %add3A_1205 = arith.addi %add3A_664, %add3A_1204 : vector<16xi32>
        %gather3A_1206 = tpu.vector_load_idx %arg6[%add3A_1205] : memref<1744xf32, #tpu.memory_space<vmem>>[vector<16xi32>], vector<16xf32>,
        %add3A_1207 = arith.constant 1677 : i32
        %add3A_1208 = vector.broadcast %add3A_1207 : i32 to vector<16xi32>
        %add3A_1209 = arith.addi %add3A_668, %add3A_1208 : vector<16xi32>
        %gather3A_1210 = tpu.vector_load_idx %arg6[%add3A_1209] : memref<1744xf32, #tpu.memory_space<vmem>>[vector<16xi32>], vector<16xf32>,
        %add3A_1211 = arith.constant 1192 : i32
        %add3A_1212 = vector.broadcast %add3A_1211 : i32 to vector<16xi32>
        %add3A_1213 = arith.addi %add3A_656, %add3A_1212 : vector<16xi32>
        %gather3A_1214 = tpu.vector_load_idx %arg6[%add3A_1213] : memref<1744xf32, #tpu.memory_space<vmem>>[vector<16xi32>], vector<16xf32>,
        %add3A_1215 = arith.constant 1192 : i32
        %add3A_1216 = vector.broadcast %add3A_1215 : i32 to vector<16xi32>
        %add3A_1217 = arith.addi %add3A_660, %add3A_1216 : vector<16xi32>
        %gather3A_1218 = tpu.vector_load_idx %arg6[%add3A_1217] : memref<1744xf32, #tpu.memory_space<vmem>>[vector<16xi32>], vector<16xf32>,
        %mul3A_1219 = arith.mulf %gather3A_1214, %get3A_205 : vector<16xf32>
        %add3A_1220 = arith.addf %gather3A_1206, %mul3A_1219 : vector<16xf32>
        %mul3A_1221 = arith.mulf %gather3A_1218, %get3A_205 : vector<16xf32>
        %add3A_1222 = arith.addf %gather3A_1210, %mul3A_1221 : vector<16xf32>
        %add3A_1223 = arith.constant 1193 : i32
        %add3A_1224 = vector.broadcast %add3A_1223 : i32 to vector<16xi32>
        %add3A_1225 = arith.addi %add3A_656, %add3A_1224 : vector<16xi32>
        %gather3A_1226 = tpu.vector_load_idx %arg6[%add3A_1225] : memref<1744xf32, #tpu.memory_space<vmem>>[vector<16xi32>], vector<16xf32>,
        %add3A_1227 = arith.constant 1193 : i32
        %add3A_1228 = vector.broadcast %add3A_1227 : i32 to vector<16xi32>
        %add3A_1229 = arith.addi %add3A_660, %add3A_1228 : vector<16xi32>
        %gather3A_1230 = tpu.vector_load_idx %arg6[%add3A_1229] : memref<1744xf32, #tpu.memory_space<vmem>>[vector<16xi32>], vector<16xf32>,
        %mul3A_1231 = arith.mulf %gather3A_1226, %get3A_209 : vector<16xf32>
        %add3A_1232 = arith.addf %add3A_1220, %mul3A_1231 : vector<16xf32>
        %mul3A_1233 = arith.mulf %gather3A_1230, %get3A_209 : vector<16xf32>
        %add3A_1234 = arith.addf %add3A_1222, %mul3A_1233 : vector<16xf32>
        %add3A_1235 = arith.constant 1194 : i32
        %add3A_1236 = vector.broadcast %add3A_1235 : i32 to vector<16xi32>
        %add3A_1237 = arith.addi %add3A_656, %add3A_1236 : vector<16xi32>
        %gather3A_1238 = tpu.vector_load_idx %arg6[%add3A_1237] : memref<1744xf32, #tpu.memory_space<vmem>>[vector<16xi32>], vector<16xf32>,
        %add3A_1239 = arith.constant 1194 : i32
        %add3A_1240 = vector.broadcast %add3A_1239 : i32 to vector<16xi32>
        %add3A_1241 = arith.addi %add3A_660, %add3A_1240 : vector<16xi32>
        %gather3A_1242 = tpu.vector_load_idx %arg6[%add3A_1241] : memref<1744xf32, #tpu.memory_space<vmem>>[vector<16xi32>], vector<16xf32>,
        %mul3A_1243 = arith.mulf %gather3A_1238, %get3A_213 : vector<16xf32>
        %add3A_1244 = arith.addf %add3A_1232, %mul3A_1243 : vector<16xf32>
        %mul3A_1245 = arith.mulf %gather3A_1242, %get3A_213 : vector<16xf32>
        %add3A_1246 = arith.addf %add3A_1234, %mul3A_1245 : vector<16xf32>
        %add3A_1247 = arith.constant 1195 : i32
        %add3A_1248 = vector.broadcast %add3A_1247 : i32 to vector<16xi32>
        %add3A_1249 = arith.addi %add3A_656, %add3A_1248 : vector<16xi32>
        %gather3A_1250 = tpu.vector_load_idx %arg6[%add3A_1249] : memref<1744xf32, #tpu.memory_space<vmem>>[vector<16xi32>], vector<16xf32>,
        %add3A_1251 = arith.constant 1195 : i32
        %add3A_1252 = vector.broadcast %add3A_1251 : i32 to vector<16xi32>
        %add3A_1253 = arith.addi %add3A_660, %add3A_1252 : vector<16xi32>
        %gather3A_1254 = tpu.vector_load_idx %arg6[%add3A_1253] : memref<1744xf32, #tpu.memory_space<vmem>>[vector<16xi32>], vector<16xf32>,
        %mul3A_1255 = arith.mulf %gather3A_1250, %get3A_217 : vector<16xf32>
        %add3A_1256 = arith.addf %add3A_1244, %mul3A_1255 : vector<16xf32>
        %mul3A_1257 = arith.mulf %gather3A_1254, %get3A_217 : vector<16xf32>
        %add3A_1258 = arith.addf %add3A_1246, %mul3A_1257 : vector<16xf32>
        %add3A_1259 = arith.constant 1196 : i32
        %add3A_1260 = vector.broadcast %add3A_1259 : i32 to vector<16xi32>
        %add3A_1261 = arith.addi %add3A_656, %add3A_1260 : vector<16xi32>
        %gather3A_1262 = tpu.vector_load_idx %arg6[%add3A_1261] : memref<1744xf32, #tpu.memory_space<vmem>>[vector<16xi32>], vector<16xf32>,
        %add3A_1263 = arith.constant 1196 : i32
        %add3A_1264 = vector.broadcast %add3A_1263 : i32 to vector<16xi32>
        %add3A_1265 = arith.addi %add3A_660, %add3A_1264 : vector<16xi32>
        %gather3A_1266 = tpu.vector_load_idx %arg6[%add3A_1265] : memref<1744xf32, #tpu.memory_space<vmem>>[vector<16xi32>], vector<16xf32>,
        %mul3A_1267 = arith.mulf %gather3A_1262, %get3A_221 : vector<16xf32>
        %add3A_1268 = arith.addf %add3A_1256, %mul3A_1267 : vector<16xf32>
        %mul3A_1269 = arith.mulf %gather3A_1266, %get3A_221 : vector<16xf32>
        %add3A_1270 = arith.addf %add3A_1258, %mul3A_1269 : vector<16xf32>
        %add3A_1271 = arith.constant 1197 : i32
        %add3A_1272 = vector.broadcast %add3A_1271 : i32 to vector<16xi32>
        %add3A_1273 = arith.addi %add3A_656, %add3A_1272 : vector<16xi32>
        %gather3A_1274 = tpu.vector_load_idx %arg6[%add3A_1273] : memref<1744xf32, #tpu.memory_space<vmem>>[vector<16xi32>], vector<16xf32>,
        %add3A_1275 = arith.constant 1197 : i32
        %add3A_1276 = vector.broadcast %add3A_1275 : i32 to vector<16xi32>
        %add3A_1277 = arith.addi %add3A_660, %add3A_1276 : vector<16xi32>
        %gather3A_1278 = tpu.vector_load_idx %arg6[%add3A_1277] : memref<1744xf32, #tpu.memory_space<vmem>>[vector<16xi32>], vector<16xf32>,
        %mul3A_1279 = arith.mulf %gather3A_1274, %get3A_225 : vector<16xf32>
        %add3A_1280 = arith.addf %add3A_1268, %mul3A_1279 : vector<16xf32>
        %mul3A_1281 = arith.mulf %gather3A_1278, %get3A_225 : vector<16xf32>
        %add3A_1282 = arith.addf %add3A_1270, %mul3A_1281 : vector<16xf32>
        %add3A_1283 = arith.constant 1198 : i32
        %add3A_1284 = vector.broadcast %add3A_1283 : i32 to vector<16xi32>
        %add3A_1285 = arith.addi %add3A_656, %add3A_1284 : vector<16xi32>
        %gather3A_1286 = tpu.vector_load_idx %arg6[%add3A_1285] : memref<1744xf32, #tpu.memory_space<vmem>>[vector<16xi32>], vector<16xf32>,
        %add3A_1287 = arith.constant 1198 : i32
        %add3A_1288 = vector.broadcast %add3A_1287 : i32 to vector<16xi32>
        %add3A_1289 = arith.addi %add3A_660, %add3A_1288 : vector<16xi32>
        %gather3A_1290 = tpu.vector_load_idx %arg6[%add3A_1289] : memref<1744xf32, #tpu.memory_space<vmem>>[vector<16xi32>], vector<16xf32>,
        %mul3A_1291 = arith.mulf %gather3A_1286, %get3A_229 : vector<16xf32>
        %add3A_1292 = arith.addf %add3A_1280, %mul3A_1291 : vector<16xf32>
        %mul3A_1293 = arith.mulf %gather3A_1290, %get3A_229 : vector<16xf32>
        %add3A_1294 = arith.addf %add3A_1282, %mul3A_1293 : vector<16xf32>
        %add3A_1295 = arith.constant 1199 : i32
        %add3A_1296 = vector.broadcast %add3A_1295 : i32 to vector<16xi32>
        %add3A_1297 = arith.addi %add3A_656, %add3A_1296 : vector<16xi32>
        %gather3A_1298 = tpu.vector_load_idx %arg6[%add3A_1297] : memref<1744xf32, #tpu.memory_space<vmem>>[vector<16xi32>], vector<16xf32>,
        %add3A_1299 = arith.constant 1199 : i32
        %add3A_1300 = vector.broadcast %add3A_1299 : i32 to vector<16xi32>
        %add3A_1301 = arith.addi %add3A_660, %add3A_1300 : vector<16xi32>
        %gather3A_1302 = tpu.vector_load_idx %arg6[%add3A_1301] : memref<1744xf32, #tpu.memory_space<vmem>>[vector<16xi32>], vector<16xf32>,
        %mul3A_1303 = arith.mulf %gather3A_1298, %get3A_233 : vector<16xf32>
        %add3A_1304 = arith.addf %add3A_1292, %mul3A_1303 : vector<16xf32>
        %mul3A_1305 = arith.mulf %gather3A_1302, %get3A_233 : vector<16xf32>
        %add3A_1306 = arith.addf %add3A_1294, %mul3A_1305 : vector<16xf32>
        %mul3A_1307 = arith.mulf %sub3A_595, %add3A_1304 : vector<16xf32>
        %mul3A_1308 = arith.mulf %div3A_592, %add3A_1306 : vector<16xf32>
        %add3A_1309 = arith.addf %mul3A_1307, %mul3A_1308 : vector<16xf32>
        %add3A_1310 = arith.constant 1678 : i32
        %add3A_1311 = vector.broadcast %add3A_1310 : i32 to vector<16xi32>
        %add3A_1312 = arith.addi %add3A_664, %add3A_1311 : vector<16xi32>
        %gather3A_1313 = tpu.vector_load_idx %arg6[%add3A_1312] : memref<1744xf32, #tpu.memory_space<vmem>>[vector<16xi32>], vector<16xf32>,
        %add3A_1314 = arith.constant 1678 : i32
        %add3A_1315 = vector.broadcast %add3A_1314 : i32 to vector<16xi32>
        %add3A_1316 = arith.addi %add3A_668, %add3A_1315 : vector<16xi32>
        %gather3A_1317 = tpu.vector_load_idx %arg6[%add3A_1316] : memref<1744xf32, #tpu.memory_space<vmem>>[vector<16xi32>], vector<16xf32>,
        %add3A_1318 = arith.constant 1200 : i32
        %add3A_1319 = vector.broadcast %add3A_1318 : i32 to vector<16xi32>
        %add3A_1320 = arith.addi %add3A_656, %add3A_1319 : vector<16xi32>
        %gather3A_1321 = tpu.vector_load_idx %arg6[%add3A_1320] : memref<1744xf32, #tpu.memory_space<vmem>>[vector<16xi32>], vector<16xf32>,
        %add3A_1322 = arith.constant 1200 : i32
        %add3A_1323 = vector.broadcast %add3A_1322 : i32 to vector<16xi32>
        %add3A_1324 = arith.addi %add3A_660, %add3A_1323 : vector<16xi32>
        %gather3A_1325 = tpu.vector_load_idx %arg6[%add3A_1324] : memref<1744xf32, #tpu.memory_space<vmem>>[vector<16xi32>], vector<16xf32>,
        %mul3A_1326 = arith.mulf %gather3A_1321, %get3A_205 : vector<16xf32>
        %add3A_1327 = arith.addf %gather3A_1313, %mul3A_1326 : vector<16xf32>
        %mul3A_1328 = arith.mulf %gather3A_1325, %get3A_205 : vector<16xf32>
        %add3A_1329 = arith.addf %gather3A_1317, %mul3A_1328 : vector<16xf32>
        %add3A_1330 = arith.constant 1201 : i32
        %add3A_1331 = vector.broadcast %add3A_1330 : i32 to vector<16xi32>
        %add3A_1332 = arith.addi %add3A_656, %add3A_1331 : vector<16xi32>
        %gather3A_1333 = tpu.vector_load_idx %arg6[%add3A_1332] : memref<1744xf32, #tpu.memory_space<vmem>>[vector<16xi32>], vector<16xf32>,
        %add3A_1334 = arith.constant 1201 : i32
        %add3A_1335 = vector.broadcast %add3A_1334 : i32 to vector<16xi32>
        %add3A_1336 = arith.addi %add3A_660, %add3A_1335 : vector<16xi32>
        %gather3A_1337 = tpu.vector_load_idx %arg6[%add3A_1336] : memref<1744xf32, #tpu.memory_space<vmem>>[vector<16xi32>], vector<16xf32>,
        %mul3A_1338 = arith.mulf %gather3A_1333, %get3A_209 : vector<16xf32>
        %add3A_1339 = arith.addf %add3A_1327, %mul3A_1338 : vector<16xf32>
        %mul3A_1340 = arith.mulf %gather3A_1337, %get3A_209 : vector<16xf32>
        %add3A_1341 = arith.addf %add3A_1329, %mul3A_1340 : vector<16xf32>
        %add3A_1342 = arith.constant 1202 : i32
        %add3A_1343 = vector.broadcast %add3A_1342 : i32 to vector<16xi32>
        %add3A_1344 = arith.addi %add3A_656, %add3A_1343 : vector<16xi32>
        %gather3A_1345 = tpu.vector_load_idx %arg6[%add3A_1344] : memref<1744xf32, #tpu.memory_space<vmem>>[vector<16xi32>], vector<16xf32>,
        %add3A_1346 = arith.constant 1202 : i32
        %add3A_1347 = vector.broadcast %add3A_1346 : i32 to vector<16xi32>
        %add3A_1348 = arith.addi %add3A_660, %add3A_1347 : vector<16xi32>
        %gather3A_1349 = tpu.vector_load_idx %arg6[%add3A_1348] : memref<1744xf32, #tpu.memory_space<vmem>>[vector<16xi32>], vector<16xf32>,
        %mul3A_1350 = arith.mulf %gather3A_1345, %get3A_213 : vector<16xf32>
        %add3A_1351 = arith.addf %add3A_1339, %mul3A_1350 : vector<16xf32>
        %mul3A_1352 = arith.mulf %gather3A_1349, %get3A_213 : vector<16xf32>
        %add3A_1353 = arith.addf %add3A_1341, %mul3A_1352 : vector<16xf32>
        %add3A_1354 = arith.constant 1203 : i32
        %add3A_1355 = vector.broadcast %add3A_1354 : i32 to vector<16xi32>
        %add3A_1356 = arith.addi %add3A_656, %add3A_1355 : vector<16xi32>
        %gather3A_1357 = tpu.vector_load_idx %arg6[%add3A_1356] : memref<1744xf32, #tpu.memory_space<vmem>>[vector<16xi32>], vector<16xf32>,
        %add3A_1358 = arith.constant 1203 : i32
        %add3A_1359 = vector.broadcast %add3A_1358 : i32 to vector<16xi32>
        %add3A_1360 = arith.addi %add3A_660, %add3A_1359 : vector<16xi32>
        %gather3A_1361 = tpu.vector_load_idx %arg6[%add3A_1360] : memref<1744xf32, #tpu.memory_space<vmem>>[vector<16xi32>], vector<16xf32>,
        %mul3A_1362 = arith.mulf %gather3A_1357, %get3A_217 : vector<16xf32>
        %add3A_1363 = arith.addf %add3A_1351, %mul3A_1362 : vector<16xf32>
        %mul3A_1364 = arith.mulf %gather3A_1361, %get3A_217 : vector<16xf32>
        %add3A_1365 = arith.addf %add3A_1353, %mul3A_1364 : vector<16xf32>
        %add3A_1366 = arith.constant 1204 : i32
        %add3A_1367 = vector.broadcast %add3A_1366 : i32 to vector<16xi32>
        %add3A_1368 = arith.addi %add3A_656, %add3A_1367 : vector<16xi32>
        %gather3A_1369 = tpu.vector_load_idx %arg6[%add3A_1368] : memref<1744xf32, #tpu.memory_space<vmem>>[vector<16xi32>], vector<16xf32>,
        %add3A_1370 = arith.constant 1204 : i32
        %add3A_1371 = vector.broadcast %add3A_1370 : i32 to vector<16xi32>
        %add3A_1372 = arith.addi %add3A_660, %add3A_1371 : vector<16xi32>
        %gather3A_1373 = tpu.vector_load_idx %arg6[%add3A_1372] : memref<1744xf32, #tpu.memory_space<vmem>>[vector<16xi32>], vector<16xf32>,
        %mul3A_1374 = arith.mulf %gather3A_1369, %get3A_221 : vector<16xf32>
        %add3A_1375 = arith.addf %add3A_1363, %mul3A_1374 : vector<16xf32>
        %mul3A_1376 = arith.mulf %gather3A_1373, %get3A_221 : vector<16xf32>
        %add3A_1377 = arith.addf %add3A_1365, %mul3A_1376 : vector<16xf32>
        %add3A_1378 = arith.constant 1205 : i32
        %add3A_1379 = vector.broadcast %add3A_1378 : i32 to vector<16xi32>
        %add3A_1380 = arith.addi %add3A_656, %add3A_1379 : vector<16xi32>
        %gather3A_1381 = tpu.vector_load_idx %arg6[%add3A_1380] : memref<1744xf32, #tpu.memory_space<vmem>>[vector<16xi32>], vector<16xf32>,
        %add3A_1382 = arith.constant 1205 : i32
        %add3A_1383 = vector.broadcast %add3A_1382 : i32 to vector<16xi32>
        %add3A_1384 = arith.addi %add3A_660, %add3A_1383 : vector<16xi32>
        %gather3A_1385 = tpu.vector_load_idx %arg6[%add3A_1384] : memref<1744xf32, #tpu.memory_space<vmem>>[vector<16xi32>], vector<16xf32>,
        %mul3A_1386 = arith.mulf %gather3A_1381, %get3A_225 : vector<16xf32>
        %add3A_1387 = arith.addf %add3A_1375, %mul3A_1386 : vector<16xf32>
        %mul3A_1388 = arith.mulf %gather3A_1385, %get3A_225 : vector<16xf32>
        %add3A_1389 = arith.addf %add3A_1377, %mul3A_1388 : vector<16xf32>
        %add3A_1390 = arith.constant 1206 : i32
        %add3A_1391 = vector.broadcast %add3A_1390 : i32 to vector<16xi32>
        %add3A_1392 = arith.addi %add3A_656, %add3A_1391 : vector<16xi32>
        %gather3A_1393 = tpu.vector_load_idx %arg6[%add3A_1392] : memref<1744xf32, #tpu.memory_space<vmem>>[vector<16xi32>], vector<16xf32>,
        %add3A_1394 = arith.constant 1206 : i32
        %add3A_1395 = vector.broadcast %add3A_1394 : i32 to vector<16xi32>
        %add3A_1396 = arith.addi %add3A_660, %add3A_1395 : vector<16xi32>
        %gather3A_1397 = tpu.vector_load_idx %arg6[%add3A_1396] : memref<1744xf32, #tpu.memory_space<vmem>>[vector<16xi32>], vector<16xf32>,
        %mul3A_1398 = arith.mulf %gather3A_1393, %get3A_229 : vector<16xf32>
        %add3A_1399 = arith.addf %add3A_1387, %mul3A_1398 : vector<16xf32>
        %mul3A_1400 = arith.mulf %gather3A_1397, %get3A_229 : vector<16xf32>
        %add3A_1401 = arith.addf %add3A_1389, %mul3A_1400 : vector<16xf32>
        %add3A_1402 = arith.constant 1207 : i32
        %add3A_1403 = vector.broadcast %add3A_1402 : i32 to vector<16xi32>
        %add3A_1404 = arith.addi %add3A_656, %add3A_1403 : vector<16xi32>
        %gather3A_1405 = tpu.vector_load_idx %arg6[%add3A_1404] : memref<1744xf32, #tpu.memory_space<vmem>>[vector<16xi32>], vector<16xf32>,
        %add3A_1406 = arith.constant 1207 : i32
        %add3A_1407 = vector.broadcast %add3A_1406 : i32 to vector<16xi32>
        %add3A_1408 = arith.addi %add3A_660, %add3A_1407 : vector<16xi32>
        %gather3A_1409 = tpu.vector_load_idx %arg6[%add3A_1408] : memref<1744xf32, #tpu.memory_space<vmem>>[vector<16xi32>], vector<16xf32>,
        %mul3A_1410 = arith.mulf %gather3A_1405, %get3A_233 : vector<16xf32>
        %add3A_1411 = arith.addf %add3A_1399, %mul3A_1410 : vector<16xf32>
        %mul3A_1412 = arith.mulf %gather3A_1409, %get3A_233 : vector<16xf32>
        %add3A_1413 = arith.addf %add3A_1401, %mul3A_1412 : vector<16xf32>
        %mul3A_1414 = arith.mulf %sub3A_595, %add3A_1411 : vector<16xf32>
        %mul3A_1415 = arith.mulf %div3A_592, %add3A_1413 : vector<16xf32>
        %add3A_1416 = arith.addf %mul3A_1414, %mul3A_1415 : vector<16xf32>
        %add3A_1417 = arith.constant 1679 : i32
        %add3A_1418 = vector.broadcast %add3A_1417 : i32 to vector<16xi32>
        %add3A_1419 = arith.addi %add3A_664, %add3A_1418 : vector<16xi32>
        %gather3A_1420 = tpu.vector_load_idx %arg6[%add3A_1419] : memref<1744xf32, #tpu.memory_space<vmem>>[vector<16xi32>], vector<16xf32>,
        %add3A_1421 = arith.constant 1679 : i32
        %add3A_1422 = vector.broadcast %add3A_1421 : i32 to vector<16xi32>
        %add3A_1423 = arith.addi %add3A_668, %add3A_1422 : vector<16xi32>
        %gather3A_1424 = tpu.vector_load_idx %arg6[%add3A_1423] : memref<1744xf32, #tpu.memory_space<vmem>>[vector<16xi32>], vector<16xf32>,
        %add3A_1425 = arith.constant 1208 : i32
        %add3A_1426 = vector.broadcast %add3A_1425 : i32 to vector<16xi32>
        %add3A_1427 = arith.addi %add3A_656, %add3A_1426 : vector<16xi32>
        %gather3A_1428 = tpu.vector_load_idx %arg6[%add3A_1427] : memref<1744xf32, #tpu.memory_space<vmem>>[vector<16xi32>], vector<16xf32>,
        %add3A_1429 = arith.constant 1208 : i32
        %add3A_1430 = vector.broadcast %add3A_1429 : i32 to vector<16xi32>
        %add3A_1431 = arith.addi %add3A_660, %add3A_1430 : vector<16xi32>
        %gather3A_1432 = tpu.vector_load_idx %arg6[%add3A_1431] : memref<1744xf32, #tpu.memory_space<vmem>>[vector<16xi32>], vector<16xf32>,
        %mul3A_1433 = arith.mulf %gather3A_1428, %get3A_205 : vector<16xf32>
        %add3A_1434 = arith.addf %gather3A_1420, %mul3A_1433 : vector<16xf32>
        %mul3A_1435 = arith.mulf %gather3A_1432, %get3A_205 : vector<16xf32>
        %add3A_1436 = arith.addf %gather3A_1424, %mul3A_1435 : vector<16xf32>
        %add3A_1437 = arith.constant 1209 : i32
        %add3A_1438 = vector.broadcast %add3A_1437 : i32 to vector<16xi32>
        %add3A_1439 = arith.addi %add3A_656, %add3A_1438 : vector<16xi32>
        %gather3A_1440 = tpu.vector_load_idx %arg6[%add3A_1439] : memref<1744xf32, #tpu.memory_space<vmem>>[vector<16xi32>], vector<16xf32>,
        %add3A_1441 = arith.constant 1209 : i32
        %add3A_1442 = vector.broadcast %add3A_1441 : i32 to vector<16xi32>
        %add3A_1443 = arith.addi %add3A_660, %add3A_1442 : vector<16xi32>
        %gather3A_1444 = tpu.vector_load_idx %arg6[%add3A_1443] : memref<1744xf32, #tpu.memory_space<vmem>>[vector<16xi32>], vector<16xf32>,
        %mul3A_1445 = arith.mulf %gather3A_1440, %get3A_209 : vector<16xf32>
        %add3A_1446 = arith.addf %add3A_1434, %mul3A_1445 : vector<16xf32>
        %mul3A_1447 = arith.mulf %gather3A_1444, %get3A_209 : vector<16xf32>
        %add3A_1448 = arith.addf %add3A_1436, %mul3A_1447 : vector<16xf32>
        %add3A_1449 = arith.constant 1210 : i32
        %add3A_1450 = vector.broadcast %add3A_1449 : i32 to vector<16xi32>
        %add3A_1451 = arith.addi %add3A_656, %add3A_1450 : vector<16xi32>
        %gather3A_1452 = tpu.vector_load_idx %arg6[%add3A_1451] : memref<1744xf32, #tpu.memory_space<vmem>>[vector<16xi32>], vector<16xf32>,
        %add3A_1453 = arith.constant 1210 : i32
        %add3A_1454 = vector.broadcast %add3A_1453 : i32 to vector<16xi32>
        %add3A_1455 = arith.addi %add3A_660, %add3A_1454 : vector<16xi32>
        %gather3A_1456 = tpu.vector_load_idx %arg6[%add3A_1455] : memref<1744xf32, #tpu.memory_space<vmem>>[vector<16xi32>], vector<16xf32>,
        %mul3A_1457 = arith.mulf %gather3A_1452, %get3A_213 : vector<16xf32>
        %add3A_1458 = arith.addf %add3A_1446, %mul3A_1457 : vector<16xf32>
        %mul3A_1459 = arith.mulf %gather3A_1456, %get3A_213 : vector<16xf32>
        %add3A_1460 = arith.addf %add3A_1448, %mul3A_1459 : vector<16xf32>
        %add3A_1461 = arith.constant 1211 : i32
        %add3A_1462 = vector.broadcast %add3A_1461 : i32 to vector<16xi32>
        %add3A_1463 = arith.addi %add3A_656, %add3A_1462 : vector<16xi32>
        %gather3A_1464 = tpu.vector_load_idx %arg6[%add3A_1463] : memref<1744xf32, #tpu.memory_space<vmem>>[vector<16xi32>], vector<16xf32>,
        %add3A_1465 = arith.constant 1211 : i32
        %add3A_1466 = vector.broadcast %add3A_1465 : i32 to vector<16xi32>
        %add3A_1467 = arith.addi %add3A_660, %add3A_1466 : vector<16xi32>
        %gather3A_1468 = tpu.vector_load_idx %arg6[%add3A_1467] : memref<1744xf32, #tpu.memory_space<vmem>>[vector<16xi32>], vector<16xf32>,
        %mul3A_1469 = arith.mulf %gather3A_1464, %get3A_217 : vector<16xf32>
        %add3A_1470 = arith.addf %add3A_1458, %mul3A_1469 : vector<16xf32>
        %mul3A_1471 = arith.mulf %gather3A_1468, %get3A_217 : vector<16xf32>
        %add3A_1472 = arith.addf %add3A_1460, %mul3A_1471 : vector<16xf32>
        %add3A_1473 = arith.constant 1212 : i32
        %add3A_1474 = vector.broadcast %add3A_1473 : i32 to vector<16xi32>
        %add3A_1475 = arith.addi %add3A_656, %add3A_1474 : vector<16xi32>
        %gather3A_1476 = tpu.vector_load_idx %arg6[%add3A_1475] : memref<1744xf32, #tpu.memory_space<vmem>>[vector<16xi32>], vector<16xf32>,
        %add3A_1477 = arith.constant 1212 : i32
        %add3A_1478 = vector.broadcast %add3A_1477 : i32 to vector<16xi32>
        %add3A_1479 = arith.addi %add3A_660, %add3A_1478 : vector<16xi32>
        %gather3A_1480 = tpu.vector_load_idx %arg6[%add3A_1479] : memref<1744xf32, #tpu.memory_space<vmem>>[vector<16xi32>], vector<16xf32>,
        %mul3A_1481 = arith.mulf %gather3A_1476, %get3A_221 : vector<16xf32>
        %add3A_1482 = arith.addf %add3A_1470, %mul3A_1481 : vector<16xf32>
        %mul3A_1483 = arith.mulf %gather3A_1480, %get3A_221 : vector<16xf32>
        %add3A_1484 = arith.addf %add3A_1472, %mul3A_1483 : vector<16xf32>
        %add3A_1485 = arith.constant 1213 : i32
        %add3A_1486 = vector.broadcast %add3A_1485 : i32 to vector<16xi32>
        %add3A_1487 = arith.addi %add3A_656, %add3A_1486 : vector<16xi32>
        %gather3A_1488 = tpu.vector_load_idx %arg6[%add3A_1487] : memref<1744xf32, #tpu.memory_space<vmem>>[vector<16xi32>], vector<16xf32>,
        %add3A_1489 = arith.constant 1213 : i32
        %add3A_1490 = vector.broadcast %add3A_1489 : i32 to vector<16xi32>
        %add3A_1491 = arith.addi %add3A_660, %add3A_1490 : vector<16xi32>
        %gather3A_1492 = tpu.vector_load_idx %arg6[%add3A_1491] : memref<1744xf32, #tpu.memory_space<vmem>>[vector<16xi32>], vector<16xf32>,
        %mul3A_1493 = arith.mulf %gather3A_1488, %get3A_225 : vector<16xf32>
        %add3A_1494 = arith.addf %add3A_1482, %mul3A_1493 : vector<16xf32>
        %mul3A_1495 = arith.mulf %gather3A_1492, %get3A_225 : vector<16xf32>
        %add3A_1496 = arith.addf %add3A_1484, %mul3A_1495 : vector<16xf32>
        %add3A_1497 = arith.constant 1214 : i32
        %add3A_1498 = vector.broadcast %add3A_1497 : i32 to vector<16xi32>
        %add3A_1499 = arith.addi %add3A_656, %add3A_1498 : vector<16xi32>
        %gather3A_1500 = tpu.vector_load_idx %arg6[%add3A_1499] : memref<1744xf32, #tpu.memory_space<vmem>>[vector<16xi32>], vector<16xf32>,
        %add3A_1501 = arith.constant 1214 : i32
        %add3A_1502 = vector.broadcast %add3A_1501 : i32 to vector<16xi32>
        %add3A_1503 = arith.addi %add3A_660, %add3A_1502 : vector<16xi32>
        %gather3A_1504 = tpu.vector_load_idx %arg6[%add3A_1503] : memref<1744xf32, #tpu.memory_space<vmem>>[vector<16xi32>], vector<16xf32>,
        %mul3A_1505 = arith.mulf %gather3A_1500, %get3A_229 : vector<16xf32>
        %add3A_1506 = arith.addf %add3A_1494, %mul3A_1505 : vector<16xf32>
        %mul3A_1507 = arith.mulf %gather3A_1504, %get3A_229 : vector<16xf32>
        %add3A_1508 = arith.addf %add3A_1496, %mul3A_1507 : vector<16xf32>
        %add3A_1509 = arith.constant 1215 : i32
        %add3A_1510 = vector.broadcast %add3A_1509 : i32 to vector<16xi32>
        %add3A_1511 = arith.addi %add3A_656, %add3A_1510 : vector<16xi32>
        %gather3A_1512 = tpu.vector_load_idx %arg6[%add3A_1511] : memref<1744xf32, #tpu.memory_space<vmem>>[vector<16xi32>], vector<16xf32>,
        %add3A_1513 = arith.constant 1215 : i32
        %add3A_1514 = vector.broadcast %add3A_1513 : i32 to vector<16xi32>
        %add3A_1515 = arith.addi %add3A_660, %add3A_1514 : vector<16xi32>
        %gather3A_1516 = tpu.vector_load_idx %arg6[%add3A_1515] : memref<1744xf32, #tpu.memory_space<vmem>>[vector<16xi32>], vector<16xf32>,
        %mul3A_1517 = arith.mulf %gather3A_1512, %get3A_233 : vector<16xf32>
        %add3A_1518 = arith.addf %add3A_1506, %mul3A_1517 : vector<16xf32>
        %mul3A_1519 = arith.mulf %gather3A_1516, %get3A_233 : vector<16xf32>
        %add3A_1520 = arith.addf %add3A_1508, %mul3A_1519 : vector<16xf32>
        %mul3A_1521 = arith.mulf %sub3A_595, %add3A_1518 : vector<16xf32>
        %mul3A_1522 = arith.mulf %div3A_592, %add3A_1520 : vector<16xf32>
        %add3A_1523 = arith.addf %mul3A_1521, %mul3A_1522 : vector<16xf32>
        %swap3A = arith.constant 0 : i32
        %swap3A_1524 = arith.index_cast %swap3A : i32 to index
        %swap3A_1525 = arith.index_cast %mul3A_201 : i32 to index
        %swap3A_1526 = tpu.vector_load %arg9[%swap3A_1524, %swap3A_1525] {strides = array<i32>} : memref<8x4096xf32, #tpu.memory_space<vmem>>, vector<16xf32>,
        tpu.vector_store %arg9[%swap3A_1524, %swap3A_1525], %add3A_367 {strides = array<i32>} : memref<8x4096xf32, #tpu.memory_space<vmem>>, vector<16xf32>,
        %swap3A_1527 = arith.constant 1 : i32
        %swap3A_1528 = arith.index_cast %swap3A_1527 : i32 to index
        %swap3A_1529 = arith.index_cast %mul3A_201 : i32 to index
        %swap3A_1530 = tpu.vector_load %arg9[%swap3A_1528, %swap3A_1529] {strides = array<i32>} : memref<8x4096xf32, #tpu.memory_space<vmem>>, vector<16xf32>,
        tpu.vector_store %arg9[%swap3A_1528, %swap3A_1529], %add3A_383 {strides = array<i32>} : memref<8x4096xf32, #tpu.memory_space<vmem>>, vector<16xf32>,
        %swap3A_1531 = arith.constant 2 : i32
        %swap3A_1532 = arith.index_cast %swap3A_1531 : i32 to index
        %swap3A_1533 = arith.index_cast %mul3A_201 : i32 to index
        %swap3A_1534 = tpu.vector_load %arg9[%swap3A_1532, %swap3A_1533] {strides = array<i32>} : memref<8x4096xf32, #tpu.memory_space<vmem>>, vector<16xf32>,
        tpu.vector_store %arg9[%swap3A_1532, %swap3A_1533], %add3A_399 {strides = array<i32>} : memref<8x4096xf32, #tpu.memory_space<vmem>>, vector<16xf32>,
        %swap3A_1535 = arith.constant 3 : i32
        %swap3A_1536 = arith.index_cast %swap3A_1535 : i32 to index
        %swap3A_1537 = arith.index_cast %mul3A_201 : i32 to index
        %swap3A_1538 = tpu.vector_load %arg9[%swap3A_1536, %swap3A_1537] {strides = array<i32>} : memref<8x4096xf32, #tpu.memory_space<vmem>>, vector<16xf32>,
        tpu.vector_store %arg9[%swap3A_1536, %swap3A_1537], %add3A_415 {strides = array<i32>} : memref<8x4096xf32, #tpu.memory_space<vmem>>, vector<16xf32>,
        %swap3A_1539 = arith.constant 4 : i32
        %swap3A_1540 = arith.index_cast %swap3A_1539 : i32 to index
        %swap3A_1541 = arith.index_cast %mul3A_201 : i32 to index
        %swap3A_1542 = tpu.vector_load %arg9[%swap3A_1540, %swap3A_1541] {strides = array<i32>} : memref<8x4096xf32, #tpu.memory_space<vmem>>, vector<16xf32>,
        tpu.vector_store %arg9[%swap3A_1540, %swap3A_1541], %add3A_431 {strides = array<i32>} : memref<8x4096xf32, #tpu.memory_space<vmem>>, vector<16xf32>,
        %swap3A_1543 = arith.constant 5 : i32
        %swap3A_1544 = arith.index_cast %swap3A_1543 : i32 to index
        %swap3A_1545 = arith.index_cast %mul3A_201 : i32 to index
        %swap3A_1546 = tpu.vector_load %arg9[%swap3A_1544, %swap3A_1545] {strides = array<i32>} : memref<8x4096xf32, #tpu.memory_space<vmem>>, vector<16xf32>,
        tpu.vector_store %arg9[%swap3A_1544, %swap3A_1545], %add3A_447 {strides = array<i32>} : memref<8x4096xf32, #tpu.memory_space<vmem>>, vector<16xf32>,
        %swap3A_1547 = arith.constant 6 : i32
        %swap3A_1548 = arith.index_cast %swap3A_1547 : i32 to index
        %swap3A_1549 = arith.index_cast %mul3A_201 : i32 to index
        %swap3A_1550 = tpu.vector_load %arg9[%swap3A_1548, %swap3A_1549] {strides = array<i32>} : memref<8x4096xf32, #tpu.memory_space<vmem>>, vector<16xf32>,
        tpu.vector_store %arg9[%swap3A_1548, %swap3A_1549], %add3A_463 {strides = array<i32>} : memref<8x4096xf32, #tpu.memory_space<vmem>>, vector<16xf32>,
        %swap3A_1551 = arith.constant 7 : i32
        %swap3A_1552 = arith.index_cast %swap3A_1551 : i32 to index
        %swap3A_1553 = arith.index_cast %mul3A_201 : i32 to index
        %swap3A_1554 = tpu.vector_load %arg9[%swap3A_1552, %swap3A_1553] {strides = array<i32>} : memref<8x4096xf32, #tpu.memory_space<vmem>>, vector<16xf32>,
        tpu.vector_store %arg9[%swap3A_1552, %swap3A_1553], %add3A_479 {strides = array<i32>} : memref<8x4096xf32, #tpu.memory_space<vmem>>, vector<16xf32>,
        %swap3A_1555 = arith.constant 0 : i32
        %swap3A_1556 = arith.index_cast %swap3A_1555 : i32 to index
        %swap3A_1557 = arith.index_cast %mul3A_201 : i32 to index
        %swap3A_1558 = tpu.vector_load %arg8[%swap3A_1556, %swap3A_1557] {strides = array<i32>} : memref<8x4096xf32, #tpu.memory_space<vmem>>, vector<16xf32>,
        tpu.vector_store %arg8[%swap3A_1556, %swap3A_1557], %add3A_774 {strides = array<i32>} : memref<8x4096xf32, #tpu.memory_space<vmem>>, vector<16xf32>,
        %swap3A_1559 = arith.constant 1 : i32
        %swap3A_1560 = arith.index_cast %swap3A_1559 : i32 to index
        %swap3A_1561 = arith.index_cast %mul3A_201 : i32 to index
        %swap3A_1562 = tpu.vector_load %arg8[%swap3A_1560, %swap3A_1561] {strides = array<i32>} : memref<8x4096xf32, #tpu.memory_space<vmem>>, vector<16xf32>,
        tpu.vector_store %arg8[%swap3A_1560, %swap3A_1561], %add3A_881 {strides = array<i32>} : memref<8x4096xf32, #tpu.memory_space<vmem>>, vector<16xf32>,
        %swap3A_1563 = arith.constant 2 : i32
        %swap3A_1564 = arith.index_cast %swap3A_1563 : i32 to index
        %swap3A_1565 = arith.index_cast %mul3A_201 : i32 to index
        %swap3A_1566 = tpu.vector_load %arg8[%swap3A_1564, %swap3A_1565] {strides = array<i32>} : memref<8x4096xf32, #tpu.memory_space<vmem>>, vector<16xf32>,
        tpu.vector_store %arg8[%swap3A_1564, %swap3A_1565], %add3A_988 {strides = array<i32>} : memref<8x4096xf32, #tpu.memory_space<vmem>>, vector<16xf32>,
        %swap3A_1567 = arith.constant 3 : i32
        %swap3A_1568 = arith.index_cast %swap3A_1567 : i32 to index
        %swap3A_1569 = arith.index_cast %mul3A_201 : i32 to index
        %swap3A_1570 = tpu.vector_load %arg8[%swap3A_1568, %swap3A_1569] {strides = array<i32>} : memref<8x4096xf32, #tpu.memory_space<vmem>>, vector<16xf32>,
        tpu.vector_store %arg8[%swap3A_1568, %swap3A_1569], %add3A_1095 {strides = array<i32>} : memref<8x4096xf32, #tpu.memory_space<vmem>>, vector<16xf32>,
        %swap3A_1571 = arith.constant 4 : i32
        %swap3A_1572 = arith.index_cast %swap3A_1571 : i32 to index
        %swap3A_1573 = arith.index_cast %mul3A_201 : i32 to index
        %swap3A_1574 = tpu.vector_load %arg8[%swap3A_1572, %swap3A_1573] {strides = array<i32>} : memref<8x4096xf32, #tpu.memory_space<vmem>>, vector<16xf32>,
        tpu.vector_store %arg8[%swap3A_1572, %swap3A_1573], %add3A_1202 {strides = array<i32>} : memref<8x4096xf32, #tpu.memory_space<vmem>>, vector<16xf32>,
        %swap3A_1575 = arith.constant 5 : i32
        %swap3A_1576 = arith.index_cast %swap3A_1575 : i32 to index
        %swap3A_1577 = arith.index_cast %mul3A_201 : i32 to index
        %swap3A_1578 = tpu.vector_load %arg8[%swap3A_1576, %swap3A_1577] {strides = array<i32>} : memref<8x4096xf32, #tpu.memory_space<vmem>>, vector<16xf32>,
        tpu.vector_store %arg8[%swap3A_1576, %swap3A_1577], %add3A_1309 {strides = array<i32>} : memref<8x4096xf32, #tpu.memory_space<vmem>>, vector<16xf32>,
        %swap3A_1579 = arith.constant 6 : i32
        %swap3A_1580 = arith.index_cast %swap3A_1579 : i32 to index
        %swap3A_1581 = arith.index_cast %mul3A_201 : i32 to index
        %swap3A_1582 = tpu.vector_load %arg8[%swap3A_1580, %swap3A_1581] {strides = array<i32>} : memref<8x4096xf32, #tpu.memory_space<vmem>>, vector<16xf32>,
        tpu.vector_store %arg8[%swap3A_1580, %swap3A_1581], %add3A_1416 {strides = array<i32>} : memref<8x4096xf32, #tpu.memory_space<vmem>>, vector<16xf32>,
        %swap3A_1583 = arith.constant 7 : i32
        %swap3A_1584 = arith.index_cast %swap3A_1583 : i32 to index
        %swap3A_1585 = arith.index_cast %mul3A_201 : i32 to index
        %swap3A_1586 = tpu.vector_load %arg8[%swap3A_1584, %swap3A_1585] {strides = array<i32>} : memref<8x4096xf32, #tpu.memory_space<vmem>>, vector<16xf32>,
        tpu.vector_store %arg8[%swap3A_1584, %swap3A_1585], %add3A_1523 {strides = array<i32>} : memref<8x4096xf32, #tpu.memory_space<vmem>>, vector<16xf32>,
      }
      %scan3A_194 = arith.constant 256 : i32
      %mul3A_195 = arith.constant 512 : i32
      %mul3A_196 = arith.muli %select_n3A_184, %mul3A_195 : i32
      "tpu.region"() ({
        %run_scoped3A = tpu.sem_alloc : memref<!tpu.dma_semaphore, #tpu.memory_space<semaphore_mem>>
        %dma_start3A = arith.constant 0 : i32
        %dma_start3A_199 = tpu.memref_slice %arg4[%select_n3A, %dma_start3A, %mul3A_196] : memref<4x8x262144xf32, #tpu.memory_space<hbm>> -> memref<1x8x4096xf32, #tpu.memory_space<hbm>>
        %dma_start3A_200 = tpu.memref_squeeze %dma_start3A_199 : memref<1x8x4096xf32, #tpu.memory_space<hbm>> -> memref<8x4096xf32, #tpu.memory_space<hbm>>
        %dma_start3A_201 = arith.constant 0 : i32
        %dma_start3A_202 = tpu.memref_slice %arg4[%select_n3A, %dma_start3A_201, %mul3A_196] : memref<4x8x262144xf32, #tpu.memory_space<hbm>> -> memref<1x8x4096xf32, #tpu.memory_space<hbm>>
        %dma_start3A_203 = tpu.memref_squeeze %dma_start3A_202 : memref<1x8x4096xf32, #tpu.memory_space<hbm>> -> memref<8x4096xf32, #tpu.memory_space<hbm>>
        tpu.enqueue_dma source(%arg8 : memref<8x4096xf32, #tpu.memory_space<vmem>>) target(%dma_start3A_203 : memref<8x4096xf32, #tpu.memory_space<hbm>>) target_semaphore(%run_scoped3A : memref<!tpu.dma_semaphore, #tpu.memory_space<semaphore_mem>>)
        %dma_wait3A = arith.constant 0 : i32
        %dma_wait3A_204 = tpu.memref_slice %arg4[%select_n3A, %dma_wait3A, %mul3A_196] : memref<4x8x262144xf32, #tpu.memory_space<hbm>> -> memref<1x8x4096xf32, #tpu.memory_space<hbm>>
        %dma_wait3A_205 = tpu.memref_squeeze %dma_wait3A_204 : memref<1x8x4096xf32, #tpu.memory_space<hbm>> -> memref<8x4096xf32, #tpu.memory_space<hbm>>
        %dma_wait3A_206 = arith.constant 0 : i32
        %dma_wait3A_207 = tpu.memref_slice %arg4[%select_n3A, %dma_wait3A_206, %mul3A_196] : memref<4x8x262144xf32, #tpu.memory_space<hbm>> -> memref<1x8x4096xf32, #tpu.memory_space<hbm>>
        %dma_wait3A_208 = tpu.memref_squeeze %dma_wait3A_207 : memref<1x8x4096xf32, #tpu.memory_space<hbm>> -> memref<8x4096xf32, #tpu.memory_space<hbm>>
        tpu.wait_dma2 semaphore(%run_scoped3A : memref<!tpu.dma_semaphore, #tpu.memory_space<semaphore_mem>>) src(%arg8 : memref<8x4096xf32, #tpu.memory_space<vmem>>) dst(%dma_wait3A_208 : memref<8x4096xf32, #tpu.memory_space<hbm>>)
        tpu.yield
      }) : () -> ()
      %mul3A_197 = arith.constant 512 : i32
      %mul3A_198 = arith.muli %select_n3A_184, %mul3A_197 : i32
      "tpu.region"() ({
        %run_scoped3A = tpu.sem_alloc : memref<!tpu.dma_semaphore, #tpu.memory_space<semaphore_mem>>
        %dma_start3A = arith.constant 0 : i32
        %dma_start3A_199 = tpu.memref_slice %arg5[%select_n3A, %dma_start3A, %mul3A_198] : memref<4x8x262144xf32, #tpu.memory_space<hbm>> -> memref<1x8x4096xf32, #tpu.memory_space<hbm>>
        %dma_start3A_200 = tpu.memref_squeeze %dma_start3A_199 : memref<1x8x4096xf32, #tpu.memory_space<hbm>> -> memref<8x4096xf32, #tpu.memory_space<hbm>>
        %dma_start3A_201 = arith.constant 0 : i32
        %dma_start3A_202 = tpu.memref_slice %arg5[%select_n3A, %dma_start3A_201, %mul3A_198] : memref<4x8x262144xf32, #tpu.memory_space<hbm>> -> memref<1x8x4096xf32, #tpu.memory_space<hbm>>
        %dma_start3A_203 = tpu.memref_squeeze %dma_start3A_202 : memref<1x8x4096xf32, #tpu.memory_space<hbm>> -> memref<8x4096xf32, #tpu.memory_space<hbm>>
        tpu.enqueue_dma source(%arg9 : memref<8x4096xf32, #tpu.memory_space<vmem>>) target(%dma_start3A_203 : memref<8x4096xf32, #tpu.memory_space<hbm>>) target_semaphore(%run_scoped3A : memref<!tpu.dma_semaphore, #tpu.memory_space<semaphore_mem>>)
        %dma_wait3A = arith.constant 0 : i32
        %dma_wait3A_204 = tpu.memref_slice %arg5[%select_n3A, %dma_wait3A, %mul3A_198] : memref<4x8x262144xf32, #tpu.memory_space<hbm>> -> memref<1x8x4096xf32, #tpu.memory_space<hbm>>
        %dma_wait3A_205 = tpu.memref_squeeze %dma_wait3A_204 : memref<1x8x4096xf32, #tpu.memory_space<hbm>> -> memref<8x4096xf32, #tpu.memory_space<hbm>>
        %dma_wait3A_206 = arith.constant 0 : i32
        %dma_wait3A_207 = tpu.memref_slice %arg5[%select_n3A, %dma_wait3A_206, %mul3A_198] : memref<4x8x262144xf32, #tpu.memory_space<hbm>> -> memref<1x8x4096xf32, #tpu.memory_space<hbm>>
        %dma_wait3A_208 = tpu.memref_squeeze %dma_wait3A_207 : memref<1x8x4096xf32, #tpu.memory_space<hbm>> -> memref<8x4096xf32, #tpu.memory_space<hbm>>
        tpu.wait_dma2 semaphore(%run_scoped3A : memref<!tpu.dma_semaphore, #tpu.memory_space<semaphore_mem>>) src(%arg9 : memref<8x4096xf32, #tpu.memory_space<vmem>>) dst(%dma_wait3A_208 : memref<8x4096xf32, #tpu.memory_space<hbm>>)
        tpu.yield
      }) : () -> ()
    }
    %scan3A_148 = arith.constant 8 : i32
    return
  }
}

</mosaic_0001>

<sc_bundles>
// kernel: _run.3.cloned.1.call-start
scs
__scs_entry_jumppad:
0x0: {  	(pc) =	sbr.rel $0x88, $3  }
0x1: {  	(tag) =	ssettag $0x0;
	lr =	simm.s32 $0x1  }
0x2: {  	[smem:$0x3F9C] =	sst lr;
	_ =	strace $0xD0000000  }
0x3: {  	_ = 	snop  }
0x4: {  	_ = 	snop  }
0x5: {  	_ = 	snop  }
0x6: {  	_ = 	snop  }
0x7: {  	_ = 	snop  }
__scs_overlays_trampoline_lowered:
0x8: {  	[smem:$0x3FAB] =	sst s0  }
0x9: {  	[smem:$0x3FAC] =	sst s1  }
0xa: {  	[smem:$0x3FAD] =	sst s2  }
0xb: {  	[smem:$0x3FAE] =	sst s3  }
0xc: {  	[smem:$0x3FAF] =	sst s4  }
0xd: {  	[smem:$0x3FB0] =	sst s5  }
0xe: {  	[smem:$0x3FB1] =	sst s6  }
0xf: {  	[smem:$0x3FB2] =	sst s7  }
0x10: {  	[smem:$0x3FB3] =	sst s8  }
0x11: {  	[smem:$0x3FB4] =	sst s9;
	s0 =	simm.s32 @!p0 $0x0  }
0x12: {  	s1 =	sld [smem:$0x3F9A];
	s0 =	simm.s32 @p0 $0x1  }
0x13: {  	[smem:$0x3FB5] =	sst s0;
	s0 =	simm.s32 @!p1 $0x0  }
0x14: {  	s2 =	sld [smem:$0x3F99];
	s0 =	simm.s32 @p1 $0x1  }
0x15: {  	[smem:$0x3FB6] =	sst s0;
	s0 =	simm.s32 @!p2 $0x0  }
0x16: {  	s3 =	sld [smem:$0x3FDB];
	s0 =	simm.s32 @p2 $0x1  }
0x17: {  	s4 =	simm.s32 $0x1BF5;
	[smem:$0x3FB8] =	sst s0  }
0x18: {  	s0 =	sld [smem:$0x3F9B];
	_ =	swait.ge [sflag:s4], $0x0  }
0x19: {  	s7 =	sld [smem:$0x3F9C]  }
0x1a: {  	s8 =	sadd.s32 $0xFFFFE003, lr  }
0x1b: {  	s9 =	sadd.s32 $0xFFFFFEF7, lr;
	s5 =	simm.s32 $0xFFFFFFFF;
	p2 =	slt.u32 s8, $0xFFFFF086  }
0x1c: {  	p1 =	slt.u32 s9, $0xF7A;
	s5 =	simm.s32 @!p2 $0x0  }
0x1d: {  	s5 =	simm.s32 @p1 $0x1;
	p0 =	seq.s32 s7, s2  }
0x1e: {  	s7 =	smul.u32 @!p0 $0xF7A, s2;
	p2 =	seq.s32 @!p0 s5, $0x0  }
0x1f: {  	s9 =	smul.u32 $0xF7A, s1;
	s8 =	simm.s32 @!p0 $0x1BF5;
	p2 =	por !p2, p0  }
0x20: {  	[sflag:s8] =	ssyncset.s32 @!p0 $0xFFFFF086;
	s6 =	sadd.s32 @!p0 s3, s7;
	s7 =	simm.s32 @!p0 $0x108  }
0x21: {  	s3 =	sadd.s32 s3, s9;
	s6 =	sadd.s32 @!p0 $0x88, s6;
	s7 =	simm.s32 @p2 $0x1082  }
0x22: {  	[simem:s7], [sflag:s8] =	dma.local @!p0 [hbm:s6], $0xF7A  }
0x23: {  	s9 =	sor.u32 $0xD0000000, s2;
	s6 =	simm.s32 $0x108;
	_ =	swait.ge @!p0 [sflag:s8], $0x0  }
0x24: {  	s3 =	sadd.s32 $0x88, s3;
	s6 =	simm.s32 @!p1 $0x1082;
	[sflag:s4] =	ssyncset.s32 $0xFFFFF086  }
0x25: {  	[simem:s6], [sflag:s4] =	dma.local [hbm:s3], $0xF7A  }
0x26: {  	[smem:$0x3F9C] =	sst s1;
	(tag) =	ssettag s2;
	_ =	strace s9  }
0x27: {  	s1 =	sld [smem:$0x3FAC]  }
0x28: {  	s2 =	sld [smem:$0x3FAD]  }
0x29: {  	s4 =	sld [smem:$0x3FAF]  }
0x2a: {  	p0 =	seq.s32 s5, $0x0;
	s5 =	sld [smem:$0x3FB0]  }
0x2b: {  	s6 =	sld [smem:$0x3FB1]  }
0x2c: {  	s7 =	sld [smem:$0x3FB2]  }
0x2d: {  	s3 =	simm.s32 $0x108;
	s8 =	sld [smem:$0x3FB3]  }
0x2e: {  	s3 =	simm.s32 @!p0 $0x1082;
	s9 =	sld [smem:$0x3FB4]  }
0x2f: {  	lr =	sadd.s32 s0, s3;
	s0 =	sld [smem:$0x3FAB]  }
0x30: {  	s3 =	sld [smem:$0x3FAE]  }
0x31: {  	[smem:$0x3FB7] =	sst s10  }
0x32: {  	s10 =	sld [smem:$0x3FB5];
	_ =	sdelay $0x3  }
0x33: {  	p0 =	seq.s32 s10, $0x1;
	s10 =	sld [smem:$0x3FB7];
	_ =	sdelay $0x3  }
0x34: {  	[smem:$0x3FB7] =	sst s10  }
0x35: {  	s10 =	sld [smem:$0x3FB6];
	_ =	sdelay $0x3  }
0x36: {  	p1 =	seq.s32 s10, $0x1;
	s10 =	sld [smem:$0x3FB7];
	_ =	sdelay $0x3  }
0x37: {  	[smem:$0x3FB7] =	sst s10  }
0x38: {  	s10 =	sld [smem:$0x3FB8]  }
0x39: {  	_ = 	snop;
	(pc) =	sbr.ind lr, $3  }
0x3a: {  	_ = 	snop  }
0x3b: {  	_ = 	snop  }
0x3c: {  	p2 =	seq.s32 s10, $0x1;
	s10 =	sld [smem:$0x3FB7]  }
0x3d: {  	_ =	shalt  }
0x3e: {  	_ =	shalt  }
0x3f: {  	_ =	shalt  }
0x40: {  	_ =	shalt  }
0x41: {  	_ =	shalt  }
0x42: {  	_ =	shalt  }
0x43: {  	_ =	shalt  }
0x44: {  	_ =	shalt  }
0x45: {  	_ =	shalt  }
0x46: {  	_ =	shalt  }
0x47: {  	_ =	shalt  }
0x48: {  	_ =	shalt  }
0x49: {  	_ =	shalt  }
0x4a: {  	_ =	shalt  }
0x4b: {  	_ =	shalt  }
0x4c: {  	_ =	shalt  }
0x4d: {  	_ =	shalt  }
0x4e: {  	_ =	shalt  }
0x4f: {  	_ =	shalt  }
0x50: {  	_ =	shalt  }
0x51: {  	_ =	shalt  }
0x52: {  	_ =	shalt  }
0x53: {  	_ =	shalt  }
0x54: {  	_ =	shalt  }
0x55: {  	_ =	shalt  }
0x56: {  	_ =	shalt  }
0x57: {  	_ =	shalt  }
0x58: {  	_ =	shalt  }
0x59: {  	_ =	shalt  }
0x5a: {  	_ =	shalt  }
0x5b: {  	_ =	shalt  }
0x5c: {  	_ =	shalt  }
0x5d: {  	_ =	shalt  }
0x5e: {  	_ =	shalt  }
0x5f: {  	_ =	shalt  }
0x60: {  	_ =	shalt  }
0x61: {  	_ =	shalt  }
0x62: {  	_ =	shalt  }
0x63: {  	_ =	shalt  }
0x64: {  	_ =	shalt  }
0x65: {  	_ =	shalt  }
0x66: {  	_ =	shalt  }
0x67: {  	_ =	shalt  }
0x68: {  	_ =	shalt  }
0x69: {  	_ =	shalt  }
0x6a: {  	_ =	shalt  }
0x6b: {  	_ =	shalt  }
0x6c: {  	_ =	shalt  }
0x6d: {  	_ =	shalt  }
0x6e: {  	_ =	shalt  }
0x6f: {  	_ =	shalt  }
0x70: {  	_ =	shalt  }
0x71: {  	_ =	shalt  }
0x72: {  	_ =	shalt  }
0x73: {  	_ =	shalt  }
0x74: {  	_ =	shalt  }
0x75: {  	_ =	shalt  }
0x76: {  	_ =	shalt  }
0x77: {  	_ =	shalt  }
0x78: {  	_ =	shalt  }
0x79: {  	_ =	shalt  }
0x7a: {  	_ =	shalt  }
0x7b: {  	_ =	shalt  }
0x7c: {  	_ =	shalt  }
0x7d: {  	_ =	shalt  }
0x7e: {  	_ =	shalt  }
0x7f: {  	_ =	shalt  }
0x80: {  	_ =	shalt  }
0x81: {  	_ =	shalt  }
0x82: {  	_ =	shalt  }
0x83: {  	_ =	shalt  }
0x84: {  	_ =	shalt  }
0x85: {  	_ =	shalt  }
0x86: {  	_ =	shalt  }
0x87: {  	_ =	shalt  }
.Lfunc_end0:
.L_simem_size_0:
called_computation.2_lowered:
.L_overlay_start_0:
0x88: {  	s2 =	sld [smem:$0x3FD9]  }
0x89: {  	s3 =	sld [smem:$0x3FFE];
	_ =	sdelay $0x1  }
0x8a: {  	s1 =	srdreg.scid  }
0x8b: {  	s0 =	sand.u32 $0x1, s1  }
0x8c: {  	s14 =	sshll.u32 s0, $0xA;
	s2 =	sadd.s32 s3, s2  }
0x8d: {  	s2 =	sadd.s32 s2, s14  }
0x8e: {  	[smem:$0x3FC3] =	sst s2  }
0x8f: {  	_ = 	snop  }
0x90: {  	s2 =	sld [smem:$0x3FD0];
	_ =	sdelay $0x2  }
0x91: {  	s15 =	simm.s32 $0xB;
	s4 =	simm.s32 $0x10  }
0x92: {  	[smem:s4], [sflag:s15] =	dma.local [hbm:s2], $0x1  }
0x93: {  	_ =	swait.eq [sflag:s15], $0x1  }
0x94: {  	[sflag:s15] =	ssyncset.done $0x0  }
0x95: {  	s16 =	sld [smem:$0x10];
	[sflag:s15] =	ssyncadd.s32 $0xFFFFFFFF  }
0x96: {  	s17 =	sld [smem:$0x11];
	(tm) =	ssettm $0x1  }
0x97: {  	s18 =	sld [smem:$0x3FFB];
	_ =	sdelay $0x3  }
0x98: {  	_ =	strace s18  }
0x99: {  	s4 =	sld [smem:$0x3FFC];
	_ =	sdelay $0x3  }
0x9a: {  	_ =	strace s4  }
0x9b: {  	s4 =	sld [smem:$0x3FFD];
	_ =	sdelay $0x3  }
0x9c: {  	_ =	strace s4  }
0x9d: {  	_ =	strace $0x8FFFFFFF  }
0x9e: {  	s19 =	sld [smem:$0x3FDB];
	_ =	sdelay $0x1  }
0x9f: {  	s5 =	simm.s32 $_scs_section_size  }
0xa0: {  	s6 =	simm.s32 $_size__tile_overlayer_lowered;
	s7 =	simm.s32 $_tile_overlayer_lowered  }
0xa1: {  	s22 =	simm.s32 $0x1BFF;
	s21 =	sshll.u32 s7, $0x1;
	s4 =	sadd.s32 s5, s19  }
0xa2: {  	s8 =	simm.s32 $0x0;
	s20 =	sshll.u32 s6, $0x1;
	s6 =	sadd.s32 s21, s4  }
0xa3: {  	[timem:s8], [sflag:s22] =	dma.local [hbm:s6], s20  }
0xa4: {  	_ =	swait.ge [sflag:s22], s20  }
0xa5: {  	s5 =	ssub.s32 $0x0, s20;
	[sflag:s22] =	ssyncset.done $0x0  }
0xa6: {  	[sflag:s22] =	ssyncadd.s32 s5;
	_ =	sdelay $0x1  }
0xa7: {  	s23 =	simm.s32 $0x1B8B  }
0xa8: {  	_ =	swait.ge [sflag:s23], $0x1  }
0xa9: {  	[sflag:s23] =	ssyncset.done $0x0  }
0xaa: {  	s25 =	simm.s32 $0x1B8E;
	s24 =	sld [smem:$0x3FFE];
	[sflag:s23] =	ssyncadd.s32 $0xFFFFFFFF  }
0xab: {  	s26 =	simm.s32 $execute0_lowered;
	[smem:$0x3FD2] =	sst s25  }
0xac: {  	s6 =	sshll.u32 s26, $0x1;
	_ =	strace $0x80000046;
	[dreg:$0x1] =	wrdreg $0xFFFFFFFF  }
0xad: {  	s28 =	simm.s32 $_size_execute0_lowered;
	s4 =	sadd.s32 s4, s6;
	[dreg:$0x0] =	wrdreg $0x0  }
0xae: {  	s6 =	sshll.u32 s28, $0x1;
	[dreg:$0x2] =	wrdreg s4  }
0xaf: {  	[dreg:$0x3] =	wrdreg s6  }
0xb0: {  	[dreg:$0x4] =	wrdreg $0xC0  }
0xb1: {  	_ =	task [dreg:s8], $0x5FFFF  }
0xb2: {  	[dreg:$0x1] =	wrdreg $0xFFFFFFFF  }
0xb3: {  	[dreg:$0x0] =	wrdreg $0x60  }
0xb4: {  	[dreg:$0x2] =	wrdreg s17  }
0xb5: {  	[dreg:$0x3] =	wrdreg s16  }
0xb6: {  	[dreg:$0x4] =	wrdreg s24  }
0xb7: {  	[dreg:$0x5] =	wrdreg $0x9  }
0xb8: {  	_ =	task.clear_ibuf [dreg:s8], $0x6FFFF;
	_ =	strace $0x90000046  }
0xb9: {  	s29 =	simm.s32 $0x9;
	_ =	strace $0x80000048  }
0xba: {  	_ =	swait.ge [sflag:s29], $0x1  }
0xbb: {  	[sflag:s29] =	ssyncadd.s32 $0xFFFFFFFF  }
0xbc: {  	_ =	strace $0x90000048  }
0xbd: {  	_ =	sfence  }
0xbe: {  	s30 =	sld [smem:$0x0];
	_ =	sdelay $0x2  }
0xbf: {  	s31 =	sshll.u32 s1, $0xD;
	s1 =	sshrl.u32 s1, $0x2  }
0xc0: {  	s3 =	sand.u32 $0x4000, s31;
	s1 =	sadd.s32 s1, s30  }
0xc1: {  	s0 =	sor.u32 s3, s0;
	s1 =	sshll.u32 s1, $0x11  }
0xc2: {  	s0 =	sor.u32 s1, s0  }
0xc3: {  	s0 =	sadd.s32 $0x8F2B, s0  }
0xc4: {  	[sflag:s0] =	ssyncadd.remote.s32 $0x1  }
0xc5: {  	_ =	sfence.sel $0xFFFF  }
0xc6: {  	[dreg:$0x0] =	wrdreg $0xFFFFFFFF;
	(pc) =	sbr.abs _section_cstart, $3  }
0xc7: {  	[dreg:$0x1] =	wrdreg $0xFFFFFFFF  }
0xc8: {  	_ =	task.clear_ibuf [dreg:s8], $0x2FFFF;
	_ =	strace $0x9FFFFFFF  }
0xc9: {  	(tm) =	ssettm $0x7FFFFFFF  }
tec
execute0_lowered:
.L_overlay_start_1:
0x0: {  	(tag) =	ssettag $0x1  }
0x1: {  	s1 =	rddreg [dreg:$0x0]  }
0x2: {  	s2 =	rddreg [dreg:$0x1]  }
0x3: {  	s6 =	rddreg [dreg:$0x2]  }
0x4: {  	s0 =	rddreg [dreg:$0x3];
	s3 =	simm.s32 $0x0;
	s4 =	srdreg.scid  }
0x5: {  	s11 =	simm.s32 $0x8700;
	s12 =	simm.s32 $0x10700;
	s13 =	simm.s32 $0x0  }
0x6: {  	[smem:$0x7FF] =	sst s3;
	s7 =	sand.u32 $0x1, s4;
	s5 =	sadd.s32 $0x101000, s6  }
0x7: {  	s4 =	stileid.u32;
	s6 =	sadd.s32 $0x1000, s6;
	s8 =	ssub.s32 $0x2, s7  }
0x8: {  	s10 =	sshll.u32 s4, $0x10;
	s7 =	sshll.u32 s7, $0xF;
	s9 =	sshrl.u32 s8, $0x1  }
0x9: {  	_ =	strace $0x80000047;
	s7 =	sor.u32 s10, s7;
	s8 =	ssub.s32 s8, s9  }
0xa: {  	v0 =	vimm.s32 $0x0;
	v1 =	vimm.s32 $0x7;
	s10 =	simm.s32 $0x700;
	s9 =	simm.s32 $0x1;
	s8 =	smax.u32 s8, $0x1  }
.LBB2_1:
0xb: {  	[tilespmem:s3], [sflag:$0x1] =	stream.linear.gather [hbm4b:s2+s3], $0x700, $0x38;
	[tilespmem:$0x18700] =	vst v63  }
0xc: {  	_ =	swait.ge [sflag:s9], $0x700  }
0xd: {  	[sflag:s9] =	ssyncset.done $0x0  }
0xe: {  	[sflag:s9] =	ssyncadd.s32 $0xFFFFF900  }
0xf: {  	v11 =	vld [tilespmem:$0x2B0];
	_ =	sdelay $0x4  }
0x10: {  	[tilespmem:$0x1FC00] =	vst v11;
	v11 =	vld [tilespmem:$0x2C0];
	_ =	sdelay $0x4  }
0x11: {  	[tilespmem:$0x1FC10] =	vst v11;
	v11 =	vld [tilespmem:$0x2D0];
	_ =	sdelay $0x4  }
0x12: {  	[tilespmem:$0x1FC20] =	vst v11;
	v11 =	vld [tilespmem:$0x2E0];
	_ =	sdelay $0x4  }
0x13: {  	[tilespmem:$0x1FC30] =	vst v11;
	v11 =	vld [tilespmem:$0x2F0];
	_ =	sdelay $0x4  }
0x14: {  	[tilespmem:$0x1FC40] =	vst v11;
	v11 =	vld [tilespmem:$0x300];
	_ =	sdelay $0x4  }
0x15: {  	[tilespmem:$0x1FC50] =	vst v11;
	v11 =	vld [tilespmem:$0x310];
	_ =	sdelay $0x4  }
0x16: {  	[tilespmem:$0x1FC60] =	vst v11;
	v11 =	vld [tilespmem:$0x320];
	_ =	sdelay $0x4  }
0x17: {  	[tilespmem:$0x1FC70] =	vst v11;
	v11 =	vld [tilespmem:$0x330];
	_ =	sdelay $0x4  }
0x18: {  	[tilespmem:$0x1FC80] =	vst v11;
	v11 =	vld [tilespmem:$0x340];
	_ =	sdelay $0x4  }
0x19: {  	[tilespmem:$0x1FC90] =	vst v11;
	v11 =	vld [tilespmem:$0x350];
	_ =	sdelay $0x4  }
0x1a: {  	[tilespmem:$0x1FCA0] =	vst v11;
	v11 =	vld [tilespmem:$0x360];
	_ =	sdelay $0x4  }
0x1b: {  	[tilespmem:$0x1FCB0] =	vst v11;
	v11 =	vld [tilespmem:$0x370];
	_ =	sdelay $0x4  }
0x1c: {  	[tilespmem:$0x1FCC0] =	vst v11;
	v11 =	vld [tilespmem:$0x380];
	_ =	sdelay $0x4  }
0x1d: {  	[tilespmem:$0x1FCD0] =	vst v11;
	v11 =	vld [tilespmem:$0x390];
	_ =	sdelay $0x4  }
0x1e: {  	[tilespmem:$0x1FCE0] =	vst v11;
	v11 =	vld [tilespmem:$0x3A0];
	_ =	sdelay $0x4  }
0x1f: {  	[tilespmem:$0x1FCF0] =	vst v11;
	v11 =	vld [tilespmem:$0x3B0]  }
0x20: {  	v2 =	vld [tilespmem:$0x0]  }
0x21: {  	v3 =	vld [tilespmem:$0x10]  }
0x22: {  	v4 =	vld [tilespmem:$0x20]  }
0x23: {  	v8 =	vld [tilespmem:$0x60]  }
0x24: {  	[tilespmem:$0x1FD00] =	vst v11;
	v11 =	vld [tilespmem:$0x3C0]  }
0x25: {  	v12 =	vld [tilespmem:$0x90]  }
0x26: {  	v31 =	vld [tilespmem:$0xA0]  }
0x27: {  	v32 =	vld [tilespmem:$0xB0]  }
0x28: {  	v33 =	vld [tilespmem:$0xC0];
	[tilespmem:$0x1FDB0] =	vst v8  }
0x29: {  	[tilespmem:$0x1FD10] =	vst v11;
	v11 =	vld [tilespmem:$0x3D0]  }
0x2a: {  	v34 =	vld [tilespmem:$0xD0];
	[tilespmem:$0x1FDC0] =	vst v12  }
0x2b: {  	v35 =	vld [tilespmem:$0xE0];
	[tilespmem:$0x1FDD0] =	vst v31  }
0x2c: {  	v36 =	vld [tilespmem:$0xF0];
	[tilespmem:$0x1FDE0] =	vst v32  }
0x2d: {  	v37 =	vld [tilespmem:$0x100];
	[tilespmem:$0x1FDF0] =	vst v33  }
0x2e: {  	[tilespmem:$0x1FD20] =	vst v11;
	v11 =	vld [tilespmem:$0x3E0]  }
0x2f: {  	v38 =	vld [tilespmem:$0x110];
	[tilespmem:$0x1FE00] =	vst v34  }
0x30: {  	v39 =	vld [tilespmem:$0x120];
	[tilespmem:$0x1FE10] =	vst v35  }
0x31: {  	v40 =	vld [tilespmem:$0x130];
	[tilespmem:$0x1FE20] =	vst v36  }
0x32: {  	v41 =	vld [tilespmem:$0x140];
	[tilespmem:$0x1FE30] =	vst v37  }
0x33: {  	[tilespmem:$0x1FD30] =	vst v11;
	v11 =	vld [tilespmem:$0x3F0]  }
0x34: {  	v42 =	vld [tilespmem:$0x150];
	[tilespmem:$0x1FE40] =	vst v38  }
0x35: {  	v43 =	vld [tilespmem:$0x160];
	[tilespmem:$0x1FE50] =	vst v39  }
0x36: {  	v44 =	vld [tilespmem:$0x170];
	[tilespmem:$0x1FE60] =	vst v40  }
0x37: {  	v45 =	vld [tilespmem:$0x180];
	[tilespmem:$0x1FE70] =	vst v41  }
0x38: {  	[tilespmem:$0x1FD40] =	vst v11;
	v11 =	vld [tilespmem:$0x420]  }
0x39: {  	v46 =	vld [tilespmem:$0x190];
	[tilespmem:$0x1FE80] =	vst v42  }
0x3a: {  	v47 =	vld [tilespmem:$0x1A0];
	[tilespmem:$0x1FE90] =	vst v43  }
0x3b: {  	v48 =	vld [tilespmem:$0x1B0];
	[tilespmem:$0x1FEA0] =	vst v44  }
0x3c: {  	v49 =	vld [tilespmem:$0x1C0];
	[tilespmem:$0x1FEB0] =	vst v45  }
0x3d: {  	[tilespmem:$0x1FD50] =	vst v11;
	v11 =	vld [tilespmem:$0x430]  }
0x3e: {  	v50 =	vld [tilespmem:$0x1D0];
	[tilespmem:$0x1FEC0] =	vst v46  }
0x3f: {  	v51 =	vld [tilespmem:$0x1E0];
	[tilespmem:$0x1FED0] =	vst v47  }
0x40: {  	v52 =	vld [tilespmem:$0x1F0];
	[tilespmem:$0x1FEE0] =	vst v48  }
0x41: {  	v53 =	vld [tilespmem:$0x200];
	[tilespmem:$0x1FEF0] =	vst v49  }
0x42: {  	[tilespmem:$0x1FD60] =	vst v11;
	v11 =	vld [tilespmem:$0x440]  }
0x43: {  	v54 =	vld [tilespmem:$0x210];
	[tilespmem:$0x1FF00] =	vst v50  }
0x44: {  	v55 =	vld [tilespmem:$0x220];
	[tilespmem:$0x1FF10] =	vst v51  }
0x45: {  	v56 =	vld [tilespmem:$0x230];
	[tilespmem:$0x1FF20] =	vst v52  }
0x46: {  	v57 =	vld [tilespmem:$0x240];
	[tilespmem:$0x1FF30] =	vst v53  }
0x47: {  	[tilespmem:$0x1FD70] =	vst v11;
	v11 =	vld [tilespmem:$0x450]  }
0x48: {  	v58 =	vld [tilespmem:$0x250];
	[tilespmem:$0x1FF40] =	vst v54  }
0x49: {  	v59 =	vld [tilespmem:$0x260];
	[tilespmem:$0x1FF50] =	vst v55  }
0x4a: {  	v60 =	vld [tilespmem:$0x270];
	[tilespmem:$0x1FF60] =	vst v56  }
0x4b: {  	v61 =	vld [tilespmem:$0x280];
	[tilespmem:$0x1FF70] =	vst v57  }
0x4c: {  	[tilespmem:$0x1FD80] =	vst v11;
	v11 =	vld [tilespmem:$0x460]  }
0x4d: {  	v62 =	vld [tilespmem:$0x290];
	[tilespmem:$0x1FF80] =	vst v58  }
0x4e: {  	v63 =	vld [tilespmem:$0x2A0];
	[tilespmem:$0x1FF90] =	vst v59  }
0x4f: {  	v26 =	vld [tilespmem:$0x400];
	[tilespmem:$0x1FFA0] =	vst v60  }
0x50: {  	v29 =	vld [tilespmem:$0x410];
	[tilespmem:$0x1FFB0] =	vst v61  }
0x51: {  	[tilespmem:$0x1FD90] =	vst v11;
	v11 =	vld [tilespmem:$0x470]  }
0x52: {  	v5 =	vld [tilespmem:$0x30];
	[tilespmem:$0x1FFC0] =	vst v62  }
0x53: {  	v6 =	vld [tilespmem:$0x40];
	[tilespmem:$0x1FFD0] =	vst v63  }
0x54: {  	v7 =	vld [tilespmem:$0x50];
	[tilespmem:$0x1FFE0] =	vst v26  }
0x55: {  	v9 =	vld [tilespmem:$0x70];
	[tilespmem:$0x1FFF0] =	vst v29  }
0x56: {  	s14 =	simm.s32 $0x0;
	v10 =	vld [tilespmem:$0x80];
	[tilespmem:$0x1FDA0] =	vst v11  }
.LBB2_2:
0x57: {  	s15 =	sshll.u32 s14, $0xC  }
0x58: {  	s15 =	sadd.s32 s7, s15  }
0x59: {  	s16 =	simm.s32 $0x0;
	s17 =	sadd.s32 s1, s15  }
0x5a: {  	[tilespmem:s10], [sflag:$0x1] =	stream.linear.gather [hbm4b:s17+s16], $0x8000, $0x38;
	[tilespmem:$0x18700] =	vst v63  }
0x5b: {  	_ =	swait.ge [sflag:s9], $0x8000  }
0x5c: {  	[sflag:s9] =	ssyncset.done $0x0  }
0x5d: {  	s18 =	simm.s32 $0x0;
	s17 =	simm.s32 $0x0;
	[sflag:s9] =	ssyncadd.s32 $0xFFFF8000  }
.LBB2_3:
0x5e: {  	s19 =	sand.u32 $0x70, s18;
	s20 =	sand.u32 $0x7C00, s17  }
0x5f: {  	s19 =	sor.u32 s19, s20  }
0x60: {  	v18 =	vld [tilespmem:s19+$0x700]  }
0x61: {  	v17 =	vld [tilespmem:s19+$0x780]  }
0x62: {  	v16 =	vld [tilespmem:s19+$0x800]  }
0x63: {  	v13 =	vld [tilespmem:s19+$0x880];
	_ =	sdelay $0x2  }
0x64: {  	v12 =	vld [tilespmem:s19+$0x900];
	v11 =	vshrl.u32 v18, $0x10;
	v14 =	vshrl.u32 v17, $0x10  }
0x65: {  	v19 =	vshrl.u32 v16, $0x10;
	v11 =	vand.u32 $0x1, v11;
	v14 =	vand.u32 $0x1, v14  }
0x66: {  	v22 =	vshrl.u32 v13, $0x10;
	v15 =	vadd.s32 v11, v18;
	v14 =	vadd.s32 v14, v17;
	v11 =	vld [tilespmem:s19+$0x980]  }
0x67: {  	v19 =	vand.u32 $0x1, v19;
	v15 =	vadd.s32 $0x7FFF, v15;
	v14 =	vadd.s32 $0x7FFF, v14  }
0x68: {  	v21 =	vadd.s32 v19, v16;
	v23 =	vand.u32 $0xFFFF0000, v15;
	v24 =	vand.u32 $0xFFFF0000, v14  }
0x69: {  	v14 =	vadd.s32 $0x7FFF, v21;
	v21 =	vshrl.u32 v12, $0x10;
	v15 =	vand.u32 $0x1, v22  }
0x6a: {  	v25 =	vand.u32 $0xFFFF0000, v14;
	v19 =	vand.u32 $0x1, v21;
	v15 =	vadd.s32 v15, v13  }
0x6b: {  	s31 =	sand.u32 $0x7, s16;
	v20 =	vmul.f32 v23, v2;
	v19 =	vadd.s32 v19, v12;
	v22 =	vshrl.u32 v11, $0x10  }
0x6c: {  	s20 =	sshll.u32 s31, $0x4;
	v21 =	vadd.s32 $0x7FFF, v15;
	v19 =	vadd.s32 $0x7FFF, v19;
	v22 =	vand.u32 $0x1, v22  }
0x6d: {  	s20 =	sadd.s32 s20, s17;
	v20 =	vadd.f32 v20, v26;
	v26 =	vmul.f32 v24, v3;
	v22 =	vadd.s32 v22, v11  }
0x6e: {  	s20 =	sor.u32 $0x380, s20;
	v14 =	vld [tilespmem:s19+$0xA00];
	v28 =	vand.u32 $0xFFFF0000, v19;
	v19 =	vadd.s32 $0x7FFF, v22;
	v22 =	vmul.f32 v23, v10  }
0x6f: {  	v15 =	vld [tilespmem:s20+$0x700];
	v27 =	vand.u32 $0xFFFF0000, v21  }
0x70: {  	v21 =	vmul.f32 v25, v4;
	v20 =	vadd.f32 v26, v20;
	v22 =	vadd.f32 v22, v29;
	v29 =	vld [tilespmem:$0x1FDC0];
	_ =	sdelay $0x1  }
0x71: {  	v20 =	vadd.f32 v21, v20;
	v21 =	vmul.f32 v27, v5  }
0x72: {  	v26 =	vand.u32 $0xFFFF0000, v19;
	v19 =	vshrl.u32 v14, $0x10  }
0x73: {  	v19 =	vand.u32 $0x1, v19;
	v20 =	vadd.f32 v21, v20;
	v21 =	vmul.f32 v28, v6  }
0x74: {  	v30 =	vshrl.u32 v15, $0x10;
	v19 =	vadd.s32 v19, v14;
	v29 =	vmul.f32 v24, v29  }
0x75: {  	v19 =	vadd.s32 $0x7FFF, v19;
	v20 =	vadd.f32 v21, v20;
	v21 =	vmul.f32 v26, v7  }
0x76: {  	v22 =	vadd.f32 v29, v22;
	v29 =	vmul.f32 v25, v31;
	v31 =	vand.u32 $0xFFFF0000, v19  }
0x77: {  	v30 =	vand.u32 $0x1, v30;
	v20 =	vadd.f32 v21, v20;
	v21 =	vmul.f32 v31, v8;
	v8 =	vld [tilespmem:$0x1FD50]  }
0x78: {  	v30 =	vadd.s32 v30, v15  }
0x79: {  	v19 =	vadd.s32 $0x7FFF, v30  }
0x7a: {  	v30 =	vmul.f32 v23, v37;
	v22 =	vadd.f32 v29, v22;
	v29 =	vmul.f32 v27, v32  }
0x7b: {  	v37 =	vmul.f32 v24, v38  }
0x7c: {  	v22 =	vadd.f32 v29, v22;
	v29 =	vmul.f32 v28, v33;
	v30 =	vadd.f32 v30, v8;
	v8 =	vld [tilespmem:$0x1FD60]  }
0x7d: {  	v38 =	vmul.f32 v23, v45  }
0x7e: {  	v45 =	vadd.f32 v29, v22;
	v29 =	vmul.f32 v25, v39;
	v37 =	vadd.f32 v37, v30;
	_ =	sdelay $0x1  }
0x7f: {  	v22 =	vadd.f32 v29, v37;
	v29 =	vmul.f32 v27, v40  }
0x80: {  	v33 =	vand.u32 $0xFFFF0000, v19;
	v19 =	vadd.f32 v21, v20;
	v20 =	vadd.f32 v38, v8;
	v8 =	vld [tilespmem:$0x1FD70]  }
0x81: {  	v22 =	vadd.f32 v29, v22;
	v29 =	vmul.f32 v28, v41  }
0x82: {  	v30 =	vmul.f32 v26, v34;
	v38 =	vmul.f32 v24, v46  }
0x83: {  	v22 =	vadd.f32 v29, v22;
	v29 =	vmul.f32 v23, v53  }
0x84: {  	v21 =	vadd.f32 v30, v45;
	v30 =	vmul.f32 v25, v47;
	v20 =	vadd.f32 v38, v20  }
0x85: {  	v46 =	vmul.f32 v26, v42;
	v29 =	vadd.f32 v29, v8;
	v8 =	vld [tilespmem:$0x1FD80]  }
0x86: {  	v20 =	vadd.f32 v30, v20;
	v30 =	vmul.f32 v27, v48  }
0x87: {  	v53 =	vmul.f32 v25, v55;
	v55 =	vmul.f32 v23, v61;
	v22 =	vadd.f32 v46, v22  }
0x88: {  	v20 =	vadd.f32 v30, v20;
	v30 =	vmul.f32 v28, v49;
	v49 =	vmul.f32 v31, v43;
	_ =	sdelay $0x1  }
0x89: {  	v48 =	vmul.f32 v24, v54;
	v54 =	vadd.f32 v49, v22;
	v22 =	vadd.f32 v55, v8;
	v8 =	vld [tilespmem:$0x1FC00]  }
0x8a: {  	v45 =	vmul.f32 v31, v35;
	_ =	sdelay $0x1  }
0x8b: {  	v47 =	vmul.f32 v33, v36;
	v21 =	vadd.f32 v45, v21  }
0x8c: {  	v50 =	vmul.f32 v26, v50;
	v30 =	vadd.f32 v30, v20  }
0x8d: {  	v20 =	vadd.f32 v47, v21;
	v47 =	vmul.f32 v27, v8;
	v8 =	vld [tilespmem:$0x1FC50]  }
0x8e: {  	v61 =	vmul.f32 v31, v51;
	v30 =	vadd.f32 v50, v30;
	_ =	sdelay $0x1  }
0x8f: {  	v45 =	vmul.f32 v33, v52;
	v30 =	vadd.f32 v61, v30;
	_ =	sdelay $0x1  }
0x90: {  	v21 =	vadd.f32 v45, v30;
	v30 =	vmul.f32 v23, v8;
	v8 =	vld [tilespmem:$0x1FC10];
	_ =	sdelay $0x4  }
0x91: {  	v49 =	vmul.f32 v28, v8;
	v8 =	vld [tilespmem:$0x1FCD0];
	_ =	sdelay $0x4  }
0x92: {  	v23 =	vmul.f32 v23, v8;
	v8 =	vld [tilespmem:$0x1FD90];
	_ =	sdelay $0x4  }
0x93: {  	v30 =	vadd.f32 v30, v8;
	v8 =	vld [tilespmem:$0x1FC60];
	_ =	sdelay $0x4  }
0x94: {  	v51 =	vmul.f32 v24, v8;
	v8 =	vld [tilespmem:$0x1FDA0];
	_ =	sdelay $0x4  }
0x95: {  	v23 =	vadd.f32 v23, v8;
	v8 =	vld [tilespmem:$0x1FCE0];
	_ =	sdelay $0x4  }
0x96: {  	v40 =	vmul.f32 v24, v62;
	v24 =	vmul.f32 v24, v8;
	v8 =	vld [tilespmem:$0x1FC20];
	_ =	sdelay $0x4  }
0x97: {  	v52 =	vmul.f32 v26, v8;
	v8 =	vld [tilespmem:$0x1FC70];
	_ =	sdelay $0x2  }
0x98: {  	v29 =	vadd.f32 v48, v29;
	_ =	sdelay $0x1  }
0x99: {  	v29 =	vadd.f32 v53, v29;
	v53 =	vmul.f32 v25, v8;
	v8 =	vld [tilespmem:$0x1FCF0];
	_ =	sdelay $0x4  }
0x9a: {  	v23 =	vadd.f32 v24, v23;
	v24 =	vmul.f32 v25, v8;
	v8 =	vld [tilespmem:$0x1FC80];
	_ =	sdelay $0x2  }
0x9b: {  	v41 =	vmul.f32 v33, v44;
	_ =	sdelay $0x1  }
0x9c: {  	v43 =	vadd.f32 v40, v22;
	v22 =	vadd.f32 v41, v54;
	v54 =	vmul.f32 v27, v8;
	v8 =	vld [tilespmem:$0x1FC30];
	_ =	sdelay $0x4  }
0x9d: {  	v55 =	vmul.f32 v31, v8;
	v8 =	vld [tilespmem:$0x1FD00];
	_ =	sdelay $0x4  }
0x9e: {  	v23 =	vadd.f32 v24, v23;
	v24 =	vmul.f32 v27, v8;
	v8 =	vld [tilespmem:$0x1FC90];
	_ =	sdelay $0x2  }
0x9f: {  	v56 =	vmul.f32 v27, v56;
	_ =	sdelay $0x1  }
0xa0: {  	v29 =	vadd.f32 v56, v29;
	v56 =	vmul.f32 v28, v8;
	v8 =	vld [tilespmem:$0x1FD10];
	_ =	sdelay $0x4  }
0xa1: {  	v42 =	vmul.f32 v28, v57;
	v28 =	vmul.f32 v28, v8;
	v8 =	vld [tilespmem:$0x1FC40];
	_ =	sdelay $0x4  }
0xa2: {  	v57 =	vmul.f32 v33, v8;
	v8 =	vld [tilespmem:$0x1FCA0];
	_ =	sdelay $0x4  }
0xa3: {  	v46 =	vmul.f32 v26, v58;
	v58 =	vmul.f32 v26, v8;
	v8 =	vld [tilespmem:$0x1FD20];
	_ =	sdelay $0x3  }
0xa4: {  	v29 =	vadd.f32 v42, v29  }
0xa5: {  	v44 =	vmul.f32 v25, v63;
	v26 =	vmul.f32 v26, v8;
	v8 =	vld [tilespmem:$0x1FCB0]  }
0xa6: {  	v50 =	vmul.f32 v31, v59;
	v29 =	vadd.f32 v46, v29  }
0xa7: {  	v34 =	vadd.f32 v44, v43  }
0xa8: {  	v29 =	vadd.f32 v50, v29;
	v27 =	vmul.f32 v33, v60;
	v23 =	vadd.f32 v24, v23  }
0xa9: {  	v48 =	vadd.f32 v47, v34;
	v30 =	vadd.f32 v51, v30  }
0xaa: {  	v24 =	vadd.f32 v27, v29;
	v27 =	vadd.f32 v28, v23;
	v28 =	vmul.f32 v31, v8;
	v8 =	vld [tilespmem:$0x1FD30];
	_ =	sdelay $0x1  }
0xab: {  	v32 =	vadd.f32 v49, v48;
	v30 =	vadd.f32 v53, v30;
	_ =	sdelay $0x1  }
0xac: {  	v25 =	vadd.f32 v52, v32;
	v30 =	vadd.f32 v54, v30  }
0xad: {  	v26 =	vadd.f32 v26, v27;
	v27 =	vmul.f32 v31, v8;
	v8 =	vld [tilespmem:$0x1FCC0]  }
0xae: {  	v25 =	vadd.f32 v55, v25;
	v30 =	vadd.f32 v56, v30;
	_ =	sdelay $0x1  }
0xaf: {  	v23 =	vadd.f32 v57, v25;
	v25 =	vadd.f32 v58, v30  }
0xb0: {  	v39 =	vmul.f32 v33, v9  }
0xb1: {  	v25 =	vadd.f32 v28, v25;
	v28 =	vmul.f32 v33, v8;
	v8 =	vld [tilespmem:$0x1FD40]  }
0xb2: {  	v19 =	vadd.f32 v39, v19;
	_ =	sdelay $0x1  }
0xb3: {  	v29 =	vmax.f32 v19, v20  }
0xb4: {  	v29 =	vmax.f32 v29, v22  }
0xb5: {  	v29 =	vmax.f32 v29, v21;
	v27 =	vadd.f32 v27, v26;
	v30 =	vmul.f32 v33, v8  }
0xb6: {  	v26 =	vadd.f32 v28, v25;
	v28 =	vmax.f32 v29, v24  }
0xb7: {  	v25 =	vadd.f32 v30, v27;
	v27 =	vmax.f32 v28, v23  }
0xb8: {  	v27 =	vmax.f32 v27, v26  }
0xb9: {  	v29 =	vmax.f32 v27, v25  }
0xba: {  	vm4 =	veq.f32 v19, v29;
	vm0 =	vne.f32 v19, v29;
	vm1 =	veq.f32 v20, v29  }
0xbb: {  	vm2 =	veq.f32 v22, v29;
	vm6 =	veq.f32 v21, v29;
	vm8 =	veq.f32 v24, v29  }
0xbc: {  	vm15 =	veq.f32 v23, v29;
	vm0 =	vmand vm1, vm0;
	vm1 =	vmor vm4, vm1  }
0xbd: {  	vm12 =	veq.f32 v26, v29;
	vm3 =	vmneg vm1;
	vm1 =	vmor vm2, vm1  }
0xbe: {  	v27 =	vsel vm4, $0xFF61B1E6, v19;
	v28 =	vsel vm0, $0xFF61B1E6, v20;
	vm7 =	vmneg vm1  }
0xbf: {  	vm1 =	vmor vm6, vm1;
	vm5 =	vmand vm2, vm3;
	v31 =	vmax.f32 v27, v28  }
0xc0: {  	vm2 =	vmand vm6, vm7;
	vm14 =	vmor vm8, vm1;
	vm1 =	vmneg vm1  }
0xc1: {  	v30 =	vsel vm5, $0xFF61B1E6, v22;
	vm9 =	vmneg vm14;
	vm3 =	vmand vm8, vm1  }
0xc2: {  	vm6 =	vmor vm15, vm14;
	v59 =	vsel vm2, $0xFF61B1E6, v21;
	v31 =	vmax.f32 v31, v30  }
0xc3: {  	vm14 =	vne.f32 v25, v29;
	vm1 =	vmand vm15, vm9;
	vm13 =	vmneg vm6  }
0xc4: {  	v60 =	vsel vm3, $0xFF61B1E6, v24;
	v31 =	vmax.f32 v31, v59;
	vm7 =	vmor vm12, vm14  }
0xc5: {  	vm4 =	vmand vm12, vm13;
	v34 =	vsel vm1, $0xFF61B1E6, v23;
	v31 =	vmax.f32 v31, v60  }
0xc6: {  	vm6 =	vmor vm7, vm6;
	v61 =	vsel vm4, $0xFF61B1E6, v26;
	v31 =	vmax.f32 v31, v34  }
0xc7: {  	v62 =	vnsel vm6, $0xFF61B1E6, v25;
	v31 =	vmax.f32 v31, v61  }
0xc8: {  	v63 =	vmax.f32 v31, v62  }
0xc9: {  	vm15 =	veq.f32 v27, v63;
	vm12 =	veq.f32 v28, v63  }
0xca: {  	vm13 =	vne.f32 v27, v63;
	vm14 =	veq.f32 v30, v63;
	vm9 =	veq.f32 v59, v63  }
0xcb: {  	v27 =	vsel vm0, $0x1, v0;
	v30 =	vsel vm5, $0x2, v0;
	vm7 =	vmor vm15, vm12  }
0xcc: {  	vm8 =	vmand vm12, vm13;
	vm12 =	veq.f32 v60, v63;
	v27 =	vor.u32 v27, v30  }
0xcd: {  	v30 =	vsel vm2, $0x3, v0;
	vm10 =	vmneg vm7;
	vm7 =	vmor vm14, vm7  }
0xce: {  	v28 =	vsel vm8, $0x1, v0;
	v27 =	vadd.s32 v30, v27;
	vm10 =	vmand vm14, vm10  }
0xcf: {  	vm11 =	vmneg vm7;
	vm7 =	vmor vm9, vm7;
	vm14 =	veq.f32 v61, v63  }
0xd0: {  	vm9 =	vmand vm9, vm11;
	vm15 =	vmneg vm7;
	vm7 =	vmor vm12, vm7  }
0xd1: {  	v31 =	vsel vm10, $0x2, v0;
	vm11 =	vmand vm12, vm15;
	vm12 =	veq.f32 v34, v63  }
0xd2: {  	vm13 =	vmneg vm7;
	vm15 =	vne.f32 v62, v63;
	v28 =	vor.u32 v28, v31  }
0xd3: {  	v30 =	vsel vm9, $0x3, v0;
	v31 =	vsel vm3, $0x4, v0;
	vm7 =	vmor vm12, vm7  }
0xd4: {  	vm12 =	vmand vm12, vm13;
	vm15 =	vmor vm14, vm15;
	v28 =	vadd.s32 v30, v28  }
0xd5: {  	v27 =	vadd.s32 v31, v27;
	v30 =	vsel vm11, $0x4, v0;
	vm13 =	vmneg vm7  }
0xd6: {  	v28 =	vadd.s32 v30, v28;
	v30 =	vsel vm1, $0x5, v0;
	v31 =	vsel vm12, $0x5, v0  }
0xd7: {  	vm13 =	vmand vm14, vm13;
	v27 =	vadd.s32 v30, v27;
	v30 =	vsel vm4, $0x6, v0  }
0xd8: {  	v28 =	vadd.s32 v31, v28;
	v31 =	vsel vm6, $0x0, v1;
	v27 =	vadd.s32 v30, v27  }
0xd9: {  	vm7 =	vmor vm15, vm7;
	v30 =	vsel vm13, $0x6, v0;
	v27 =	vadd.s32 v31, v27  }
0xda: {  	v28 =	vadd.s32 v30, v28;
	v30 =	vsel vm7, $0x0, v1;
	v32 =	vmul.u32 $0x9, v27  }
0xdb: {  	v30 =	vadd.s32 v30, v28;
	v28 =	vmul.u32 $0x41, v27  }
0xdc: {  	v31 =	vmul.u32 $0x9, v30;
	v27 =	vmul.u32 $0x41, v30;
	v30 =	vadd.s32 $0x688, v32  }
0xdd: {  	v48 =	vadd.s32 $0x481, v28  }
0xde: {  	v50 =	vadd.s32 $0x482, v28  }
0xdf: {  	v52 =	vadd.s32 $0x483, v28  }
0xe0: {  	v54 =	vadd.s32 $0x484, v28  }
0xe1: {  	v58 =	vadd.s32 $0x486, v28;
	v30 =	vld.idx.msk [tilespmem:v30+s3+$0x0], $0xffff  }
0xe2: {  	v60 =	vadd.s32 $0x487, v28;
	v36 =	vld.idx.msk [tilespmem:v48+s3+$0x0], $0xffff  }
0xe3: {  	v29 =	vsub.f32 v29, v63;
	v46 =	vand.u32 $0x7FFFFFFF, v28;
	v45 =	vadd.s32 $0x688, v31;
	v39 =	vld.idx.msk [tilespmem:v50+s3+$0x0], $0xffff  }
0xe4: {  	v34 =	vadd.s32 $0x480, v46;
	v41 =	vld.idx.msk [tilespmem:v52+s3+$0x0], $0xffff  }
0xe5: {  	v29 =	vmul.f32 $1.442695020e+00, v29;
	v49 =	vadd.s32 $0x481, v27;
	v43 =	vld.idx.msk [tilespmem:v54+s3+$0x0], $0xffff  }
0xe6: {  	v51 =	vadd.s32 $0x482, v27;
	v42 =	vld.idx.msk [tilespmem:v58+s3+$0x0], $0xffff  }
0xe7: {  	(erf) = vpow2.f32 v29;
	v53 =	vadd.s32 $0x483, v27;
	v48 =	vld.idx.msk [tilespmem:v60+s3+$0x0], $0xffff  }
0xe8: {  	v55 =	vadd.s32 $0x484, v27;
	v33 =	vld.idx.msk [tilespmem:v45+s3+$0x0], $0xffff  }
0xe9: {  	v56 =	vadd.s32 $0x485, v28;
	v34 =	vld.idx.msk [tilespmem:v34+s3+$0x0], $0xffff  }
0xea: {  	v57 =	vadd.s32 $0x485, v27;
	v38 =	vld.idx.msk [tilespmem:v49+s3+$0x0], $0xffff  }
0xeb: {  	v59 =	vadd.s32 $0x486, v27;
	v40 =	vld.idx.msk [tilespmem:v51+s3+$0x0], $0xffff  }
0xec: {  	v47 =	vand.u32 $0x7FFFFFFF, v27;
	v61 =	vadd.s32 $0x487, v27;
	v37 =	vld.idx.msk [tilespmem:v53+s3+$0x0], $0xffff  }
0xed: {  	v35 =	vadd.s32 $0x480, v47;
	v44 =	vld.idx.msk [tilespmem:v55+s3+$0x0], $0xffff  }
0xee: {  	v63 =	vadd.s32 $0x689, v31;
	v45 =	vld.idx.msk [tilespmem:v56+s3+$0x0], $0xffff  }
0xef: {  	v1 =	vadd.s32 $0x494, v27;
	v29 =	vld.idx.msk [tilespmem:v57+s3+$0x0], $0xffff  }
0xf0: {  	v8 =	vmov v2;
	v2 =	vadd.s32 $0x4A3, v27;
	v47 =	vld.idx.msk [tilespmem:v59+s3+$0x0], $0xffff;
	v59 =	vpop (erf)  }
0xf1: {  	v58 =	vadd.s32 $0x489, v28;
	v49 =	vld.idx.msk [tilespmem:v61+s3+$0x0], $0xffff;
	v52 =	vadd.f32 $1.000000000e+00, v59  }
0xf2: {  	v62 =	vadd.s32 $0x689, v32;
	v60 =	vadd.s32 $0x489, v27;
	v56 =	vadd.s32 $0x488, v28;
	v35 =	vld.idx.msk [tilespmem:v35+s3+$0x0], $0xffff  }
0xf3: {  	v57 =	vadd.s32 $0x488, v27;
	v46 =	vld.idx.msk [tilespmem:v63+s3+$0x0], $0xffff;
	v61 =	vadd.s32 $0x48A, v28;
	(erf) = vrcp.f32 v52  }
0xf4: {  	v63 =	vadd.s32 $0x48B, v28;
	v1 =	vld.idx.msk [tilespmem:v1+s3+$0x0], $0xffff;
	v36 =	vmul.f32 v36, v17;
	v39 =	vmul.f32 v39, v16  }
0xf5: {  	v55 =	vadd.s32 $0x48B, v27;
	v2 =	vld.idx.msk [tilespmem:v2+s3+$0x0], $0xffff;
	v41 =	vmul.f32 v41, v13;
	v43 =	vmul.f32 v43, v12  }
0xf6: {  	v53 =	vld.idx.msk [tilespmem:v58+s3+$0x0], $0xffff;
	v58 =	vadd.s32 $0x68A, v31;
	v42 =	vmul.f32 v42, v14;
	v34 =	vmul.f32 v34, v18  }
0xf7: {  	v59 =	vadd.s32 $0x491, v28;
	v48 =	vmul.f32 v48, v15;
	v51 =	vld.idx.msk [tilespmem:v56+s3+$0x0], $0xffff;
	v35 =	vmul.f32 v35, v18  }
0xf8: {  	v38 =	vmul.f32 v38, v17;
	v40 =	vmul.f32 v40, v16;
	v30 =	vadd.f32 v34, v30;
	v34 =	vld.idx.msk [tilespmem:v62+s3+$0x0], $0xffff  }
0xf9: {  	v37 =	vmul.f32 v37, v13;
	v62 =	vadd.s32 $0x48A, v27;
	v33 =	vadd.f32 v35, v33;
	v35 =	vld.idx.msk [tilespmem:v60+s3+$0x0], $0xffff  }
0xfa: {  	v44 =	vmul.f32 v44, v12;
	v45 =	vmul.f32 v45, v11;
	v30 =	vadd.f32 v36, v30;
	v36 =	vld.idx.msk [tilespmem:v57+s3+$0x0], $0xffff  }
0xfb: {  	v29 =	vmul.f32 v29, v11;
	v60 =	vadd.s32 $0x48C, v28;
	v58 =	vld.idx.msk [tilespmem:v58+s3+$0x0], $0xffff;
	v33 =	vadd.f32 v38, v33  }
0xfc: {  	v47 =	vmul.f32 v47, v14;
	v38 =	vld.idx.msk [tilespmem:v63+s3+$0x0], $0xffff;
	v63 =	vadd.s32 $0x48D, v27;
	v51 =	vmul.f32 v51, v18  }
0xfd: {  	v30 =	vadd.f32 v39, v30;
	v39 =	vld.idx.msk [tilespmem:v61+s3+$0x0], $0xffff;
	v61 =	vadd.s32 $0x48C, v27;
	v33 =	vadd.f32 v40, v33  }
0xfe: {  	v50 =	vld.idx.msk [tilespmem:v62+s3+$0x0], $0xffff;
	v62 =	vadd.s32 $0x48D, v28;
	v34 =	vadd.f32 v51, v34;
	v51 =	vmul.f32 v53, v17  }
0xff: {  	v30 =	vadd.f32 v41, v30;
	v41 =	vadd.s32 $0x48E, v28;
	v33 =	vadd.f32 v37, v33;
	v37 =	vld.idx.msk [tilespmem:v55+s3+$0x0], $0xffff  }
0x100: {  	v49 =	vmul.f32 v49, v15;
	v53 =	vadd.s32 $0x495, v27;
	v55 =	vld.idx.msk [tilespmem:v60+s3+$0x0], $0xffff;
	v60 =	vadd.s32 $0x48E, v27  }
0x101: {  	v36 =	vmul.f32 v36, v18;
	v34 =	vadd.f32 v51, v34;
	v52 =	vld.idx.msk [tilespmem:v63+s3+$0x0], $0xffff;
	v63 =	vadd.s32 $0x68A, v32  }
0x102: {  	v35 =	vmul.f32 v35, v17;
	v30 =	vadd.f32 v43, v30;
	v40 =	vld.idx.msk [tilespmem:v61+s3+$0x0], $0xffff;
	v33 =	vadd.f32 v44, v33  }
0x103: {  	v61 =	vadd.s32 $0x48F, v28;
	v36 =	vadd.f32 v36, v46;
	v39 =	vmul.f32 v39, v16;
	v43 =	vld.idx.msk [tilespmem:v62+s3+$0x0], $0xffff  }
0x104: {  	v62 =	vadd.s32 $0x48F, v27;
	v30 =	vadd.f32 v45, v30;
	v41 =	vld.idx.msk [tilespmem:v41+s3+$0x0], $0xffff;
	v29 =	vadd.f32 v29, v33  }
0x105: {  	v33 =	vadd.s32 $0x490, v28;
	v35 =	vadd.f32 v35, v36;
	v36 =	vmul.f32 v50, v16;
	v45 =	vld.idx.msk [tilespmem:v60+s3+$0x0], $0xffff  }
0x106: {  	v57 =	vadd.s32 $0x490, v27;
	v38 =	vmul.f32 v38, v13;
	v50 =	vadd.s32 $0x497, v28;
	v54 =	vld.idx.msk [tilespmem:v63+s3+$0x0], $0xffff  }
0x107: {  	v34 =	vadd.f32 v39, v34;
	v35 =	vadd.f32 v36, v35;
	v36 =	vmul.f32 v37, v13;
	v37 =	vld.idx.msk [tilespmem:v53+s3+$0x0], $0xffff  }
0x108: {  	v42 =	vadd.f32 v42, v30;
	v60 =	vadd.s32 $0x491, v27;
	v47 =	vadd.f32 v47, v29;
	v56 =	vld.idx.msk [tilespmem:v61+s3+$0x0], $0xffff  }
0x109: {  	v63 =	vadd.s32 $0x492, v27;
	v53 =	vadd.s32 $0x68B, v32;
	v34 =	vadd.f32 v38, v34;
	v44 =	vld.idx.msk [tilespmem:v62+s3+$0x0], $0xffff  }
0x10a: {  	v38 =	vmul.f32 v55, v12;
	v61 =	vadd.s32 $0x492, v28;
	v35 =	vadd.f32 v36, v35;
	v62 =	vld.idx.msk [tilespmem:v33+s3+$0x0], $0xffff  }
0x10b: {  	v29 =	vpop (erf);
	v36 =	vmul.f32 v40, v12;
	v33 =	vadd.f32 v48, v42;
	v42 =	vadd.f32 v49, v47;
	v47 =	vld.idx.msk [tilespmem:v57+s3+$0x0], $0xffff  }
0x10c: {  	v34 =	vadd.f32 v38, v34;
	v38 =	vmul.f32 v43, v11;
	v30 =	vsub.f32 $1.000000000e+00, v29;
	v49 =	vld.idx.msk [tilespmem:v59+s3+$0x0], $0xffff  }
0x10d: {  	v57 =	vadd.s32 $0x493, v27;
	v43 =	vld.idx.msk [tilespmem:v50+s3+$0x0], $0xffff;
	v50 =	vadd.s32 $0x498, v27;
	v35 =	vadd.f32 v36, v35  }
0x10e: {  	v59 =	vld.idx.msk [tilespmem:v60+s3+$0x0], $0xffff;
	v36 =	vmul.f32 v52, v11;
	v34 =	vadd.f32 v38, v34;
	v38 =	vmul.f32 v41, v14  }
0x10f: {  	v48 =	vadd.s32 $0x493, v28;
	v33 =	vmul.f32 v30, v33;
	v42 =	vmul.f32 v29, v42;
	v41 =	vld.idx.msk [tilespmem:v53+s3+$0x0], $0xffff  }
0x110: {  	v60 =	vadd.s32 $0x494, v28;
	v53 =	vadd.s32 $0x499, v27;
	v61 =	vld.idx.msk [tilespmem:v61+s3+$0x0], $0xffff;
	v35 =	vadd.f32 v36, v35  }
0x111: {  	v36 =	vmul.f32 v45, v14;
	v34 =	vadd.f32 v38, v34;
	v0 =	vadd.f32 v33, v42;
	v42 =	vld.idx.msk [tilespmem:v63+s3+$0x0], $0xffff  }
0x112: {  	v38 =	vmul.f32 v56, v15;
	v63 =	vadd.s32 $0x495, v28;
	v46 =	vld.idx.msk [tilespmem:v57+s3+$0x0], $0xffff;
	v57 =	vadd.s32 $0x496, v28  }
0x113: {  	v35 =	vadd.f32 v36, v35;
	v36 =	vmul.f32 v44, v15;
	v44 =	vld.idx.msk [tilespmem:v50+s3+$0x0], $0xffff;
	v50 =	vadd.s32 $0x49B, v28  }
0x114: {  	v48 =	vld.idx.msk [tilespmem:v48+s3+$0x0], $0xffff;
	v34 =	vadd.f32 v38, v34;
	v38 =	vmul.f32 v62, v18;
	v33 =	vmul.f32 v47, v18  }
0x115: {  	v49 =	vmul.f32 v49, v17;
	v51 =	vld.idx.msk [tilespmem:v60+s3+$0x0], $0xffff;
	v60 =	vadd.s32 $0x496, v27;
	v35 =	vadd.f32 v36, v35  }
0x116: {  	v47 =	vld.idx.msk [tilespmem:v53+s3+$0x0], $0xffff;
	v53 =	vadd.s32 $0x49C, v28;
	v36 =	vadd.f32 v33, v58;
	v58 =	vmul.f32 v59, v17  }
0x117: {  	v38 =	vadd.f32 v38, v54;
	v33 =	vmul.f32 v61, v16;
	v61 =	vadd.s32 $0x49D, v27;
	v39 =	vld.idx.msk [tilespmem:v63+s3+$0x0], $0xffff  }
0x118: {  	[tilespmem:$0x1FBF0] =	vst v0;
	v63 =	vadd.s32 $0x497, v27;
	v36 =	vadd.f32 v58, v36;
	v42 =	vmul.f32 v42, v16;
	v55 =	vld.idx.msk [tilespmem:v57+s3+$0x0], $0xffff  }
0x119: {  	v0 =	vmovc v10;
	v10 =	vmovc v7;
	v7 =	vmov v4;
	v4 =	vadd.s32 $0x4B1, v28;
	v38 =	vadd.f32 v49, v38;
	v50 =	vld.idx.msk [tilespmem:v50+s3+$0x0], $0xffff  }
0x11a: {  	v57 =	vadd.s32 $0x68B, v31;
	v40 =	vld.idx.msk [tilespmem:v60+s3+$0x0], $0xffff;
	v36 =	vadd.f32 v42, v36;
	v42 =	vmul.f32 v46, v13  }
0x11b: {  	v48 =	vmul.f32 v48, v13;
	v60 =	vadd.s32 $0x498, v28;
	v38 =	vadd.f32 v33, v38;
	v49 =	vld.idx.msk [tilespmem:v53+s3+$0x0], $0xffff  }
0x11c: {  	v53 =	vadd.s32 $0x49E, v27;
	v36 =	vadd.f32 v42, v36;
	v42 =	vld.idx.msk [tilespmem:v61+s3+$0x0], $0xffff  }
0x11d: {  	v33 =	vmul.f32 v51, v12;
	v38 =	vadd.f32 v48, v38;
	v52 =	vld.idx.msk [tilespmem:v63+s3+$0x0], $0xffff;
	v63 =	vadd.s32 $0x499, v28  }
0x11e: {  	v1 =	vmul.f32 v1, v12;
	v61 =	vadd.s32 $0x68C, v32;
	v4 =	vld.idx.msk [tilespmem:v4+s3+$0x0], $0xffff  }
0x11f: {  	v39 =	vmul.f32 v39, v11;
	v45 =	vld.idx.msk [tilespmem:v57+s3+$0x0], $0xffff;
	v57 =	vadd.s32 $0x49A, v28;
	v38 =	vadd.f32 v33, v38  }
0x120: {  	v1 =	vadd.f32 v1, v36;
	v33 =	vmul.f32 v37, v11;
	v56 =	vld.idx.msk [tilespmem:v60+s3+$0x0], $0xffff;
	v60 =	vadd.s32 $0x49A, v27  }
0x121: {  	v37 =	vld.idx.msk [tilespmem:v53+s3+$0x0], $0xffff;
	v53 =	vadd.s32 $0x4A0, v28;
	v38 =	vadd.f32 v39, v38;
	v39 =	vmul.f32 v55, v14  }
0x122: {  	v1 =	vadd.f32 v33, v1;
	v33 =	vmul.f32 v40, v14;
	v62 =	vld.idx.msk [tilespmem:v63+s3+$0x0], $0xffff;
	v63 =	vadd.s32 $0x49B, v27  }
0x123: {  	v38 =	vadd.f32 v39, v38;
	v39 =	vmul.f32 v43, v15;
	v43 =	vld.idx.msk [tilespmem:v61+s3+$0x0], $0xffff;
	v61 =	vadd.s32 $0x4A1, v27  }
0x124: {  	v34 =	vmul.f32 v34, v30;
	v54 =	vld.idx.msk [tilespmem:v57+s3+$0x0], $0xffff;
	v57 =	vadd.s32 $0x49C, v27  }
0x125: {  	v35 =	vmul.f32 v35, v29;
	v1 =	vadd.f32 v33, v1;
	v59 =	vld.idx.msk [tilespmem:v60+s3+$0x0], $0xffff;
	v60 =	vadd.s32 $0x49D, v28  }
0x126: {  	v38 =	vadd.f32 v39, v38;
	v56 =	vmul.f32 v56, v18;
	v39 =	vld.idx.msk [tilespmem:v53+s3+$0x0], $0xffff;
	v53 =	vadd.s32 $0x4A2, v27  }
0x127: {  	v33 =	vmovc v5;
	v5 =	vmovc v9;
	v9 =	vmov v6;
	v6 =	vmov v3;
	v3 =	vadd.s32 $0x4A4, v28;
	v58 =	vld.idx.msk [tilespmem:v63+s3+$0x0], $0xffff  }
0x128: {  	v44 =	vmul.f32 v44, v18;
	v50 =	vmul.f32 v50, v13;
	v63 =	vadd.s32 $0x49E, v28;
	v61 =	vld.idx.msk [tilespmem:v61+s3+$0x0], $0xffff  }
0x129: {  	v41 =	vadd.f32 v56, v41;
	v56 =	vmul.f32 v62, v17;
	v46 =	vld.idx.msk [tilespmem:v57+s3+$0x0], $0xffff;
	v57 =	vadd.s32 $0x49F, v28  }
0x12a: {  	v44 =	vadd.f32 v44, v45;
	v45 =	vmul.f32 v47, v17;
	v51 =	vld.idx.msk [tilespmem:v60+s3+$0x0], $0xffff;
	v60 =	vadd.s32 $0x49F, v27  }
0x12b: {  	v54 =	vmul.f32 v54, v16;
	v41 =	vadd.f32 v56, v41;
	v47 =	vld.idx.msk [tilespmem:v53+s3+$0x0], $0xffff;
	v53 =	vadd.s32 $0x4A5, v28  }
0x12c: {  	v44 =	vadd.f32 v45, v44;
	v45 =	vmul.f32 v59, v16;
	v59 =	vadd.s32 $0x4A6, v28;
	v3 =	vld.idx.msk [tilespmem:v3+s3+$0x0], $0xffff  }
0x12d: {  	v49 =	vmul.f32 v49, v12;
	v41 =	vadd.f32 v54, v41;
	v54 =	vadd.s32 $0x4A6, v27;
	v48 =	vld.idx.msk [tilespmem:v63+s3+$0x0], $0xffff  }
0x12e: {  	v44 =	vadd.f32 v45, v44;
	v63 =	vadd.s32 $0x68C, v31;
	v45 =	vmul.f32 v58, v13;
	v55 =	vld.idx.msk [tilespmem:v57+s3+$0x0], $0xffff  }
0x12f: {  	v36 =	vmul.f32 v52, v15;
	v57 =	vadd.s32 $0x4A0, v27;
	v41 =	vadd.f32 v50, v41;
	v40 =	vld.idx.msk [tilespmem:v60+s3+$0x0], $0xffff  }
0x130: {  	v60 =	vadd.s32 $0x4A1, v28;
	v44 =	vadd.f32 v45, v44;
	v45 =	vmul.f32 v46, v12;
	v50 =	vld.idx.msk [tilespmem:v53+s3+$0x0], $0xffff  }
0x131: {  	v53 =	vadd.s32 $0x4A7, v27;
	v41 =	vadd.f32 v49, v41;
	v49 =	vmul.f32 v51, v11;
	v51 =	vld.idx.msk [tilespmem:v59+s3+$0x0], $0xffff  }
0x132: {  	v42 =	vmul.f32 v42, v11;
	v59 =	vadd.s32 $0x68D, v31;
	v44 =	vadd.f32 v45, v44;
	v45 =	vld.idx.msk [tilespmem:v54+s3+$0x0], $0xffff  }
0x133: {  	v1 =	vadd.f32 v36, v1;
	v38 =	vmul.f32 v38, v30;
	v54 =	vadd.s32 $0x4A8, v28;
	v52 =	vld.idx.msk [tilespmem:v63+s3+$0x0], $0xffff  }
0x134: {  	v63 =	vadd.s32 $0x4A2, v28;
	v41 =	vadd.f32 v49, v41;
	v48 =	vmul.f32 v48, v14;
	v36 =	vld.idx.msk [tilespmem:v57+s3+$0x0], $0xffff  }
0x135: {  	v57 =	vadd.s32 $0x4A3, v28;
	v42 =	vadd.f32 v42, v44;
	v44 =	vmul.f32 v37, v14;
	v60 =	vld.idx.msk [tilespmem:v60+s3+$0x0], $0xffff  }
0x136: {  	v41 =	vadd.f32 v48, v41;
	v48 =	vmul.f32 v55, v15;
	v37 =	vld.idx.msk [tilespmem:v53+s3+$0x0], $0xffff;
	v53 =	vadd.s32 $0x4A9, v28  }
0x137: {  	v1 =	vmul.f32 v1, v29;
	v42 =	vadd.f32 v44, v42;
	v44 =	vld.idx.msk [tilespmem:v59+s3+$0x0], $0xffff;
	v59 =	vadd.s32 $0x4AA, v28  }
0x138: {  	v40 =	vmul.f32 v40, v15;
	v41 =	vadd.f32 v48, v41;
	v48 =	vld.idx.msk [tilespmem:v54+s3+$0x0], $0xffff;
	v54 =	vadd.s32 $0x4AA, v27  }
0x139: {  	v34 =	vadd.f32 v35, v34;
	v35 =	vadd.f32 v1, v38;
	v62 =	vld.idx.msk [tilespmem:v63+s3+$0x0], $0xffff;
	v63 =	vadd.s32 $0x4A4, v27  }
0x13a: {  	v39 =	vmul.f32 v39, v18;
	v1 =	vadd.f32 v40, v42;
	v40 =	vadd.s32 $0x4AB, v28;
	v56 =	vld.idx.msk [tilespmem:v57+s3+$0x0], $0xffff  }
0x13b: {  	v57 =	vadd.s32 $0x4A5, v27;
	v36 =	vmul.f32 v36, v18;
	v42 =	vld.idx.msk [tilespmem:v53+s3+$0x0], $0xffff  }
0x13c: {  	v39 =	vadd.f32 v39, v43;
	v43 =	vmul.f32 v60, v17;
	v60 =	vadd.s32 $0x4AC, v27;
	v59 =	vld.idx.msk [tilespmem:v59+s3+$0x0], $0xffff  }
0x13d: {  	v53 =	vadd.s32 $0x4AB, v27;
	v36 =	vadd.f32 v36, v52;
	v52 =	vmul.f32 v61, v17;
	v54 =	vld.idx.msk [tilespmem:v54+s3+$0x0], $0xffff  }
0x13e: {  	v58 =	vld.idx.msk [tilespmem:v63+s3+$0x0], $0xffff;
	v63 =	vadd.s32 $0x4A7, v28  }
0x13f: {  	v47 =	vmul.f32 v47, v16;
	v61 =	vadd.s32 $0x4AD, v28;
	v40 =	vld.idx.msk [tilespmem:v40+s3+$0x0], $0xffff;
	v36 =	vadd.f32 v52, v36  }
0x140: {  	v39 =	vadd.f32 v43, v39;
	v43 =	vmul.f32 v62, v16;
	v46 =	vld.idx.msk [tilespmem:v57+s3+$0x0], $0xffff;
	v57 =	vadd.s32 $0x68D, v32  }
0x141: {  	v62 =	vadd.s32 $0x4AD, v27;
	v36 =	vadd.f32 v47, v36;
	v47 =	vld.idx.msk [tilespmem:v60+s3+$0x0], $0xffff  }
0x142: {  	v39 =	vadd.f32 v43, v39;
	v43 =	vmul.f32 v56, v13;
	v52 =	vld.idx.msk [tilespmem:v53+s3+$0x0], $0xffff;
	v53 =	vadd.s32 $0x4AE, v28  }
0x143: {  	v2 =	vmul.f32 v2, v13;
	v49 =	vld.idx.msk [tilespmem:v63+s3+$0x0], $0xffff;
	v63 =	vadd.s32 $0x4A8, v27  }
0x144: {  	v3 =	vmul.f32 v3, v12;
	v60 =	vadd.s32 $0x4AF, v28;
	v39 =	vadd.f32 v43, v39;
	v43 =	vld.idx.msk [tilespmem:v61+s3+$0x0], $0xffff  }
0x145: {  	v41 =	vmul.f32 v41, v30;
	v1 =	vmul.f32 v1, v29;
	v55 =	vld.idx.msk [tilespmem:v57+s3+$0x0], $0xffff;
	v57 =	vadd.s32 $0x4A9, v27  }
0x146: {  	v61 =	vadd.s32 $0x4AF, v27;
	v2 =	vadd.f32 v2, v36;
	v36 =	vmul.f32 v58, v12;
	v58 =	vld.idx.msk [tilespmem:v62+s3+$0x0], $0xffff  }
0x147: {  	v62 =	vadd.s32 $0x68E, v32;
	v3 =	vadd.f32 v3, v39;
	v39 =	vmul.f32 v50, v11;
	v50 =	vld.idx.msk [tilespmem:v53+s3+$0x0], $0xffff  }
0x148: {  	v2 =	vadd.f32 v36, v2;
	v36 =	vmul.f32 v46, v11;
	v38 =	vld.idx.msk [tilespmem:v63+s3+$0x0], $0xffff;
	v63 =	vadd.s32 $0x4AC, v28  }
0x149: {  	v3 =	vadd.f32 v39, v3;
	v39 =	vmul.f32 v51, v14;
	v51 =	vld.idx.msk [tilespmem:v60+s3+$0x0], $0xffff;
	v60 =	vadd.s32 $0x4B0, v27  }
0x14a: {  	v32 =	vadd.s32 $0x68F, v32;
	v57 =	vld.idx.msk [tilespmem:v57+s3+$0x0], $0xffff  }
0x14b: {  	v53 =	vadd.s32 $0x68E, v31;
	v2 =	vadd.f32 v36, v2;
	v61 =	vld.idx.msk [tilespmem:v61+s3+$0x0], $0xffff;
	v36 =	vadd.f32 v1, v41  }
0x14c: {  	v41 =	vmul.f32 v48, v18;
	v1 =	vadd.f32 v39, v3;
	v3 =	vld.idx.msk [tilespmem:v62+s3+$0x0], $0xffff;
	v62 =	vadd.s32 $0x4B2, v27  }
0x14d: {  	v45 =	vmul.f32 v45, v14;
	v56 =	vld.idx.msk [tilespmem:v63+s3+$0x0], $0xffff;
	v63 =	vadd.s32 $0x4AE, v27;
	v38 =	vmul.f32 v38, v18  }
0x14e: {  	v42 =	vmul.f32 v42, v17;
	v31 =	vadd.s32 $0x68F, v31;
	v41 =	vadd.f32 v41, v55;
	v55 =	vld.idx.msk [tilespmem:v60+s3+$0x0], $0xffff  }
0x14f: {  	v48 =	vadd.s32 $0x4B2, v28;
	v32 =	vld.idx.msk [tilespmem:v32+s3+$0x0], $0xffff;
	v38 =	vadd.f32 v38, v44;
	v44 =	vmul.f32 v57, v17  }
0x150: {  	v39 =	vadd.s32 $0x4B1, v27;
	v2 =	vadd.f32 v45, v2;
	v45 =	vld.idx.msk [tilespmem:v53+s3+$0x0], $0xffff;
	v60 =	vadd.s32 $0x4B3, v28  }
0x151: {  	v41 =	vadd.f32 v42, v41;
	v42 =	vld.idx.msk [tilespmem:v62+s3+$0x0], $0xffff;
	v38 =	vadd.f32 v44, v38;
	v44 =	vmul.f32 v54, v16  }
0x152: {  	v62 =	vadd.s32 $0x4B5, v28;
	v46 =	vld.idx.msk [tilespmem:v63+s3+$0x0], $0xffff;
	v63 =	vadd.s32 $0x4B0, v28  }
0x153: {  	v31 =	vld.idx.msk [tilespmem:v31+s3+$0x0], $0xffff;
	v55 =	vmul.f32 v55, v18;
	v38 =	vadd.f32 v44, v38;
	v44 =	vmul.f32 v52, v13  }
0x154: {  	v47 =	vmul.f32 v47, v12;
	v49 =	vmul.f32 v49, v15;
	v48 =	vld.idx.msk [tilespmem:v48+s3+$0x0], $0xffff  }
0x155: {  	v39 =	vld.idx.msk [tilespmem:v39+s3+$0x0], $0xffff;
	v45 =	vadd.f32 v55, v45;
	v55 =	vadd.s32 $0x4BB, v28;
	v44 =	vadd.f32 v44, v38  }
0x156: {  	v57 =	vadd.s32 $0x4B3, v27;
	v52 =	vld.idx.msk [tilespmem:v60+s3+$0x0], $0xffff;
	v38 =	vadd.f32 v49, v1  }
0x157: {  	v53 =	vld.idx.msk [tilespmem:v63+s3+$0x0], $0xffff;
	v63 =	vmul.f32 v59, v16;
	v1 =	vadd.f32 v47, v44;
	v47 =	vadd.s32 $0x4B7, v27  }
0x158: {  	v4 =	vmul.f32 v4, v17;
	v37 =	vmul.f32 v37, v15;
	v60 =	vadd.s32 $0x4B5, v27;
	v44 =	vld.idx.msk [tilespmem:v62+s3+$0x0], $0xffff  }
0x159: {  	v40 =	vmul.f32 v40, v13;
	v54 =	vadd.s32 $0x4B4, v27;
	v62 =	vld [tilespmem:$0x1FFC0];
	v41 =	vadd.f32 v63, v41  }
0x15a: {  	v50 =	vmul.f32 v50, v14;
	v2 =	vadd.f32 v37, v2;
	v59 =	vadd.s32 $0x4B4, v28;
	v55 =	vld.idx.msk [tilespmem:v55+s3+$0x0], $0xffff  }
0x15b: {  	v39 =	vmul.f32 v39, v17;
	v40 =	vadd.f32 v40, v41;
	v41 =	vmul.f32 v56, v12;
	v56 =	vld.idx.msk [tilespmem:v57+s3+$0x0], $0xffff  }
0x15c: {  	v42 =	vmul.f32 v42, v16;
	v57 =	vadd.s32 $0x4B6, v28;
	v37 =	vld.idx.msk [tilespmem:v47+s3+$0x0], $0xffff;
	v47 =	vmul.f32 v53, v18  }
0x15d: {  	v49 =	vld.idx.msk [tilespmem:v60+s3+$0x0], $0xffff;
	v63 =	vadd.s32 $0x4B6, v27;
	v40 =	vadd.f32 v41, v40;
	v41 =	vmul.f32 v43, v11  }
0x15e: {  	v39 =	vadd.f32 v39, v45;
	v43 =	vld.idx.msk [tilespmem:v54+s3+$0x0], $0xffff;
	v54 =	vadd.s32 $0x4B7, v28;
	v3 =	vadd.f32 v47, v3  }
0x15f: {  	v60 =	vmul.f32 v51, v15;
	v59 =	vld.idx.msk [tilespmem:v59+s3+$0x0], $0xffff;
	v40 =	vadd.f32 v41, v40;
	v41 =	vmul.f32 v58, v11  }
0x160: {  	v53 =	vmul.f32 v61, v15;
	v61 =	vld [tilespmem:$0x1FFB0];
	v58 =	vadd.s32 $0x4B8, v28;
	v3 =	vadd.f32 v4, v3  }
0x161: {  	v57 =	vld.idx.msk [tilespmem:v57+s3+$0x0], $0xffff;
	v4 =	vmul.f32 v48, v16;
	v48 =	vadd.s32 $0x4BB, v27;
	v1 =	vadd.f32 v41, v1  }
0x162: {  	v41 =	vmul.f32 v46, v14;
	v46 =	vld.idx.msk [tilespmem:v63+s3+$0x0], $0xffff;
	v40 =	vadd.f32 v50, v40;
	v50 =	vadd.s32 $0x4B9, v27  }
0x163: {  	v39 =	vadd.f32 v42, v39;
	v51 =	vld.idx.msk [tilespmem:v54+s3+$0x0], $0xffff;
	v54 =	vadd.s32 $0x4B8, v27  }
0x164: {  	v42 =	vmul.f32 v56, v13;
	v63 =	vld [tilespmem:$0x1FFD0];
	v40 =	vadd.f32 v60, v40;
	v60 =	vadd.s32 $0x4BA, v28  }
0x165: {  	v1 =	vadd.f32 v41, v1;
	v41 =	vadd.s32 $0x4B9, v28;
	v47 =	vld.idx.msk [tilespmem:v58+s3+$0x0], $0xffff  }
0x166: {  	v39 =	vadd.f32 v42, v39;
	v58 =	vadd.s32 $0x4BA, v27;
	v42 =	vld.idx.msk [tilespmem:v48+s3+$0x0], $0xffff  }
0x167: {  	v45 =	vld.idx.msk [tilespmem:v50+s3+$0x0], $0xffff;
	v50 =	vadd.s32 $0x4BC, v28  }
0x168: {  	v3 =	vadd.f32 v4, v3;
	v4 =	vmul.f32 v52, v13;
	v54 =	vld.idx.msk [tilespmem:v54+s3+$0x0], $0xffff  }
0x169: {  	v52 =	vld.idx.msk [tilespmem:v60+s3+$0x0], $0xffff;
	v60 =	vadd.s32 $0x4BC, v27  }
0x16a: {  	v3 =	vadd.f32 v4, v3;
	v4 =	vmul.f32 v59, v12;
	v41 =	vld.idx.msk [tilespmem:v41+s3+$0x0], $0xffff  }
0x16b: {  	v56 =	vld.idx.msk [tilespmem:v58+s3+$0x0], $0xffff  }
0x16c: {  	v3 =	vadd.f32 v4, v3;
	v58 =	vadd.s32 $0x4BD, v28;
	v4 =	vmul.f32 v47, v18;
	v47 =	vld.idx.msk [tilespmem:v50+s3+$0x0], $0xffff  }
0x16d: {  	v18 =	vmul.f32 v54, v18;
	v54 =	vld [tilespmem:$0x1FF40]  }
0x16e: {  	v43 =	vmul.f32 v43, v12;
	v59 =	vadd.s32 $0x4BD, v27;
	v1 =	vadd.f32 v53, v1;
	v53 =	vld.idx.msk [tilespmem:v60+s3+$0x0], $0xffff  }
0x16f: {  	v60 =	vld [tilespmem:$0x1FFA0]  }
0x170: {  	v39 =	vadd.f32 v43, v39;
	v48 =	vadd.s32 $0x4BE, v28;
	v43 =	vmul.f32 v52, v16;
	v52 =	vld [tilespmem:$0x1FF20]  }
0x171: {  	v28 =	vadd.s32 $0x4BF, v28;
	v4 =	vadd.f32 v4, v32;
	v32 =	vmul.f32 v41, v17;
	v41 =	vld.idx.msk [tilespmem:v58+s3+$0x0], $0xffff  }
0x172: {  	v58 =	vld [tilespmem:$0x1FF80]  }
0x173: {  	v18 =	vadd.f32 v18, v31;
	v31 =	vld.idx.msk [tilespmem:v59+s3+$0x0], $0xffff  }
0x174: {  	v59 =	vld [tilespmem:$0x1FF90]  }
0x175: {  	v50 =	vadd.s32 $0x4BE, v27;
	v16 =	vmul.f32 v56, v16;
	v56 =	vld [tilespmem:$0x1FF60]  }
0x176: {  	v28 =	vld.idx.msk [tilespmem:v28+s3+$0x0], $0xffff  }
0x177: {  	v17 =	vmul.f32 v45, v17;
	v4 =	vadd.f32 v32, v4;
	v32 =	vmul.f32 v44, v11;
	v44 =	vld.idx.msk [tilespmem:v48+s3+$0x0], $0xffff  }
0x178: {  	v48 =	vld [tilespmem:$0x1FEE0]  }
0x179: {  	v17 =	vadd.f32 v17, v18;
	v18 =	vmul.f32 v49, v11;
	v49 =	vld [tilespmem:$0x1FEF0]  }
0x17a: {  	v45 =	vld.idx.msk [tilespmem:v50+s3+$0x0], $0xffff  }
0x17b: {  	v27 =	vadd.s32 $0x4BF, v27;
	v50 =	vld [tilespmem:$0x1FF00]  }
0x17c: {  	v4 =	vadd.f32 v43, v4;
	v43 =	vld [tilespmem:$0x1FE90]  }
0x17d: {  	v3 =	vadd.f32 v32, v3;
	v32 =	vmul.f32 v55, v13;
	v55 =	vld [tilespmem:$0x1FF50]  }
0x17e: {  	v13 =	vmul.f32 v42, v13;
	v42 =	vld [tilespmem:$0x1FE80]  }
0x17f: {  	v18 =	vadd.f32 v18, v39;
	v39 =	vld [tilespmem:$0x1FE50]  }
0x180: {  	v16 =	vadd.f32 v16, v17;
	v17 =	vld.idx.msk [tilespmem:v27+s3+$0x0], $0xffff  }
0x181: {  	[tilespmem:s19+$0x10700] =	vst v19;
	v19 =	vmul.f32 v57, v14;
	v57 =	vld [tilespmem:$0x1FF70]  }
0x182: {  	v27 =	vmul.f32 v47, v12;
	v47 =	vld [tilespmem:$0x1FED0]  }
0x183: {  	v12 =	vmul.f32 v53, v12;
	v53 =	vld [tilespmem:$0x1FF30];
	[tilespmem:s19+$0x10780] =	vst v20  }
0x184: {  	[tilespmem:s19+$0x10980] =	vst v23;
	v23 =	vmul.f32 v37, v15;
	v37 =	vld [tilespmem:$0x1FE30]  }
0x185: {  	v2 =	vmul.f32 v2, v29;
	[tilespmem:s19+$0x10A00] =	vst v26;
	v26 =	vld [tilespmem:$0x1FFE0];
	v4 =	vadd.f32 v32, v4;
	v13 =	vadd.f32 v13, v16  }
0x186: {  	v1 =	vmul.f32 v1, v29;
	[tilespmem:s19+$0x10800] =	vst v22;
	v20 =	vld [tilespmem:$0x1FBF0];
	v22 =	vmul.f32 v41, v11  }
0x187: {  	v32 =	vld [tilespmem:$0x1FDE0];
	v11 =	vmul.f32 v31, v11;
	v4 =	vadd.f32 v27, v4;
	v12 =	vadd.f32 v12, v13  }
0x188: {  	[tilespmem:s19+$0x10880] =	vst v21;
	v41 =	vld [tilespmem:$0x1FE70];
	v16 =	vmul.f32 v46, v14;
	v3 =	vadd.f32 v19, v3;
	v21 =	vmul.f32 v44, v14  }
0x189: {  	v31 =	vld [tilespmem:$0x1FDD0];
	v4 =	vadd.f32 v22, v4;
	v22 =	vmul.f32 v45, v14;
	v11 =	vadd.f32 v11, v12  }
0x18a: {  	[tilespmem:s19+$0x10900] =	vst v24;
	v46 =	vld [tilespmem:$0x1FEC0];
	v16 =	vadd.f32 v16, v18;
	v13 =	vmul.f32 v51, v15;
	v18 =	vmul.f32 v28, v15  }
0x18b: {  	[tilespmem:s20+$0x10700] =	vst v25;
	v44 =	vld [tilespmem:$0x1FEA0];
	v19 =	vmul.f32 v17, v15;
	v4 =	vadd.f32 v21, v4;
	v11 =	vadd.f32 v22, v11  }
0x18c: {  	[tilespmem:s19+$0x8780] =	vst v34;
	v34 =	vld [tilespmem:$0x1FE00];
	v3 =	vadd.f32 v13, v3;
	v14 =	vadd.f32 v23, v16;
	v21 =	vmul.f32 v38, v30  }
0x18d: {  	[tilespmem:s19+$0x8800] =	vst v35;
	v35 =	vld [tilespmem:$0x1FE10];
	v22 =	vmul.f32 v40, v30;
	v4 =	vadd.f32 v18, v4;
	v11 =	vadd.f32 v19, v11  }
0x18e: {  	[tilespmem:s19+$0x8880] =	vst v36;
	v36 =	vld [tilespmem:$0x1FE20];
	v3 =	vmul.f32 v3, v30;
	v23 =	vmul.f32 v14, v29  }
0x18f: {  	v51 =	vld [tilespmem:$0x1FF10];
	v2 =	vadd.f32 v2, v21;
	v4 =	vmul.f32 v4, v30;
	v11 =	vmul.f32 v11, v29  }
0x190: {  	p0 =	sne.s32 s18, $0xFF0;
	v45 =	vld [tilespmem:$0x1FEB0];
	v3 =	vadd.f32 v23, v3  }
.Ltmp0:
0x191: {  	v38 =	vld [tilespmem:$0x1FE40];
	v1 =	vadd.f32 v1, v22;
	[tilespmem:s19+$0x8900] =	vst v2;
	v2 =	vadd.f32 v11, v4;
	(pc) =	sbr.rel @p0 .LBB2_3-.Ltmp0, $4  }
0x192: {  	[tilespmem:s19+$0x8700] =	vst v20;
	v40 =	vld [tilespmem:$0x1FE60]  }
0x193: {  	v29 =	vld [tilespmem:$0x1FFF0];
	[tilespmem:s19+$0x8980] =	vst v1  }
0x194: {  	v1 =	vimm.s32 $0x7;
	[tilespmem:s19+$0x8A00] =	vst v3;
	v3 =	vmovc v6;
	v6 =	vmovc v9;
	v9 =	vmov v5;
	v5 =	vmov v33;
	v33 =	vld [tilespmem:$0x1FDF0]  }
0x195: {  	s16 =	sadd.s32 $0x1, s16;
	s18 =	sadd.s32 $0x10, s18;
	s17 =	sadd.s32 $0x80, s17;
	v4 =	vmovc v7;
	v7 =	vmovc v10;
	v10 =	vmov v0;
	v0 =	vimm.s32 $0x0;
	[tilespmem:s20+$0x8700] =	vst v2;
	v2 =	vmov v8;
	v8 =	vld [tilespmem:$0x1FDB0]  }
0x196: {  	s16 =	sadd.s32 s5, s15  }
0x197: {  	[hbm4b:s16+s3] =	stream.linear.scatter [tilespmem:s11], [sflag:$0x1], $0x8000, $0x38;
	[tilespmem:$0x18700] =	vst v63  }
0x198: {  	s14 =	sadd.s32 $0x1, s14;
	_ =	swait.ge [sflag:s9], $0x8000  }
0x199: {  	p0 =	sne.s32 s14, $0x8;
	[sflag:s9] =	ssyncset.done $0x0  }
.Ltmp1:
0x19a: {  	s31 =	sadd.s32 s6, s15;
	[sflag:s9] =	ssyncadd.s32 $0xFFFF8000;
	(pc) =	sbr.rel @p0 .LBB2_2-.Ltmp1, $4  }
0x19b: {  	[hbm4b:s31+s3] =	stream.linear.scatter [tilespmem:s12], [sflag:$0x1], $0x8000, $0x38;
	[tilespmem:$0x18700] =	vst v63  }
0x19c: {  	_ =	swait.ge [sflag:s9], $0x8000  }
0x19d: {  	[sflag:s9] =	ssyncset.done $0x0  }
0x19e: {  	[sflag:s9] =	ssyncadd.s32 $0xFFFF8000  }
0x19f: {  	s13 =	sadd.s32 $0x1, s13  }
0x1a0: {  	p0 =	sne.s32 s13, s8  }
.Ltmp2:
0x1a1: {  	_ = 	snop;
	(pc) =	sbr.rel @p0 .LBB2_1-.Ltmp2, $1  }
0x1a2: {  	_ =	sdelay $0x3  }
0x1a3: {  	_ =	sfence.sel $0x180000  }
0x1a4: {  	[bflag:$0x0] =	sbarrier.arrive $0xFFFF  }
0x1a5: {  	p0 =	sne.s32 s4, $0x0;
	_ =	strace $0x90000047  }
0x1a6: {  	s0 =	sadd.s32 @!p0 $0x100000, s0;
	[bflag:$0x2] =	sbarrier.arrive $0xFFFF  }
0x1a7: {  	[sflag:s0] =	ssyncadd.tile.s32 @!p0 $0x1;
	_ =	shalt  }
.Lfunc_end2:
_tile_overlayer_lowered:
.L_overlay_start_2:
0x1a8: {  	(tag) =	ssettag $0x2  }
0x1a9: {  	s0 =	rddreg [dreg:$0x0];
	s2 =	stileid.u32  }
0x1aa: {  	s1 =	rddreg [dreg:$0x1];
	p0 =	sne.s32 s2, $0x0  }
0x1ab: {  	s3 =	rddreg [dreg:$0x2];
	[bflag:$0x3] =	sbarrier.arrive $0xFFFF;
	s2 =	simm.s32 @!p0 $0x1C01  }
0x1ac: {  	[timem:s3], [sflag:s2] =	dma.local @!p0 [hbm:s0], s1  }
0x1ad: {  	s0 =	simm.s32 @!p0 $0x1  }
0x1ae: {  	_ =	swait.ge @!p0 [sflag:s0], s1  }
0x1af: {  	s1 =	ssub.s32 @!p0 $0x0, s1;
	[sflag:s0] =	ssyncset.done @!p0 $0x0  }
0x1b0: {  	[sflag:s0] =	ssyncadd.s32 @!p0 s1  }
0x1b1: {  	[bflag:$0x3] =	sbarrier.arrive $0xFFFF  }
0x1b2: {  	_ =	shalt  }

// kernel: sparse-core-data-format-call.1.cloned.1.call-start
scs
called_computation.1_lowered:
.L_overlay_start_0:
0x0: {  	s2 =	sld [smem:$0x3FD9]  }
0x1: {  	s3 =	sld [smem:$0x3FFE];
	_ =	sdelay $0x1  }
0x2: {  	s1 =	srdreg.scid  }
0x3: {  	s0 =	sand.u32 $0x1, s1  }
0x4: {  	s16 =	sshll.u32 s0, $0xA;
	s2 =	sadd.s32 s3, s2  }
0x5: {  	s2 =	sadd.s32 s2, s16  }
0x6: {  	[smem:$0x3FC3] =	sst s2  }
0x7: {  	_ = 	snop  }
0x8: {  	s2 =	sld [smem:$0x3FD0];
	_ =	sdelay $0x2  }
0x9: {  	s17 =	simm.s32 $0xB;
	s4 =	simm.s32 $0x10  }
0xa: {  	[smem:s4], [sflag:s17] =	dma.local [hbm:s2], $0x1  }
0xb: {  	_ =	swait.eq [sflag:s17], $0x1  }
0xc: {  	[sflag:s17] =	ssyncset.done $0x0  }
0xd: {  	[sflag:s17] =	ssyncadd.s32 $0xFFFFFFFF  }
0xe: {  	s18 =	sld [smem:$0x10];
	(tm) =	ssettm $0x1  }
0xf: {  	s19 =	sld [smem:$0x3FFB];
	_ =	sdelay $0x3  }
0x10: {  	_ =	strace s19  }
0x11: {  	s2 =	sld [smem:$0x3FFC];
	_ =	sdelay $0x3  }
0x12: {  	_ =	strace s2  }
0x13: {  	s2 =	sld [smem:$0x3FFD];
	_ =	sdelay $0x3  }
0x14: {  	_ =	strace s2  }
0x15: {  	_ =	strace $0x8FFFFFFF  }
0x16: {  	s20 =	sld [smem:$0x3FDB];
	_ =	sdelay $0x1  }
0x17: {  	s21 =	simm.s32 $_scs_section_size  }
0x18: {  	s5 =	simm.s32 $_size__tile_overlayer_lowered;
	s6 =	simm.s32 $_tile_overlayer_lowered  }
0x19: {  	s7 =	simm.s32 $0x1BFF;
	s22 =	sshll.u32 s6, $0x1;
	s4 =	sadd.s32 s21, s20  }
0x1a: {  	s23 =	simm.s32 $0x0;
	s5 =	sshll.u32 s5, $0x1;
	s6 =	sadd.s32 s22, s4  }
0x1b: {  	[timem:s23], [sflag:s7] =	dma.local [hbm:s6], s5  }
0x1c: {  	_ =	swait.ge [sflag:s7], s5  }
0x1d: {  	s5 =	ssub.s32 $0x0, s5;
	[sflag:s7] =	ssyncset.done $0x0  }
0x1e: {  	[sflag:s7] =	ssyncadd.s32 s5;
	_ =	sdelay $0x1  }
0x1f: {  	s24 =	simm.s32 $0x1B8B  }
0x20: {  	_ =	swait.ge [sflag:s24], $0x1  }
0x21: {  	[sflag:s24] =	ssyncset.done $0x0  }
0x22: {  	[sflag:s24] =	ssyncadd.s32 $0xFFFFFFFF  }
0x23: {  	s5 =	sld [smem:$0x0]  }
0x24: {  	s6 =	sand.u32 $0xFFFFFFFE, s1  }
0x25: {  	p0 =	sne.s32 s1, s6  }
0x26: {  	s6 =	sshll.u32 @p0 s6, $0xE  }
0x27: {  	s6 =	sadd.s32 @p0 $0x11B8D, s6;
	s7 =	sshll.u32 @p0 s5, $0x11  }
0x28: {  	s6 =	sor.u32 @p0 s7, s6  }
0x29: {  	[sflag:s6] =	ssyncadd.remote.s32 @p0 $0x1;
	_ =	sdelay $0x1  }
0x2a: {  	s6 =	simm.s32 @p0 $0x1B8D  }
0x2b: {  	_ =	swait.eq @p0 [sflag:s6], $0x1  }
0x2c: {  	[sflag:s6] =	ssyncadd.s32 @p0 $0xFFFFFFFF  }
0x2d: {  	s7 =	sshll.u32 @!p0 s1, $0xE  }
0x2e: {  	s7 =	sor.u32 @!p0 $0x4000, s7;
	s6 =	simm.s32 @!p0 $0x1B8D  }
0x2f: {  	s5 =	sshll.u32 @!p0 s5, $0x11;
	s7 =	sadd.s32 @!p0 $0x11B8D, s7;
	_ =	swait.eq @!p0 [sflag:s6], $0x1  }
0x30: {  	s5 =	sor.u32 @!p0 s5, s7;
	[sflag:s6] =	ssyncadd.s32 @!p0 $0xFFFFFFFF  }
0x31: {  	s26 =	simm.s32 $0x1B8E;
	s25 =	sld [smem:$0x3FFE];
	[sflag:s5] =	ssyncadd.remote.s32 @!p0 $0x1  }
0x32: {  	s27 =	simm.s32 $execute0_lowered;
	[smem:$0x3FD2] =	sst s26  }
0x33: {  	s6 =	sshll.u32 s27, $0x1;
	_ =	strace $0x8000004C;
	[dreg:$0x1] =	wrdreg $0xFFFFFFFF  }
0x34: {  	s28 =	simm.s32 $_size_execute0_lowered;
	s4 =	sadd.s32 s4, s6;
	[dreg:$0x0] =	wrdreg $0x0  }
0x35: {  	s6 =	sshll.u32 s28, $0x1;
	[dreg:$0x2] =	wrdreg s4  }
0x36: {  	[dreg:$0x3] =	wrdreg s6  }
0x37: {  	[dreg:$0x4] =	wrdreg $0xC0  }
0x38: {  	_ =	task [dreg:s23], $0x5FFFF  }
0x39: {  	[dreg:$0x1] =	wrdreg $0xFFFFFFFF  }
0x3a: {  	[dreg:$0x0] =	wrdreg $0x60  }
0x3b: {  	[dreg:$0x2] =	wrdreg s25  }
0x3c: {  	[dreg:$0x3] =	wrdreg s18  }
0x3d: {  	[dreg:$0x4] =	wrdreg $0xA  }
0x3e: {  	_ =	task.clear_ibuf [dreg:s23], $0x5FFFF;
	_ =	strace $0x9000004C  }
0x3f: {  	s29 =	simm.s32 $0xA;
	_ =	strace $0x8000004E  }
0x40: {  	_ =	swait.ge [sflag:s29], $0x1  }
0x41: {  	[sflag:s29] =	ssyncadd.s32 $0xFFFFFFFF  }
0x42: {  	_ =	strace $0x9000004E  }
0x43: {  	_ =	sfence  }
0x44: {  	s30 =	sld [smem:$0x0];
	_ =	sdelay $0x2  }
0x45: {  	s31 =	sshll.u32 s1, $0xD;
	s1 =	sshrl.u32 s1, $0x2  }
0x46: {  	s4 =	sand.u32 $0x4000, s31;
	s1 =	sadd.s32 s1, s30  }
0x47: {  	s0 =	sor.u32 s4, s0;
	s1 =	sshll.u32 s1, $0x11  }
0x48: {  	s0 =	sor.u32 s1, s0  }
0x49: {  	s0 =	sadd.s32 $0x8F2B, s0  }
0x4a: {  	[sflag:s0] =	ssyncadd.remote.s32 $0x1  }
0x4b: {  	_ =	sfence.sel $0xFFFF  }
0x4c: {  	[dreg:$0x0] =	wrdreg $0xFFFFFFFF;
	(pc) =	sbr.abs _section_cstart, $3  }
0x4d: {  	[dreg:$0x1] =	wrdreg $0xFFFFFFFF  }
0x4e: {  	_ =	task.clear_ibuf [dreg:s23], $0x2FFFF;
	_ =	strace $0x9FFFFFFF  }
0x4f: {  	(tm) =	ssettm $0x7FFFFFFF  }
tec
execute0_lowered:
.L_overlay_start_1:
0x0: {  	(tag) =	ssettag $0x1  }
0x1: {  	s5 =	stileid.u32;
	s4 =	rddreg [dreg:$0x0]  }
0x2: {  	s0 =	srdreg.scid;
	s2 =	rddreg [dreg:$0x1]  }
0x3: {  	_ =	strace $0x8000004D;
	s6 =	simm.s32 $0x1;
	s7 =	simm.s32 $0x2  }
0x4: {  	s16 =	simm.s32 $0x0;
	s9 =	simm.s32 $0x40000;
	s10 =	simm.s32 $0x0  }
0x5: {  	s17 =	simm.s32 $0x0;
	s1 =	sshll.u32 s5, $0x1;
	s0 =	sshll.u32 s0, $0x5  }
0x6: {  	s19 =	simm.s32 $0x0;
	s18 =	simm.s32 $0x0;
	s0 =	sor.u32 s1, s0  }
0x7: {  	s11 =	simm.s32 $0x0;
	s12 =	simm.s32 $0x0;
	s3 =	sand.u32 $0x38, s0  }
0x8: {  	s15 =	simm.s32 $0x0;
	s25 =	simm.s32 $0x0;
	s0 =	ssub.s32 $0x200, s3  }
.Ltmp0:
0x9: {  	s4 =	sadd.s32 $0x101000, s4;
	s31 =	sand.u32 $0x38, s0;
	(pc) =	sbr.rel .LBB1_1-.Ltmp0, $4  }
0xa: {  	s5 =	sand.u32 $0x3, s5;
	s1 =	simm.s32 $0x1;
	p0 =	sne.s32 s31, $0x0  }
0xb: {  	[sflag:s6] =	ssyncpa.u1 $0x0;
	s0 =	sshrl.u32 s0, $0x6;
	s1 =	simm.s32 @!p0 $0x0  }
0xc: {  	[sflag:s7] =	ssyncpa.u1 $0x0;
	s14 =	smov.u32 s5;
	s0 =	sadd.s32 s1, s0  }
0xd: {  	s13 =	smov.u32 s3;
	s7 =	sshll.u32 s0, $0x1;
	s8 =	sshllo.u32 s0, $0x1  }
.LBB1_7:
0xe: {  	s0 =	sadd.s32 $0x100, s11  }
0xf: {  	s1 =	sadd.s32 $0x8, s12;
	s20 =	smov.u32 s12;
	p1 =	sgt.s32 s0, $0x1FF  }
0x10: {  	s20 =	smov.u32 @p1 s1  }
0x11: {  	s21 =	smov.u32 s13;
	s1 =	sadd.s32 $0x40, s13;
	p2 =	sgt.s32 s20, $0x7  }
0x12: {  	s21 =	smov.u32 @p2 s1  }
0x13: {  	s22 =	smov.u32 s14;
	s1 =	sadd.s32 $0x4, s14;
	p3 =	sgt.s32 s21, $0x1FF  }
0x14: {  	p0 =	slt.u32 s15, $0x2;
	s22 =	smov.u32 @p3 s1  }
0x15: {  	s16 =	smov.u32 s11;
	s0 =	simm.s32 @p1 $0x0;
	p1 =	sgt.s32 s22, $0x3  }
0x16: {  	s17 =	smov.u32 s12;
	s22 =	smov.u32 @p1 s5;
	p1 =	sne.s32 s15, s8  }
.Ltmp1:
0x17: {  	s19 =	smov.u32 s13;
	s18 =	smov.u32 s14;
	(pc) =	sbr.rel @!p1 .LBB1_8-.Ltmp1, $4  }
0x18: {  	s10 =	sadd.s32 $0x4000, s10;
	s11 =	smov.u32 s0;
	s1 =	simm.s32 @!p0 $0x2  }
0x19: {  	s20 =	simm.s32 @p2 $0x0;
	s21 =	smov.u32 @p3 s3;
	_ =	swait.ge @!p0 [sflag:s1], $0x4000  }
0x1a: {  	s12 =	smov.u32 s20;
	s13 =	smov.u32 s21;
	[sflag:s1] =	ssyncset.done @!p0 $0x0  }
0x1b: {  	s15 =	sadd.s32 $0x1, s15;
	[sflag:s1] =	ssyncadd.s32 @!p0 $0xFFFFC000;
	s14 =	smov.u32 s22  }
.LBB1_1:
0x1c: {  	p0 =	sge.u32 s15, s7  }
0x1d: {  	s31 =	sadd.s32 $0xFFFFFFFF, s15;
	s0 =	sxor.u32 @!p0 $0xFFFFFFFF, s15;
	s1 =	sshll.u32 @!p0 s11, $0x3  }
0x1e: {  	s20 =	sshll.u32 @!p0 s12, $0x7;
	s21 =	sand.u32 @!p0 $0x78, s11;
	s22 =	sshll.u32 @!p0 s14, $0x12  }
0x1f: {  	s23 =	sshll.u32 @!p0 s13, $0x9;
	s0 =	sshll.u32 @!p0 s0, $0xE;
	s20 =	sand.u32 @!p0 $0x380, s20  }
0x20: {  	s1 =	sand.u32 @!p0 $0xC00, s1;
	s0 =	sand.u32 @!p0 $0x4000, s0;
	s20 =	sor.u32 @!p0 s21, s20  }
0x21: {  	s21 =	sand.u32 @!p0 $0x7, s11;
	s1 =	sor.u32 @!p0 s1, s20;
	s20 =	sadd.s32 @!p0 s4, s22  }
0x22: {  	s21 =	sshll.u32 @!p0 s21, $0x12;
	s1 =	sshrl.u32 @!p0 s1, $0x3;
	s20 =	sadd.s32 @!p0 s23, s20  }
0x23: {  	s1 =	sadd.s32 @!p0 s1, s20;
	s20 =	sor.u32 @!p0 $0x800, s21;
	s21 =	simm.s32 @!p0 $0x1000  }
0x24: {  	[tilespmem:s0], [sflag:$0x1] =	stream.strided.gather @!p0 [hbm4b:s1+s20], $0x4000, s21, s20, $0x38;
	[tilespmem:$0x10000] =	vst v63  }
0x25: {  	p0 =	sge.u32 s31, s7  }
.Ltmp2:
0x26: {  	_ = 	snop;
	(pc) =	sbr.rel @p0 .LBB1_7-.Ltmp2, $1  }
0x27: {  	_ =	sdelay $0x3  }
0x28: {  	s0 =	sshll.u32 s10, $0x2;
	_ =	swait.ge [sflag:s6], $0x4000;
	s1 =	sshll.u32 s15, $0xE  }
0x29: {  	p0 =	por $0x0, $0x0;
	s26 =	simm.s32 $0x0;
	s27 =	simm.s32 $0x0  }
0x2a: {  	s0 =	sand.u32 $0x10000, s0;
	[sflag:s6] =	ssyncset.done $0x0;
	s23 =	sand.u32 $0x4000, s1  }
0x2b: {  	s0 =	sshrl.u32 s0, $0x2;
	[sflag:s6] =	ssyncadd.s32 $0xFFFFC000;
	s20 =	sor.u32 $0x8000, s23  }
0x2c: {  	s21 =	sor.u32 $0x40, s0;
	s22 =	sor.u32 $0x8410, s0;
	s24 =	sadd.s32 $0x8400, s0  }
.LBB1_3:
0x2d: {  	v1 =	vld [tilespmem:s21+$0xFFFFFFD0]  }
0x2e: {  	v2 =	vld [tilespmem:s21+$0x430]  }
0x2f: {  	s0 =	sshll.u32 s27, $0xB;
	v4 =	vld [tilespmem:s21+$0xFFFFFFE0]  }
0x30: {  	v7 =	vld [tilespmem:s21+$0xFFFFFFF0];
	v0 =	vmov s0  }
0x31: {  	v8 =	vld [tilespmem:s21+$0x0]  }
0x32: {  	v9 =	vld [tilespmem:s21+$0x10];
	s0 =	sand.u32 $0x300, s25  }
0x33: {  	s1 =	sand.u32 $0x80, s25;
	v10 =	vld [tilespmem:s21+$0x20];
	s0 =	sadd.s32 s0, s23  }
0x34: {  	v11 =	vld [tilespmem:s21+$0x30];
	s0 =	sadd.s32 s1, s0;
	s1 =	simm.s32 $0x1;
	[tilespmem:s22+$0x60] =	vst v2  }
0x35: {  	s1 =	simm.s32 @!p0 $0x0;
	[tilespmem:s22+$0xFFFFFC00] =	vst v1;
	v3 =	vld.idx.msk [tilespmem:v0+s0+$0x400 ss:$0x1], $0xffff;
	s0 =	sshll.u32 s26, $0x2  }
0x36: {  	v6 =	vld [tilespmem:s21+$0x3D0];
	s1 =	sshll.u32 s1, $0x9;
	[tilespmem:s22+$0xFFFFFC10] =	vst v4;
	s0 =	sand.u32 $0xFFFFFC00, s0  }
0x37: {  	v5 =	vld [tilespmem:s21+$0x3E0];
	[tilespmem:s22+$0xFFFFFC20] =	vst v7;
	s0 =	sor.u32 s1, s0  }
0x38: {  	[tilespmem:s22+$0xFFFFFC30] =	vst v8;
	v4 =	vld [tilespmem:s21+$0x400];
	s0 =	sshrl.u32 s0, $0x2  }
0x39: {  	[tilespmem:s22+$0xFFFFFC40] =	vst v9;
	v1 =	vld [tilespmem:s21+$0x410];
	s28 =	sadd.s32 s0, s24  }
0x3a: {  	[tilespmem:s28+$0x0] =	vst v3;
	v3 =	vld [tilespmem:s21+$0x3F0]  }
0x3b: {  	s31 =	simm.s32 $0x100;
	[tilespmem:s22+$0xFFFFFC50] =	vst v10;
	v2 =	vld [tilespmem:s21+$0x420];
	s1 =	simm.s32 $0x80  }
0x3c: {  	s29 =	sadd.s32 $0x80, s21;
	s30 =	smov.u32 s22;
	v7 =	vld [tilespmem:s21+$0xFFFFFFC0];
	[tilespmem:s22+$0xFFFFFC60] =	vst v11;
	s0 =	sand.u32 $0x300, s1  }
.LBB1_4:
0x3d: {  	p1 =	sne.s32 s31, $0x380;
	v8 =	vld [tilespmem:s29+$0xFFFFFFD0];
	s1 =	sand.u32 $0x80, s1;
	s0 =	sadd.s32 s0, s23;
	[tilespmem:s30+$0x0] =	vst v6  }
0x3e: {  	s0 =	sadd.s32 s1, s0;
	v6 =	vld [tilespmem:s29+$0x430];
	[tilespmem:s30+$0x10] =	vst v5;
	s1 =	smov.u32 s31  }
0x3f: {  	v5 =	vld.idx.msk [tilespmem:v0+s0+$0x400 ss:$0x1], $0xffff;
	[tilespmem:s30+$0x20] =	vst v3  }
0x40: {  	v3 =	vld [tilespmem:s29+$0xFFFFFFE0];
	[tilespmem:s30+$0x30] =	vst v4  }
0x41: {  	v4 =	vld [tilespmem:s29+$0xFFFFFFF0];
	[tilespmem:s30+$0xFFFFFBF0] =	vst v7  }
0x42: {  	v7 =	vld [tilespmem:s29+$0x0];
	[tilespmem:s30+$0x40] =	vst v1  }
0x43: {  	v1 =	vld [tilespmem:s29+$0x10];
	[tilespmem:s30+$0x50] =	vst v2;
	s30 =	sadd.s32 $0x800, s30  }
0x44: {  	s28 =	sadd.s32 $0x800, s28;
	v2 =	vld [tilespmem:s29+$0x20];
	[tilespmem:s30+$0x60] =	vst v6  }
0x45: {  	v9 =	vld [tilespmem:s29+$0x30];
	[tilespmem:s28+$0x0] =	vst v5  }
0x46: {  	[tilespmem:s30+$0xFFFFFC00] =	vst v8;
	v6 =	vld [tilespmem:s29+$0x3D0]  }
0x47: {  	[tilespmem:s30+$0xFFFFFC10] =	vst v3;
	v5 =	vld [tilespmem:s29+$0x3E0]  }
.Ltmp3:
0x48: {  	[tilespmem:s30+$0xFFFFFC20] =	vst v4;
	v3 =	vld [tilespmem:s29+$0x3F0];
	(pc) =	sbr.rel @p1 .LBB1_4-.Ltmp3, $4  }
0x49: {  	[tilespmem:s30+$0xFFFFFC30] =	vst v7;
	v4 =	vld [tilespmem:s29+$0x400]  }
0x4a: {  	[tilespmem:s30+$0xFFFFFC40] =	vst v1;
	v1 =	vld [tilespmem:s29+$0x410]  }
0x4b: {  	[tilespmem:s30+$0xFFFFFC50] =	vst v2;
	v2 =	vld [tilespmem:s29+$0x420]  }
0x4c: {  	s31 =	sadd.s32 $0x80, s31;
	s0 =	sand.u32 $0x300, s1;
	v7 =	vld [tilespmem:s29+$0xFFFFFFC0];
	[tilespmem:s30+$0xFFFFFC60] =	vst v9;
	s29 =	sadd.s32 $0x80, s29  }
0x4d: {  	[tilespmem:s30+$0x0] =	vst v6  }
0x4e: {  	[tilespmem:s30+$0x10] =	vst v5  }
0x4f: {  	v49 =	vld [tilespmem:s29+$0x430];
	[tilespmem:s30+$0x20] =	vst v3  }
0x50: {  	v50 =	vld [tilespmem:s29+$0xFFFFFFD0];
	[tilespmem:s30+$0x30] =	vst v4  }
0x51: {  	v51 =	vld [tilespmem:s29+$0xFFFFFFE0];
	[tilespmem:s30+$0x40] =	vst v1  }
0x52: {  	v52 =	vld [tilespmem:s29+$0xFFFFFFF0];
	[tilespmem:s30+$0x50] =	vst v2  }
0x53: {  	v53 =	vld [tilespmem:s29+$0x0];
	[tilespmem:s30+$0xFFFFFBF0] =	vst v7;
	s30 =	sadd.s32 $0x800, s30  }
0x54: {  	v54 =	vld [tilespmem:s29+$0x10];
	[tilespmem:s30+$0x60] =	vst v49  }
0x55: {  	v55 =	vld [tilespmem:s29+$0x20];
	[tilespmem:s30+$0xFFFFFC00] =	vst v50  }
0x56: {  	v56 =	vld [tilespmem:s29+$0x30];
	[tilespmem:s30+$0xFFFFFC10] =	vst v51  }
0x57: {  	v57 =	vld [tilespmem:s29+$0x3D0];
	[tilespmem:s30+$0xFFFFFC20] =	vst v52  }
0x58: {  	v58 =	vld [tilespmem:s29+$0x3E0];
	[tilespmem:s30+$0xFFFFFC30] =	vst v53  }
0x59: {  	v59 =	vld [tilespmem:s29+$0x3F0];
	[tilespmem:s30+$0xFFFFFC40] =	vst v54  }
0x5a: {  	v60 =	vld [tilespmem:s29+$0x400];
	[tilespmem:s30+$0xFFFFFC50] =	vst v55  }
0x5b: {  	v61 =	vld [tilespmem:s29+$0xFFFFFFC0];
	[tilespmem:s30+$0xFFFFFC60] =	vst v56  }
0x5c: {  	s1 =	sand.u32 $0x80, s1;
	s0 =	sadd.s32 s0, s23;
	v62 =	vld [tilespmem:s29+$0x410];
	[tilespmem:s30+$0x0] =	vst v57  }
0x5d: {  	v63 =	vld [tilespmem:s29+$0x420];
	s27 =	sadd.s32 $0x1, s27;
	s0 =	sadd.s32 s1, s0;
	[tilespmem:s30+$0x10] =	vst v58  }
0x5e: {  	p1 =	sne.s32 s27, $0x8;
	v0 =	vld.idx.msk [tilespmem:v0+s0+$0x400 ss:$0x1], $0xffff;
	[tilespmem:s30+$0x20] =	vst v59  }
.Ltmp4:
0x5f: {  	[tilespmem:s30+$0x30] =	vst v60;
	(pc) =	sbr.rel @p1 .LBB1_3-.Ltmp4, $4  }
0x60: {  	[tilespmem:s30+$0xFFFFFBF0] =	vst v61  }
0x61: {  	[tilespmem:s30+$0x40] =	vst v62  }
0x62: {  	s31 =	sadd.s32 $0x800, s28;
	s21 =	sadd.s32 $0x800, s21;
	[tilespmem:s30+$0x50] =	vst v63  }
0x63: {  	s26 =	sadd.s32 $0x80, s26;
	p0 =	por !p0, !p0;
	s22 =	sadd.s32 $0x80, s22;
	[tilespmem:s31+$0x0] =	vst v0  }
0x64: {  	s0 =	sand.u32 $0x78, s16  }
0x65: {  	s1 =	sshll.u32 s19, $0x9;
	s21 =	sshll.u32 s16, $0x3;
	s28 =	sshll.u32 s19, $0x7  }
0x66: {  	s18 =	sshll.u32 s18, $0x12;
	s17 =	sshll.u32 s17, $0xF;
	s30 =	sand.u32 $0x7, s16  }
0x67: {  	s1 =	sand.u32 $0x3F000, s1;
	s21 =	sand.u32 $0x3FC00, s21;
	s29 =	sand.u32 $0x200, s28  }
0x68: {  	s19 =	sand.u32 $0x180, s28;
	s18 =	sadd.s32 s2, s18;
	s1 =	sadd.s32 s1, s21  }
.Ltmp5:
0x69: {  	s0 =	sor.u32 s19, s0;
	s1 =	sor.u32 s29, s1;
	(pc) =	sbr.rel .LBB1_7-.Ltmp5, $4  }
0x6a: {  	s17 =	sadd.s32 s17, s18;
	s0 =	sshrl.u32 s0, $0x3;
	s1 =	sshrl.u32 s1, $0x3  }
0x6b: {  	s16 =	sshll.u32 s30, $0x12;
	s0 =	sadd.s32 s0, s17;
	s1 =	sand.u32 $0x7FC0, s1  }
0x6c: {  	s31 =	sor.u32 $0x800, s16;
	s0 =	sadd.s32 s1, s0  }
0x6d: {  	[hbm4b:s0+s31] =	stream.strided.scatter [tilespmem:s20], [sflag:$0x2], $0x4000, s9, s31, $0x38;
	[tilespmem:$0x10000] =	vst v63  }
.LBB1_8:
0x6e: {  	_ =	sfence.sel $0x180000  }
0x6f: {  	s0 =	simm.s32 $0x1;
	[bflag:$0x0] =	sbarrier.arrive $0xFFFF  }
0x70: {  	s30 =	simm.s32 $0x2;
	[sflag:s0] =	ssyncpa.u1 $0x1  }
0x71: {  	[sflag:s30] =	ssyncpa.u1 $0x1  }
0x72: {  	_ =	strace $0x9000004D  }
0x73: {  	s31 =	stileid.u32;
	[bflag:$0x2] =	sbarrier.arrive $0xFFFF  }
0x74: {  	p0 =	sne.s32 s31, $0x0;
	s0 =	rddreg [dreg:$0x2]  }
0x75: {  	s0 =	sadd.s32 @!p0 $0x100000, s0  }
0x76: {  	[sflag:s0] =	ssyncadd.tile.s32 @!p0 $0x1;
	_ =	shalt  }
.Lfunc_end1:
_tile_overlayer_lowered:
.L_overlay_start_2:
0x77: {  	(tag) =	ssettag $0x2  }
0x78: {  	s0 =	rddreg [dreg:$0x0];
	s2 =	stileid.u32  }
0x79: {  	s1 =	rddreg [dreg:$0x1];
	p0 =	sne.s32 s2, $0x0  }
0x7a: {  	s3 =	rddreg [dreg:$0x2];
	[bflag:$0x3] =	sbarrier.arrive $0xFFFF;
	s2 =	simm.s32 @!p0 $0x1C01  }
0x7b: {  	[timem:s3], [sflag:s2] =	dma.local @!p0 [hbm:s0], s1  }
0x7c: {  	s0 =	simm.s32 @!p0 $0x1  }
0x7d: {  	_ =	swait.ge @!p0 [sflag:s0], s1  }
0x7e: {  	s1 =	ssub.s32 @!p0 $0x0, s1;
	[sflag:s0] =	ssyncset.done @!p0 $0x0  }
0x7f: {  	[sflag:s0] =	ssyncadd.s32 @!p0 s1  }
0x80: {  	[bflag:$0x3] =	sbarrier.arrive $0xFFFF  }
0x81: {  	_ =	shalt  }

// kernel: sparse-core-data-format-call.cloned.1.call-start
scs
called_computation_lowered:
.L_overlay_start_0:
0x0: {  	s2 =	sld [smem:$0x3FD9]  }
0x1: {  	s3 =	sld [smem:$0x3FFE];
	_ =	sdelay $0x1  }
0x2: {  	s1 =	srdreg.scid  }
0x3: {  	s0 =	sand.u32 $0x1, s1  }
0x4: {  	s15 =	sshll.u32 s0, $0xA;
	s2 =	sadd.s32 s3, s2  }
0x5: {  	s2 =	sadd.s32 s2, s15  }
0x6: {  	[smem:$0x3FC3] =	sst s2  }
0x7: {  	_ = 	snop  }
0x8: {  	s2 =	sld [smem:$0x3FD0];
	_ =	sdelay $0x2  }
0x9: {  	s16 =	simm.s32 $0xB;
	s4 =	simm.s32 $0x10  }
0xa: {  	[smem:s4], [sflag:s16] =	dma.local [hbm:s2], $0x1  }
0xb: {  	_ =	swait.eq [sflag:s16], $0x1  }
0xc: {  	[sflag:s16] =	ssyncset.done $0x0  }
0xd: {  	[sflag:s16] =	ssyncadd.s32 $0xFFFFFFFF  }
0xe: {  	s17 =	sld [smem:$0x11];
	(tm) =	ssettm $0x1  }
0xf: {  	s18 =	sld [smem:$0x3FFB];
	_ =	sdelay $0x3  }
0x10: {  	_ =	strace s18  }
0x11: {  	s3 =	sld [smem:$0x3FFC];
	_ =	sdelay $0x3  }
0x12: {  	_ =	strace s3  }
0x13: {  	s3 =	sld [smem:$0x3FFD];
	_ =	sdelay $0x3  }
0x14: {  	_ =	strace s3  }
0x15: {  	_ =	strace $0x8FFFFFFF  }
0x16: {  	s19 =	sld [smem:$0x3FDB];
	_ =	sdelay $0x1  }
0x17: {  	s20 =	simm.s32 $_scs_section_size  }
0x18: {  	s5 =	simm.s32 $_size__tile_overlayer_lowered;
	s6 =	simm.s32 $_tile_overlayer_lowered  }
0x19: {  	s23 =	simm.s32 $0x1BFF;
	s22 =	sshll.u32 s6, $0x1;
	s3 =	sadd.s32 s20, s19  }
0x1a: {  	s7 =	simm.s32 $0x0;
	s21 =	sshll.u32 s5, $0x1;
	s5 =	sadd.s32 s22, s3  }
0x1b: {  	[timem:s7], [sflag:s23] =	dma.local [hbm:s5], s21  }
0x1c: {  	_ =	swait.ge [sflag:s23], s21  }
0x1d: {  	s4 =	ssub.s32 $0x0, s21;
	[sflag:s23] =	ssyncset.done $0x0  }
0x1e: {  	[sflag:s23] =	ssyncadd.s32 s4;
	_ =	sdelay $0x1  }
0x1f: {  	s24 =	simm.s32 $0x1B8B  }
0x20: {  	_ =	swait.ge [sflag:s24], $0x1  }
0x21: {  	[sflag:s24] =	ssyncset.done $0x0  }
0x22: {  	s26 =	simm.s32 $0x1B8E;
	s25 =	sld [smem:$0x3FFE];
	[sflag:s24] =	ssyncadd.s32 $0xFFFFFFFF  }
0x23: {  	s27 =	simm.s32 $execute0_lowered;
	[smem:$0x3FD2] =	sst s26  }
0x24: {  	s5 =	sshll.u32 s27, $0x1;
	_ =	strace $0x80000049;
	[dreg:$0x1] =	wrdreg $0xFFFFFFFF  }
0x25: {  	s28 =	simm.s32 $_size_execute0_lowered;
	s3 =	sadd.s32 s3, s5;
	[dreg:$0x0] =	wrdreg $0x0  }
0x26: {  	s5 =	sshll.u32 s28, $0x1;
	[dreg:$0x2] =	wrdreg s3  }
0x27: {  	[dreg:$0x3] =	wrdreg s5  }
0x28: {  	[dreg:$0x4] =	wrdreg $0xC0  }
0x29: {  	_ =	task [dreg:s7], $0x5FFFF  }
0x2a: {  	[dreg:$0x1] =	wrdreg $0xFFFFFFFF  }
0x2b: {  	[dreg:$0x0] =	wrdreg $0x60  }
0x2c: {  	[dreg:$0x2] =	wrdreg s25  }
0x2d: {  	[dreg:$0x3] =	wrdreg s17  }
0x2e: {  	[dreg:$0x4] =	wrdreg $0x9  }
0x2f: {  	_ =	task.clear_ibuf [dreg:s7], $0x5FFFF;
	_ =	strace $0x90000049  }
0x30: {  	s29 =	simm.s32 $0x9;
	_ =	strace $0x8000004B  }
0x31: {  	_ =	swait.ge [sflag:s29], $0x1  }
0x32: {  	[sflag:s29] =	ssyncadd.s32 $0xFFFFFFFF  }
0x33: {  	_ =	strace $0x9000004B  }
0x34: {  	_ =	sfence  }
0x35: {  	s30 =	sld [smem:$0x0];
	_ =	sdelay $0x2  }
0x36: {  	s31 =	sshll.u32 s1, $0xD;
	s1 =	sshrl.u32 s1, $0x2  }
0x37: {  	s3 =	sand.u32 $0x4000, s31;
	s1 =	sadd.s32 s1, s30  }
0x38: {  	s0 =	sor.u32 s3, s0;
	s1 =	sshll.u32 s1, $0x11  }
0x39: {  	s0 =	sor.u32 s1, s0  }
0x3a: {  	s0 =	sadd.s32 $0x8F2B, s0  }
0x3b: {  	[sflag:s0] =	ssyncadd.remote.s32 $0x1  }
0x3c: {  	_ =	sfence.sel $0xFFFF  }
0x3d: {  	[dreg:$0x0] =	wrdreg $0xFFFFFFFF;
	(pc) =	sbr.abs _section_cstart, $3  }
0x3e: {  	[dreg:$0x1] =	wrdreg $0xFFFFFFFF  }
0x3f: {  	_ =	task.clear_ibuf [dreg:s7], $0x2FFFF;
	_ =	strace $0x9FFFFFFF  }
0x40: {  	(tm) =	ssettm $0x7FFFFFFF  }
0x41: {  	_ =	shalt  }
tec
execute0_lowered:
.L_overlay_start_1:
0x0: {  	(tag) =	ssettag $0x1  }
0x1: {  	s5 =	stileid.u32;
	s4 =	rddreg [dreg:$0x0]  }
0x2: {  	s0 =	srdreg.scid;
	s2 =	rddreg [dreg:$0x1]  }
0x3: {  	_ =	strace $0x8000004A;
	s6 =	simm.s32 $0x1;
	s7 =	simm.s32 $0x2  }
0x4: {  	s16 =	simm.s32 $0x0;
	s9 =	simm.s32 $0x40000;
	s10 =	simm.s32 $0x0  }
0x5: {  	s17 =	simm.s32 $0x0;
	s1 =	sshll.u32 s5, $0x1;
	s0 =	sshll.u32 s0, $0x5  }
0x6: {  	s19 =	simm.s32 $0x0;
	s18 =	simm.s32 $0x0;
	s0 =	sor.u32 s1, s0  }
0x7: {  	s11 =	simm.s32 $0x0;
	s12 =	simm.s32 $0x0;
	s3 =	sand.u32 $0x38, s0  }
0x8: {  	s15 =	simm.s32 $0x0;
	s25 =	simm.s32 $0x0;
	s0 =	ssub.s32 $0x200, s3  }
.Ltmp0:
0x9: {  	s4 =	sadd.s32 $0x1000, s4;
	s31 =	sand.u32 $0x38, s0;
	(pc) =	sbr.rel .LBB1_1-.Ltmp0, $4  }
0xa: {  	s5 =	sand.u32 $0x3, s5;
	s1 =	simm.s32 $0x1;
	p0 =	sne.s32 s31, $0x0  }
0xb: {  	[sflag:s6] =	ssyncpa.u1 $0x0;
	s0 =	sshrl.u32 s0, $0x6;
	s1 =	simm.s32 @!p0 $0x0  }
0xc: {  	[sflag:s7] =	ssyncpa.u1 $0x0;
	s14 =	smov.u32 s5;
	s0 =	sadd.s32 s1, s0  }
0xd: {  	s13 =	smov.u32 s3;
	s7 =	sshll.u32 s0, $0x1;
	s8 =	sshllo.u32 s0, $0x1  }
.LBB1_7:
0xe: {  	s0 =	sadd.s32 $0x100, s11  }
0xf: {  	s1 =	sadd.s32 $0x8, s12;
	s20 =	smov.u32 s12;
	p1 =	sgt.s32 s0, $0x1FF  }
0x10: {  	s20 =	smov.u32 @p1 s1  }
0x11: {  	s21 =	smov.u32 s13;
	s1 =	sadd.s32 $0x40, s13;
	p2 =	sgt.s32 s20, $0x7  }
0x12: {  	s21 =	smov.u32 @p2 s1  }
0x13: {  	s22 =	smov.u32 s14;
	s1 =	sadd.s32 $0x4, s14;
	p3 =	sgt.s32 s21, $0x1FF  }
0x14: {  	p0 =	slt.u32 s15, $0x2;
	s22 =	smov.u32 @p3 s1  }
0x15: {  	s16 =	smov.u32 s11;
	s0 =	simm.s32 @p1 $0x0;
	p1 =	sgt.s32 s22, $0x3  }
0x16: {  	s17 =	smov.u32 s12;
	s22 =	smov.u32 @p1 s5;
	p1 =	sne.s32 s15, s8  }
.Ltmp1:
0x17: {  	s19 =	smov.u32 s13;
	s18 =	smov.u32 s14;
	(pc) =	sbr.rel @!p1 .LBB1_8-.Ltmp1, $4  }
0x18: {  	s10 =	sadd.s32 $0x4000, s10;
	s11 =	smov.u32 s0;
	s1 =	simm.s32 @!p0 $0x2  }
0x19: {  	s20 =	simm.s32 @p2 $0x0;
	s21 =	smov.u32 @p3 s3;
	_ =	swait.ge @!p0 [sflag:s1], $0x4000  }
0x1a: {  	s12 =	smov.u32 s20;
	s13 =	smov.u32 s21;
	[sflag:s1] =	ssyncset.done @!p0 $0x0  }
0x1b: {  	s15 =	sadd.s32 $0x1, s15;
	[sflag:s1] =	ssyncadd.s32 @!p0 $0xFFFFC000;
	s14 =	smov.u32 s22  }
.LBB1_1:
0x1c: {  	p0 =	sge.u32 s15, s7  }
0x1d: {  	s31 =	sadd.s32 $0xFFFFFFFF, s15;
	s0 =	sxor.u32 @!p0 $0xFFFFFFFF, s15;
	s1 =	sshll.u32 @!p0 s11, $0x3  }
0x1e: {  	s20 =	sshll.u32 @!p0 s12, $0x7;
	s21 =	sand.u32 @!p0 $0x78, s11;
	s22 =	sshll.u32 @!p0 s14, $0x12  }
0x1f: {  	s23 =	sshll.u32 @!p0 s13, $0x9;
	s0 =	sshll.u32 @!p0 s0, $0xE;
	s20 =	sand.u32 @!p0 $0x380, s20  }
0x20: {  	s1 =	sand.u32 @!p0 $0xC00, s1;
	s0 =	sand.u32 @!p0 $0x4000, s0;
	s20 =	sor.u32 @!p0 s21, s20  }
0x21: {  	s21 =	sand.u32 @!p0 $0x7, s11;
	s1 =	sor.u32 @!p0 s1, s20;
	s20 =	sadd.s32 @!p0 s4, s22  }
0x22: {  	s21 =	sshll.u32 @!p0 s21, $0x12;
	s1 =	sshrl.u32 @!p0 s1, $0x3;
	s20 =	sadd.s32 @!p0 s23, s20  }
0x23: {  	s1 =	sadd.s32 @!p0 s1, s20;
	s20 =	sor.u32 @!p0 $0x800, s21;
	s21 =	simm.s32 @!p0 $0x1000  }
0x24: {  	[tilespmem:s0], [sflag:$0x1] =	stream.strided.gather @!p0 [hbm4b:s1+s20], $0x4000, s21, s20, $0x38;
	[tilespmem:$0x10000] =	vst v63  }
0x25: {  	p0 =	sge.u32 s31, s7  }
.Ltmp2:
0x26: {  	_ = 	snop;
	(pc) =	sbr.rel @p0 .LBB1_7-.Ltmp2, $1  }
0x27: {  	_ =	sdelay $0x3  }
0x28: {  	s0 =	sshll.u32 s10, $0x2;
	_ =	swait.ge [sflag:s6], $0x4000;
	s1 =	sshll.u32 s15, $0xE  }
0x29: {  	p0 =	por $0x0, $0x0;
	s26 =	simm.s32 $0x0;
	s27 =	simm.s32 $0x0  }
0x2a: {  	s0 =	sand.u32 $0x10000, s0;
	[sflag:s6] =	ssyncset.done $0x0;
	s23 =	sand.u32 $0x4000, s1  }
0x2b: {  	s0 =	sshrl.u32 s0, $0x2;
	[sflag:s6] =	ssyncadd.s32 $0xFFFFC000;
	s20 =	sor.u32 $0x8000, s23  }
0x2c: {  	s21 =	sor.u32 $0x40, s0;
	s22 =	sor.u32 $0x8410, s0;
	s24 =	sadd.s32 $0x8400, s0  }
.LBB1_3:
0x2d: {  	v1 =	vld [tilespmem:s21+$0xFFFFFFD0]  }
0x2e: {  	v2 =	vld [tilespmem:s21+$0x430]  }
0x2f: {  	s0 =	sshll.u32 s27, $0xB;
	v4 =	vld [tilespmem:s21+$0xFFFFFFE0]  }
0x30: {  	v7 =	vld [tilespmem:s21+$0xFFFFFFF0];
	v0 =	vmov s0  }
0x31: {  	v8 =	vld [tilespmem:s21+$0x0]  }
0x32: {  	v9 =	vld [tilespmem:s21+$0x10];
	s0 =	sand.u32 $0x300, s25  }
0x33: {  	s1 =	sand.u32 $0x80, s25;
	v10 =	vld [tilespmem:s21+$0x20];
	s0 =	sadd.s32 s0, s23  }
0x34: {  	v11 =	vld [tilespmem:s21+$0x30];
	s0 =	sadd.s32 s1, s0;
	s1 =	simm.s32 $0x1;
	[tilespmem:s22+$0x60] =	vst v2  }
0x35: {  	s1 =	simm.s32 @!p0 $0x0;
	[tilespmem:s22+$0xFFFFFC00] =	vst v1;
	v3 =	vld.idx.msk [tilespmem:v0+s0+$0x400 ss:$0x1], $0xffff;
	s0 =	sshll.u32 s26, $0x2  }
0x36: {  	v6 =	vld [tilespmem:s21+$0x3D0];
	s1 =	sshll.u32 s1, $0x9;
	[tilespmem:s22+$0xFFFFFC10] =	vst v4;
	s0 =	sand.u32 $0xFFFFFC00, s0  }
0x37: {  	v5 =	vld [tilespmem:s21+$0x3E0];
	[tilespmem:s22+$0xFFFFFC20] =	vst v7;
	s0 =	sor.u32 s1, s0  }
0x38: {  	[tilespmem:s22+$0xFFFFFC30] =	vst v8;
	v4 =	vld [tilespmem:s21+$0x400];
	s0 =	sshrl.u32 s0, $0x2  }
0x39: {  	[tilespmem:s22+$0xFFFFFC40] =	vst v9;
	v1 =	vld [tilespmem:s21+$0x410];
	s28 =	sadd.s32 s0, s24  }
0x3a: {  	[tilespmem:s28+$0x0] =	vst v3;
	v3 =	vld [tilespmem:s21+$0x3F0]  }
0x3b: {  	s31 =	simm.s32 $0x100;
	[tilespmem:s22+$0xFFFFFC50] =	vst v10;
	v2 =	vld [tilespmem:s21+$0x420];
	s1 =	simm.s32 $0x80  }
0x3c: {  	s29 =	sadd.s32 $0x80, s21;
	s30 =	smov.u32 s22;
	v7 =	vld [tilespmem:s21+$0xFFFFFFC0];
	[tilespmem:s22+$0xFFFFFC60] =	vst v11;
	s0 =	sand.u32 $0x300, s1  }
.LBB1_4:
0x3d: {  	p1 =	sne.s32 s31, $0x380;
	v8 =	vld [tilespmem:s29+$0xFFFFFFD0];
	s1 =	sand.u32 $0x80, s1;
	s0 =	sadd.s32 s0, s23;
	[tilespmem:s30+$0x0] =	vst v6  }
0x3e: {  	s0 =	sadd.s32 s1, s0;
	v6 =	vld [tilespmem:s29+$0x430];
	[tilespmem:s30+$0x10] =	vst v5;
	s1 =	smov.u32 s31  }
0x3f: {  	v5 =	vld.idx.msk [tilespmem:v0+s0+$0x400 ss:$0x1], $0xffff;
	[tilespmem:s30+$0x20] =	vst v3  }
0x40: {  	v3 =	vld [tilespmem:s29+$0xFFFFFFE0];
	[tilespmem:s30+$0x30] =	vst v4  }
0x41: {  	v4 =	vld [tilespmem:s29+$0xFFFFFFF0];
	[tilespmem:s30+$0xFFFFFBF0] =	vst v7  }
0x42: {  	v7 =	vld [tilespmem:s29+$0x0];
	[tilespmem:s30+$0x40] =	vst v1  }
0x43: {  	v1 =	vld [tilespmem:s29+$0x10];
	[tilespmem:s30+$0x50] =	vst v2;
	s30 =	sadd.s32 $0x800, s30  }
0x44: {  	s28 =	sadd.s32 $0x800, s28;
	v2 =	vld [tilespmem:s29+$0x20];
	[tilespmem:s30+$0x60] =	vst v6  }
0x45: {  	v9 =	vld [tilespmem:s29+$0x30];
	[tilespmem:s28+$0x0] =	vst v5  }
0x46: {  	[tilespmem:s30+$0xFFFFFC00] =	vst v8;
	v6 =	vld [tilespmem:s29+$0x3D0]  }
0x47: {  	[tilespmem:s30+$0xFFFFFC10] =	vst v3;
	v5 =	vld [tilespmem:s29+$0x3E0]  }
.Ltmp3:
0x48: {  	[tilespmem:s30+$0xFFFFFC20] =	vst v4;
	v3 =	vld [tilespmem:s29+$0x3F0];
	(pc) =	sbr.rel @p1 .LBB1_4-.Ltmp3, $4  }
0x49: {  	[tilespmem:s30+$0xFFFFFC30] =	vst v7;
	v4 =	vld [tilespmem:s29+$0x400]  }
0x4a: {  	[tilespmem:s30+$0xFFFFFC40] =	vst v1;
	v1 =	vld [tilespmem:s29+$0x410]  }
0x4b: {  	[tilespmem:s30+$0xFFFFFC50] =	vst v2;
	v2 =	vld [tilespmem:s29+$0x420]  }
0x4c: {  	s31 =	sadd.s32 $0x80, s31;
	s0 =	sand.u32 $0x300, s1;
	v7 =	vld [tilespmem:s29+$0xFFFFFFC0];
	[tilespmem:s30+$0xFFFFFC60] =	vst v9;
	s29 =	sadd.s32 $0x80, s29  }
0x4d: {  	[tilespmem:s30+$0x0] =	vst v6  }
0x4e: {  	[tilespmem:s30+$0x10] =	vst v5  }
0x4f: {  	v49 =	vld [tilespmem:s29+$0x430];
	[tilespmem:s30+$0x20] =	vst v3  }
0x50: {  	v50 =	vld [tilespmem:s29+$0xFFFFFFD0];
	[tilespmem:s30+$0x30] =	vst v4  }
0x51: {  	v51 =	vld [tilespmem:s29+$0xFFFFFFE0];
	[tilespmem:s30+$0x40] =	vst v1  }
0x52: {  	v52 =	vld [tilespmem:s29+$0xFFFFFFF0];
	[tilespmem:s30+$0x50] =	vst v2  }
0x53: {  	v53 =	vld [tilespmem:s29+$0x0];
	[tilespmem:s30+$0xFFFFFBF0] =	vst v7;
	s30 =	sadd.s32 $0x800, s30  }
0x54: {  	v54 =	vld [tilespmem:s29+$0x10];
	[tilespmem:s30+$0x60] =	vst v49  }
0x55: {  	v55 =	vld [tilespmem:s29+$0x20];
	[tilespmem:s30+$0xFFFFFC00] =	vst v50  }
0x56: {  	v56 =	vld [tilespmem:s29+$0x30];
	[tilespmem:s30+$0xFFFFFC10] =	vst v51  }
0x57: {  	v57 =	vld [tilespmem:s29+$0x3D0];
	[tilespmem:s30+$0xFFFFFC20] =	vst v52  }
0x58: {  	v58 =	vld [tilespmem:s29+$0x3E0];
	[tilespmem:s30+$0xFFFFFC30] =	vst v53  }
0x59: {  	v59 =	vld [tilespmem:s29+$0x3F0];
	[tilespmem:s30+$0xFFFFFC40] =	vst v54  }
0x5a: {  	v60 =	vld [tilespmem:s29+$0x400];
	[tilespmem:s30+$0xFFFFFC50] =	vst v55  }
0x5b: {  	v61 =	vld [tilespmem:s29+$0xFFFFFFC0];
	[tilespmem:s30+$0xFFFFFC60] =	vst v56  }
0x5c: {  	s1 =	sand.u32 $0x80, s1;
	s0 =	sadd.s32 s0, s23;
	v62 =	vld [tilespmem:s29+$0x410];
	[tilespmem:s30+$0x0] =	vst v57  }
0x5d: {  	v63 =	vld [tilespmem:s29+$0x420];
	s27 =	sadd.s32 $0x1, s27;
	s0 =	sadd.s32 s1, s0;
	[tilespmem:s30+$0x10] =	vst v58  }
0x5e: {  	p1 =	sne.s32 s27, $0x8;
	v0 =	vld.idx.msk [tilespmem:v0+s0+$0x400 ss:$0x1], $0xffff;
	[tilespmem:s30+$0x20] =	vst v59  }
.Ltmp4:
0x5f: {  	[tilespmem:s30+$0x30] =	vst v60;
	(pc) =	sbr.rel @p1 .LBB1_3-.Ltmp4, $4  }
0x60: {  	[tilespmem:s30+$0xFFFFFBF0] =	vst v61  }
0x61: {  	[tilespmem:s30+$0x40] =	vst v62  }
0x62: {  	s31 =	sadd.s32 $0x800, s28;
	s21 =	sadd.s32 $0x800, s21;
	[tilespmem:s30+$0x50] =	vst v63  }
0x63: {  	s26 =	sadd.s32 $0x80, s26;
	p0 =	por !p0, !p0;
	s22 =	sadd.s32 $0x80, s22;
	[tilespmem:s31+$0x0] =	vst v0  }
0x64: {  	s0 =	sand.u32 $0x78, s16  }
0x65: {  	s1 =	sshll.u32 s19, $0x9;
	s21 =	sshll.u32 s16, $0x3;
	s28 =	sshll.u32 s19, $0x7  }
0x66: {  	s18 =	sshll.u32 s18, $0x12;
	s17 =	sshll.u32 s17, $0xF;
	s30 =	sand.u32 $0x7, s16  }
0x67: {  	s1 =	sand.u32 $0x3F000, s1;
	s21 =	sand.u32 $0x3FC00, s21;
	s29 =	sand.u32 $0x200, s28  }
0x68: {  	s19 =	sand.u32 $0x180, s28;
	s18 =	sadd.s32 s2, s18;
	s1 =	sadd.s32 s1, s21  }
.Ltmp5:
0x69: {  	s0 =	sor.u32 s19, s0;
	s1 =	sor.u32 s29, s1;
	(pc) =	sbr.rel .LBB1_7-.Ltmp5, $4  }
0x6a: {  	s17 =	sadd.s32 s17, s18;
	s0 =	sshrl.u32 s0, $0x3;
	s1 =	sshrl.u32 s1, $0x3  }
0x6b: {  	s16 =	sshll.u32 s30, $0x12;
	s0 =	sadd.s32 s0, s17;
	s1 =	sand.u32 $0x7FC0, s1  }
0x6c: {  	s31 =	sor.u32 $0x800, s16;
	s0 =	sadd.s32 s1, s0  }
0x6d: {  	[hbm4b:s0+s31] =	stream.strided.scatter [tilespmem:s20], [sflag:$0x2], $0x4000, s9, s31, $0x38;
	[tilespmem:$0x10000] =	vst v63  }
.LBB1_8:
0x6e: {  	_ =	sfence.sel $0x180000  }
0x6f: {  	s0 =	simm.s32 $0x1;
	[bflag:$0x0] =	sbarrier.arrive $0xFFFF  }
0x70: {  	s30 =	simm.s32 $0x2;
	[sflag:s0] =	ssyncpa.u1 $0x1  }
0x71: {  	[sflag:s30] =	ssyncpa.u1 $0x1  }
0x72: {  	_ =	strace $0x9000004A  }
0x73: {  	s31 =	stileid.u32;
	[bflag:$0x2] =	sbarrier.arrive $0xFFFF  }
0x74: {  	p0 =	sne.s32 s31, $0x0;
	s0 =	rddreg [dreg:$0x2]  }
0x75: {  	s0 =	sadd.s32 @!p0 $0x100000, s0  }
0x76: {  	[sflag:s0] =	ssyncadd.tile.s32 @!p0 $0x1;
	_ =	shalt  }
.Lfunc_end1:
_tile_overlayer_lowered:
.L_overlay_start_2:
0x77: {  	(tag) =	ssettag $0x2  }
0x78: {  	s0 =	rddreg [dreg:$0x0];
	s2 =	stileid.u32  }
0x79: {  	s1 =	rddreg [dreg:$0x1];
	p0 =	sne.s32 s2, $0x0  }
0x7a: {  	s3 =	rddreg [dreg:$0x2];
	[bflag:$0x3] =	sbarrier.arrive $0xFFFF;
	s2 =	simm.s32 @!p0 $0x1C01  }
0x7b: {  	[timem:s3], [sflag:s2] =	dma.local @!p0 [hbm:s0], s1  }
0x7c: {  	s0 =	simm.s32 @!p0 $0x1  }
0x7d: {  	_ =	swait.ge @!p0 [sflag:s0], s1  }
0x7e: {  	s1 =	ssub.s32 @!p0 $0x0, s1;
	[sflag:s0] =	ssyncset.done @!p0 $0x0  }
0x7f: {  	[sflag:s0] =	ssyncadd.s32 @!p0 s1  }
0x80: {  	[bflag:$0x3] =	sbarrier.arrive $0xFFFF  }
0x81: {  	_ =	shalt  }

</sc_bundles>
